<compile_context>
chip_gen: v7x
topology: tpu7x:2x2x1
jax: 0.10.2.dev20260603
libtpu: 0.0.44.dev20260713+nightly
codegen_flags: <defaults>
</compile_context>

<pallas_src>
import dataclasses

import jax
import jax.numpy as jnp
from jax import lax
from jax.experimental import pallas as pl
from jax.experimental.pallas import tpu as pltpu
from jax.experimental.pallas import tpu_sc as plsc

NB = 16
MV = 4096
N = NB * 2048
KMAX = 0x1FFFFF
R1BITS = 11
R1N = 1 << R1BITS
R2N = 1 << (21 - R1BITS)
UNROLL = 128


def _spread3(v):
    v = (v | (v << 16)) & 0x030000FF
    v = (v | (v << 8)) & 0x0300F00F
    v = (v | (v << 4)) & 0x030C30C3
    v = (v | (v << 2)) & 0x09249249
    return v


def _compress21(m):
    return ((m & 0x7FFF)
            | ((m >> 1) & 0x18000)
            | ((m >> 2) & 0x60000)
            | ((m >> 3) & 0x180000))


def _batch_starts(b):
    bs = [jnp.int32(0)]
    for k in range(1, NB + 1):
        bs.append(jnp.sum((b < k).astype(jnp.int32)))
    return bs


def _codes_body(cols_ref, codes_ref, bs_ref):
    b = cols_ref[0]
    z = cols_ref[1]
    y = cols_ref[2]
    x = cols_ref[3]
    bs = _batch_starts(b)
    sz = _spread3(z)
    sy = _spread3(y)
    sx = _spread3(x)
    codes_ref[0] = _compress21(sz | (sy << 1) | (sx << 2))
    codes_ref[1] = _compress21(sz | (sx << 1) | (sy << 2))
    lane = lax.broadcasted_iota(jnp.int32, (8, 128), 1)
    acc = jnp.zeros((8, 128), jnp.int32)
    for k in range(NB + 1):
        acc = jnp.where(lane == k, bs[k], acc)
    bs_ref[...] = acc


def _maps_body(cols_ref, f2w_ref, w2f_ref, mask_ref):
    b = cols_ref[0]
    bs = _batch_starts(b)
    adj = jnp.zeros((256, 128), jnp.int32)
    for k in range(NB):
        adj = jnp.where(b == k, k * MV - bs[k], adj)
    row = lax.broadcasted_iota(jnp.int32, (256, 128), 0)
    col = lax.broadcasted_iota(jnp.int32, (256, 128), 1)
    w2f_ref[...] = row * 128 + col + adj
    lrow = lax.broadcasted_iota(jnp.int32, (32, 128), 0)
    lcol = lax.broadcasted_iota(jnp.int32, (32, 128), 1)
    off = lrow * 128 + lcol
    for k in range(NB):
        n = bs[k + 1] - bs[k]
        st = bs[k]
        period = 2 * n - 2
        t = jnp.maximum(off - n, 0)
        pf = period.astype(jnp.float32)
        q = jnp.floor(t.astype(jnp.float32) / pf).astype(jnp.int32)
        r = t - q * period
        q = q + jnp.where(r >= period, 1, 0) - jnp.where(r < 0, 1, 0)
        m = t - q * period
        mirror = jnp.where(m < n - 1, n - 2 - m, m - n + 2)
        f2w_ref[32 * k:32 * (k + 1), :] = st + jnp.where(off < n, off, mirror)
        mask_ref[32 * k:32 * (k + 1), :] = off >= n


def _sc_body(codes_hbm, bs_hbm, out_hbm,
             raw, keys_b, vals_b, vals_o, hist1, hist2, bs_v, dsem):
    c = lax.axis_index("c")
    s = lax.axis_index("s")
    pltpu.sync_copy(bs_hbm.at[0, pl.ds(0, 32)], bs_v)
    iota = lax.iota(jnp.int32, 16)
    v0 = bs_v[0:16]
    v1 = bs_v[16:32]
    zero = jnp.zeros((16,), jnp.int32)
    s_b = jnp.sum(jnp.where(iota == s, v0, zero))
    e_b = (jnp.sum(jnp.where(iota == s + 1, v0, zero))
           + jnp.sum(jnp.where(iota == s - 15, v1, zero)))
    n_b = e_b - s_b
    start = pl.multiple_of(jnp.minimum(s_b, N - MV), 8)
    lead = s_b - start
    codes_dma = pltpu.async_copy(
        codes_hbm.at[pl.ds(pl.multiple_of(c * N + start, 8), MV)], raw, dsem)

    def fixed_key(i):
        k = raw[pl.ds(i, 16)]
        g = start + i + iota
        k = jnp.where(g < s_b, 0, k)
        return jnp.where(g >= e_b, KMAX, k)

    @plsc.parallel_loop(0, R1N, step=16, unroll=4)
    def _(i):
        hist1[pl.ds(i, 16)] = zero

    @plsc.parallel_loop(0, R2N, step=16, unroll=4)
    def _(i):
        hist2[pl.ds(i, 16)] = zero

    codes_dma.wait()

    ones = jnp.ones((16,), jnp.int32)

    @plsc.parallel_loop(0, MV, step=16, unroll=8)
    def _(i):
        k = fixed_key(i)
        plsc.addupdate_scatter(hist1, [k & (R1N - 1)], ones)
        plsc.addupdate_scatter(hist2, [k >> R1BITS], ones)

    def _excl_scan(hist, nvec):
        @plsc.parallel_loop(0, nvec // 4, carry=jnp.int32(0))
        def _(jj, carry):
            base = jj * 64
            hs = [hist[pl.ds(base + 16 * t, 16)] for t in range(4)]
            css = [plsc.cumsum(h) for h in hs]
            tots = [jnp.sum(h) for h in hs]
            run = carry
            for t in range(4):
                hist[pl.ds(base + 16 * t, 16)] = css[t] - hs[t] + run
                run = run + tots[t]
            return run

    _excl_scan(hist1, R1N // 16)
    _excl_scan(hist2, R2N // 16)

    @pl.loop(0, MV, step=UNROLL)
    def _(i):
        ks, vs, ds, cnts, lasts = [], [], [], [], []
        for j in range(0, UNROLL, 16):
            k = fixed_key(i + j)
            ks.append(k)
            vs.append(start + (i + j) + iota)
            d1 = k & (R1N - 1)
            ds.append(d1)
            cnt, last = plsc.scan_count(d1)
            cnts.append(cnt)
            lasts.append(last)
        for t in range(UNROLL // 16):
            base = plsc.load_gather(hist1, [ds[t]])
            pos = base + cnts[t] - 1
            plsc.store_scatter(keys_b, [pos], ks[t])
            plsc.store_scatter(vals_b, [pos], vs[t])
            plsc.addupdate_scatter(hist1, [ds[t]], cnts[t], mask=lasts[t])

    @pl.loop(0, MV, step=UNROLL)
    def _(i):
        ks, vs, ds, cnts, lasts = [], [], [], [], []
        for j in range(0, UNROLL, 16):
            k = keys_b[pl.ds(i + j, 16)]
            vs.append(vals_b[pl.ds(i + j, 16)])
            d2 = k >> R1BITS
            ds.append(d2)
            cnt, last = plsc.scan_count(d2)
            cnts.append(cnt)
            lasts.append(last)
        for t in range(UNROLL // 16):
            base = plsc.load_gather(hist2, [ds[t]])
            pos = base + cnts[t] - 1
            plsc.store_scatter(vals_o, [pos], vs[t])
            plsc.addupdate_scatter(hist2, [ds[t]], cnts[t], mask=lasts[t])

    def wbody(t, carry):
        src = pl.multiple_of(lead + t * 128, 8)
        dst = pl.multiple_of(c * N + s_b + t * 128, 8)
        pltpu.async_copy(vals_o.at[pl.ds(src, 128)],
                         out_hbm.at[pl.ds(dst, 128)], dsem)
        return carry

    lax.fori_loop(0, n_b // 128, wbody, jnp.int32(0))

    def dbody(t, carry):
        src = pl.multiple_of(lead + t * 128, 8)
        dst = pl.multiple_of(c * N + s_b + t * 128, 8)
        pltpu.make_async_copy(vals_o.at[pl.ds(src, 128)],
                              out_hbm.at[pl.ds(dst, 128)], dsem).wait()
        return carry

    lax.fori_loop(0, n_b // 128, dbody, jnp.int32(0))


def _run_sc_sort(codes, bsgrid):
    mesh = plsc.VectorSubcoreMesh(core_axis_name="c", subcore_axis_name="s")
    cp = pltpu.CompilerParams()
    if "needs_layout_passes" in pltpu.CompilerParams.__dataclass_fields__:
        cp = dataclasses.replace(cp, needs_layout_passes=False)
    f = pl.kernel(
        _sc_body,
        out_type=jax.ShapeDtypeStruct((2 * N,), jnp.int32),
        mesh=mesh,
        scratch_types=[
            pltpu.VMEM((MV,), jnp.int32),
            pltpu.VMEM((MV,), jnp.int32),
            pltpu.VMEM((MV,), jnp.int32),
            pltpu.VMEM((MV,), jnp.int32),
            pltpu.VMEM((R1N,), jnp.int32),
            pltpu.VMEM((R2N,), jnp.int32),
            pltpu.VMEM((32,), jnp.int32),
            pltpu.SemaphoreType.DMA,
        ],
        compiler_params=cp,
    )
    return f(codes, bsgrid)


def kernel(coords, batch_size, max_voxels, sparse_shape):
    del batch_size, max_voxels, sparse_shape
    cols = coords.astype(jnp.int32).T.reshape(4, 256, 128)
    codes, bsgrid = pl.pallas_call(
        _codes_body,
        out_shape=[
            jax.ShapeDtypeStruct((2, 256, 128), jnp.int32),
            jax.ShapeDtypeStruct((8, 128), jnp.int32),
        ],
    )(cols)
    out = _run_sc_sort(codes.reshape(2 * N), bsgrid)
    f2w, w2f, mask2d = pl.pallas_call(
        _maps_body,
        out_shape=[
            jax.ShapeDtypeStruct((512, 128), jnp.int32),
            jax.ShapeDtypeStruct((256, 128), jnp.int32),
            jax.ShapeDtypeStruct((512, 128), jnp.bool_),
        ],
    )(cols)
    return (f2w.reshape(-1), w2f.reshape(-1), mask2d.reshape(-1),
            out[:N], out[N:])

# --- scband reference (transcript-rebuilt; emitter-appended) ---
"""Pipeline reference for scband-serialization-layer-33689723470058 (READ-ONLY COPY).

The authoritative reference and input builder live on the scoring server;
editing this copy changes nothing except your own understanding.
"""

import jax, jax.numpy as jnp
import numpy as np

DEPTH = 8
BATCH_SIZE = 16
MAX_VOXELS = 4096


def _z_order_code(spatial, depth):
    # spatial: [N, ndim] int32; interleave bits (Morton / z-order curve)
    N, ndim = spatial.shape
    code = jnp.zeros((N,), dtype=jnp.int32)
    for b in range(depth):
        for d in range(ndim):
            bit = (spatial[:, d] >> b) & 1
            code = code | (bit << (b * ndim + d))
    return code


def _serialize(coords, depth):
    # coords: [N, 1+ndim] with coords[:,0] = batch index
    batch_idx = coords[:, 0].astype(jnp.int32)
    spatial = coords[:, 1:].astype(jnp.int32)
    ndim = spatial.shape[1]
    code = _z_order_code(spatial, depth)
    full = batch_idx * (1 << (depth * ndim)) + code
    # coords -> position along the space-filling curve (sorted order)
    return jnp.argsort(full)


def setup_inputs(seed: int = 0) -> dict:
    key = jax.random.key(seed)
    k1, k2, k3 = jax.random.split(key, 3)
    # ragged per-batch counts, each >= 2 and <= MAX_VOXELS, summing to 32768
    counts = np.array([1024 + 128 * i for i in range(BATCH_SIZE)], dtype=np.int64)
    counts[-1] += 1024  # -> 3968, sum = 32768
    N = int(counts.sum())
    batch_col = jnp.asarray(np.repeat(np.arange(BATCH_SIZE), counts), dtype=jnp.int32)
    z = jax.random.randint(k1, (N,), 0, 32, dtype=jnp.int32)
    y = jax.random.randint(k2, (N,), 0, 256, dtype=jnp.int32)
    x = jax.random.randint(k3, (N,), 0, 256, dtype=jnp.int32)
    coords = jnp.stack([batch_col, z, y, x], axis=1)
    return {
        "coords": coords,
        "batch_size": BATCH_SIZE,
        "max_voxels": MAX_VOXELS,
        "sparse_shape": jnp.array([32, 256, 256], dtype=jnp.int32),
    }


def reference(coords, batch_size, max_voxels, sparse_shape):
    # --- flat2win / win2flat / mask (ragged -> padded mapping with reflect padding) ---
    N = coords.shape[0]
    batch = jnp.minimum(coords[:, 0].astype(jnp.int32), batch_size - 1)
    counts = jnp.zeros((BATCH_SIZE,), dtype=jnp.int32).at[batch].add(1)
    batch_start = jnp.concatenate(
        [jnp.zeros((1,), dtype=jnp.int32), jnp.cumsum(counts)]
    )
    total_padded = BATCH_SIZE * MAX_VOXELS
    idx = jnp.arange(total_padded, dtype=jnp.int32)
    win_b = idx // max_voxels
    offset = idx % max_voxels
    num_real = counts[win_b]
    start = batch_start[win_b]
    # reflect padding: base pattern has period 2*num_real - 2 (num_real >= 2)
    period = 2 * num_real - 2
    m = jnp.mod(offset - num_real, period)
    mirror = jnp.where(m < num_real - 1, num_real - 2 - m, m - num_real + 2)
    flat2win = start + jnp.where(offset < num_real, offset, mirror)
    mask = offset >= num_real
    win2flat = jnp.arange(N, dtype=jnp.int32) + batch * max_voxels - batch_start[batch]
    # --- space-filling-curve serialization orders ---
    z_order = _serialize(coords, DEPTH)
    coords_trans = coords[:, jnp.array([0, 1, 3, 2])]  # ndim==4 -> swap y/x
    z_trans_order = _serialize(coords_trans, DEPTH)
    return (
        flat2win,
        win2flat,
        mask,
        z_order,
        z_trans_order,
    )

if __name__ == "__main__":
    import jax
    _d = setup_inputs()
    print(jax.jit(kernel)(*tuple(_d.values())))

</pallas_src>

<mosaic_0001>
#map = affine_map<(d0, d1) -> (0)>
#map1 = affine_map<(d0, d1) -> (0, 0)>
module attributes {stable_mosaic.version = 14 : i64} {
  func.func @_sc_body(%arg0: i32, %arg1: i32, %arg2: memref<65536xi32, #tpu.memory_space<hbm>>, %arg3: memref<8x128xi32, #tpu.memory_space<hbm>>, %arg4: memref<65536xi32, #tpu.memory_space<hbm>>, %arg5: memref<4096xi32, #tpu.memory_space<vmem>>, %arg6: memref<4096xi32, #tpu.memory_space<vmem>>, %arg7: memref<4096xi32, #tpu.memory_space<vmem>>, %arg8: memref<4096xi32, #tpu.memory_space<vmem>>, %arg9: memref<2048xi32, #tpu.memory_space<vmem>>, %arg10: memref<1024xi32, #tpu.memory_space<vmem>>, %arg11: memref<32xi32, #tpu.memory_space<vmem>>, %arg12: memref<!tpu.dma_semaphore, #tpu.memory_space<semaphore_mem>>) attributes {dimension_semantics = [#tpu.dimension_semantics<core_parallel>, #tpu.dimension_semantics<subcore_parallel>], iteration_bounds = array<i64: 2, 16>, scalar_prefetch = 0 : i64, scratch_operands = 8 : i64, tpu.core_type = #tpu.core_type<sc_vector_subcore>, window_params = [{transform_indices = #map}, {transform_indices = #map1}, {transform_indices = #map}]} {
    %run_scoped3A = arith.constant 0 : i32
    "tpu.region"() ({
      %run_scoped3A_123 = tpu.sem_alloc : memref<!tpu.dma_semaphore, #tpu.memory_space<semaphore_mem>>
      %dma_start3A_124 = arith.constant 0 : i32
      %dma_start3A_125 = tpu.memref_slice %arg3[%run_scoped3A, %dma_start3A_124] : memref<8x128xi32, #tpu.memory_space<hbm>> -> memref<1x32xi32, #tpu.memory_space<hbm>>
      %dma_start3A_126 = tpu.memref_squeeze %dma_start3A_125 : memref<1x32xi32, #tpu.memory_space<hbm>> -> memref<32xi32, #tpu.memory_space<hbm>>
      %dma_start3A_127 = arith.constant 0 : i32
      %dma_start3A_128 = tpu.memref_slice %arg3[%run_scoped3A, %dma_start3A_127] : memref<8x128xi32, #tpu.memory_space<hbm>> -> memref<1x32xi32, #tpu.memory_space<hbm>>
      %dma_start3A_129 = tpu.memref_squeeze %dma_start3A_128 : memref<1x32xi32, #tpu.memory_space<hbm>> -> memref<32xi32, #tpu.memory_space<hbm>>
      tpu.enqueue_dma source(%dma_start3A_129 : memref<32xi32, #tpu.memory_space<hbm>>) target(%arg11 : memref<32xi32, #tpu.memory_space<vmem>>) target_semaphore(%run_scoped3A_123 : memref<!tpu.dma_semaphore, #tpu.memory_space<semaphore_mem>>)
      %dma_wait3A_130 = arith.constant 0 : i32
      %dma_wait3A_131 = tpu.memref_slice %arg3[%run_scoped3A, %dma_wait3A_130] : memref<8x128xi32, #tpu.memory_space<hbm>> -> memref<1x32xi32, #tpu.memory_space<hbm>>
      %dma_wait3A_132 = tpu.memref_squeeze %dma_wait3A_131 : memref<1x32xi32, #tpu.memory_space<hbm>> -> memref<32xi32, #tpu.memory_space<hbm>>
      %dma_wait3A_133 = arith.constant 0 : i32
      %dma_wait3A_134 = tpu.memref_slice %arg3[%run_scoped3A, %dma_wait3A_133] : memref<8x128xi32, #tpu.memory_space<hbm>> -> memref<1x32xi32, #tpu.memory_space<hbm>>
      %dma_wait3A_135 = tpu.memref_squeeze %dma_wait3A_134 : memref<1x32xi32, #tpu.memory_space<hbm>> -> memref<32xi32, #tpu.memory_space<hbm>>
      tpu.wait_dma2 semaphore(%run_scoped3A_123 : memref<!tpu.dma_semaphore, #tpu.memory_space<semaphore_mem>>) src(%dma_wait3A_135 : memref<32xi32, #tpu.memory_space<hbm>>) dst(%arg11 : memref<32xi32, #tpu.memory_space<vmem>>)
      tpu.yield
    }) : () -> ()
    %iota3A = tpu.iota {dimensions = array<i32: 0>} : vector<16xi32>
    %get3A = arith.constant 0 : index
    %get3A_0 = tpu.vector_load %arg11[%get3A] {strides = array<i32>} : memref<32xi32, #tpu.memory_space<vmem>>, vector<16xi32>,
    %get3A_1 = arith.constant 16 : index
    %get3A_2 = tpu.vector_load %arg11[%get3A_1] {strides = array<i32>} : memref<32xi32, #tpu.memory_space<vmem>>, vector<16xi32>,
    %broadcast_in_dim3A = arith.constant 0 : i32
    %broadcast_in_dim3A_3 = vector.broadcast %broadcast_in_dim3A : i32 to vector<16xi32>
    %eq3A = vector.broadcast %arg1 : i32 to vector<16xi32>
    %eq3A_4 = arith.cmpi eq, %iota3A, %eq3A : vector<16xi32>
    %select_n3A = arith.select %eq3A_4, %get3A_0, %broadcast_in_dim3A_3 : vector<16xi1>, vector<16xi32>
    %reduce_sum3A = arith.constant true
    %reduce_sum3A_5 = vector.broadcast %reduce_sum3A : i1 to vector<16xi1>
    %reduce_sum3A_6 = tpu.scan <sum>, %select_n3A masked %reduce_sum3A_5 : vector<16xi32>, vector<16xi1> -> vector<16xi32>
    %reduce_sum3A_7 = vector.extract %reduce_sum3A_6[15] : i32 from vector<16xi32>
    %add3A = arith.constant 1 : i32
    %add3A_8 = arith.addi %arg1, %add3A : i32
    %eq3A_9 = vector.broadcast %add3A_8 : i32 to vector<16xi32>
    %eq3A_10 = arith.cmpi eq, %iota3A, %eq3A_9 : vector<16xi32>
    %select_n3A_11 = arith.select %eq3A_10, %get3A_0, %broadcast_in_dim3A_3 : vector<16xi1>, vector<16xi32>
    %reduce_sum3A_12 = arith.constant true
    %reduce_sum3A_13 = vector.broadcast %reduce_sum3A_12 : i1 to vector<16xi1>
    %reduce_sum3A_14 = tpu.scan <sum>, %select_n3A_11 masked %reduce_sum3A_13 : vector<16xi32>, vector<16xi1> -> vector<16xi32>
    %reduce_sum3A_15 = vector.extract %reduce_sum3A_14[15] : i32 from vector<16xi32>
    %sub3A = arith.constant 15 : i32
    %sub3A_16 = arith.subi %arg1, %sub3A : i32
    %eq3A_17 = vector.broadcast %sub3A_16 : i32 to vector<16xi32>
    %eq3A_18 = arith.cmpi eq, %iota3A, %eq3A_17 : vector<16xi32>
    %select_n3A_19 = arith.select %eq3A_18, %get3A_2, %broadcast_in_dim3A_3 : vector<16xi1>, vector<16xi32>
    %reduce_sum3A_20 = arith.constant true
    %reduce_sum3A_21 = vector.broadcast %reduce_sum3A_20 : i1 to vector<16xi1>
    %reduce_sum3A_22 = tpu.scan <sum>, %select_n3A_19 masked %reduce_sum3A_21 : vector<16xi32>, vector<16xi1> -> vector<16xi32>
    %reduce_sum3A_23 = vector.extract %reduce_sum3A_22[15] : i32 from vector<16xi32>
    %add3A_24 = arith.addi %reduce_sum3A_15, %reduce_sum3A_23 : i32
    %sub3A_25 = arith.subi %add3A_24, %reduce_sum3A_7 : i32
    %min3A = arith.constant 28672 : i32
    %min3A_26 = arith.minsi %reduce_sum3A_7, %min3A : i32
    %multiple_of3A = tpu.assume_multiple %min3A_26, 8 : i32
    %sub3A_27 = arith.subi %reduce_sum3A_7, %multiple_of3A : i32
    %mul3A = arith.constant 32768 : i32
    %mul3A_28 = arith.muli %arg0, %mul3A : i32
    %add3A_29 = arith.addi %mul3A_28, %multiple_of3A : i32
    %multiple_of3A_30 = tpu.assume_multiple %add3A_29, 8 : i32
    %dma_start3A = tpu.memref_slice %arg2[%multiple_of3A_30] : memref<65536xi32, #tpu.memory_space<hbm>> -> memref<4096xi32, #tpu.memory_space<hbm>>
    %dma_start3A_31 = tpu.memref_slice %arg2[%multiple_of3A_30] : memref<65536xi32, #tpu.memory_space<hbm>> -> memref<4096xi32, #tpu.memory_space<hbm>>
    tpu.enqueue_dma source(%dma_start3A_31 : memref<4096xi32, #tpu.memory_space<hbm>>) target(%arg5 : memref<4096xi32, #tpu.memory_space<vmem>>) target_semaphore(%arg12 : memref<!tpu.dma_semaphore, #tpu.memory_space<semaphore_mem>>)
    %parallel_loop3A = arith.constant 0 : i32
    %parallel_loop3A_32 = arith.constant 2048 : i32
    %parallel_loop3A_33 = arith.constant 16 : i32
    scf.for %parallel_loop3A_123 = %parallel_loop3A to %parallel_loop3A_32 step %parallel_loop3A_33  : i32 {
      %parallel_loop3A_124 = arith.index_cast %parallel_loop3A_123 : i32 to index
      %parallel_loop3A_125 = tpu.vector_load %arg9[%parallel_loop3A_124] {strides = array<i32>} : memref<2048xi32, #tpu.memory_space<vmem>>, vector<16xi32>,
      tpu.vector_store %arg9[%parallel_loop3A_124], %broadcast_in_dim3A_3 {strides = array<i32>} : memref<2048xi32, #tpu.memory_space<vmem>>, vector<16xi32>,
    } {sc.loop_unroll_factor = 4 : i64, sc.parallel_access}
    %parallel_loop3A_34 = arith.constant 0 : i32
    %parallel_loop3A_35 = arith.constant 1024 : i32
    %parallel_loop3A_36 = arith.constant 16 : i32
    scf.for %parallel_loop3A_123 = %parallel_loop3A_34 to %parallel_loop3A_35 step %parallel_loop3A_36  : i32 {
      %parallel_loop3A_124 = arith.index_cast %parallel_loop3A_123 : i32 to index
      %parallel_loop3A_125 = tpu.vector_load %arg10[%parallel_loop3A_124] {strides = array<i32>} : memref<1024xi32, #tpu.memory_space<vmem>>, vector<16xi32>,
      tpu.vector_store %arg10[%parallel_loop3A_124], %broadcast_in_dim3A_3 {strides = array<i32>} : memref<1024xi32, #tpu.memory_space<vmem>>, vector<16xi32>,
    } {sc.loop_unroll_factor = 4 : i64, sc.parallel_access}
    %dma_wait3A = tpu.memref_slice %arg2[%multiple_of3A_30] : memref<65536xi32, #tpu.memory_space<hbm>> -> memref<4096xi32, #tpu.memory_space<hbm>>
    %dma_wait3A_37 = tpu.memref_slice %arg2[%multiple_of3A_30] : memref<65536xi32, #tpu.memory_space<hbm>> -> memref<4096xi32, #tpu.memory_space<hbm>>
    tpu.wait_dma2 semaphore(%arg12 : memref<!tpu.dma_semaphore, #tpu.memory_space<semaphore_mem>>) src(%dma_wait3A_37 : memref<4096xi32, #tpu.memory_space<hbm>>) dst(%arg5 : memref<4096xi32, #tpu.memory_space<vmem>>)
    %broadcast_in_dim3A_38 = arith.constant 1 : i32
    %broadcast_in_dim3A_39 = vector.broadcast %broadcast_in_dim3A_38 : i32 to vector<16xi32>
    %parallel_loop3A_40 = arith.constant 0 : i32
    %parallel_loop3A_41 = arith.constant 4096 : i32
    %parallel_loop3A_42 = arith.constant 16 : i32
    scf.for %parallel_loop3A_123 = %parallel_loop3A_40 to %parallel_loop3A_41 step %parallel_loop3A_42  : i32 {
      %parallel_loop3A_124 = arith.index_cast %parallel_loop3A_123 : i32 to index
      %parallel_loop3A_125 = tpu.vector_load %arg5[%parallel_loop3A_124] {strides = array<i32>} : memref<4096xi32, #tpu.memory_space<vmem>>, vector<16xi32>,
      %parallel_loop3A_126 = arith.addi %multiple_of3A, %parallel_loop3A_123 : i32
      %parallel_loop3A_127 = vector.broadcast %parallel_loop3A_126 : i32 to vector<16xi32>
      %parallel_loop3A_128 = arith.addi %parallel_loop3A_127, %iota3A : vector<16xi32>
      %parallel_loop3A_129 = vector.broadcast %reduce_sum3A_7 : i32 to vector<16xi32>
      %parallel_loop3A_130 = arith.cmpi slt, %parallel_loop3A_128, %parallel_loop3A_129 : vector<16xi32>
      %parallel_loop3A_131 = arith.constant 0 : i32
      %parallel_loop3A_132 = vector.broadcast %parallel_loop3A_131 : i32 to vector<16xi32>
      %parallel_loop3A_133 = arith.select %parallel_loop3A_130, %parallel_loop3A_132, %parallel_loop3A_125 : vector<16xi1>, vector<16xi32>
      %parallel_loop3A_134 = vector.broadcast %add3A_24 : i32 to vector<16xi32>
      %parallel_loop3A_135 = arith.cmpi sge, %parallel_loop3A_128, %parallel_loop3A_134 : vector<16xi32>
      %parallel_loop3A_136 = arith.constant 2097151 : i32
      %parallel_loop3A_137 = vector.broadcast %parallel_loop3A_136 : i32 to vector<16xi32>
      %parallel_loop3A_138 = arith.select %parallel_loop3A_135, %parallel_loop3A_137, %parallel_loop3A_133 : vector<16xi1>, vector<16xi32>
      %parallel_loop3A_139 = arith.constant 2047 : i32
      %parallel_loop3A_140 = vector.broadcast %parallel_loop3A_139 : i32 to vector<16xi32>
      %parallel_loop3A_141 = arith.andi %parallel_loop3A_138, %parallel_loop3A_140 : vector<16xi32>
      tpu.vector_store_idx %arg9[%parallel_loop3A_141], %broadcast_in_dim3A_39 {add = true} : memref<2048xi32, #tpu.memory_space<vmem>>[vector<16xi32>], vector<16xi32>,
      %parallel_loop3A_142 = arith.constant 11 : i32
      %parallel_loop3A_143 = vector.broadcast %parallel_loop3A_142 : i32 to vector<16xi32>
      %parallel_loop3A_144 = arith.shrsi %parallel_loop3A_138, %parallel_loop3A_143 : vector<16xi32>
      tpu.vector_store_idx %arg10[%parallel_loop3A_144], %broadcast_in_dim3A_39 {add = true} : memref<1024xi32, #tpu.memory_space<vmem>>[vector<16xi32>], vector<16xi32>,
    } {sc.loop_unroll_factor = 8 : i64, sc.parallel_access}
    %parallel_loop3A_43 = arith.constant 0 : i32
    %parallel_loop3A_44 = arith.constant 32 : i32
    %parallel_loop3A_45 = arith.constant 1 : i32
    %parallel_loop3A_46 = arith.constant 0 : i32
    %parallel_loop3A_47 = scf.for %parallel_loop3A_123 = %parallel_loop3A_43 to %parallel_loop3A_44 step %parallel_loop3A_45 iter_args(%parallel_loop3A_124 = %parallel_loop3A_46) -> (i32)  : i32 {
      %parallel_loop3A_125 = arith.constant 64 : i32
      %parallel_loop3A_126 = arith.muli %parallel_loop3A_123, %parallel_loop3A_125 : i32
      %parallel_loop3A_127 = arith.constant 0 : i32
      %parallel_loop3A_128 = arith.addi %parallel_loop3A_126, %parallel_loop3A_127 : i32
      %parallel_loop3A_129 = arith.index_cast %parallel_loop3A_128 : i32 to index
      %parallel_loop3A_130 = tpu.vector_load %arg9[%parallel_loop3A_129] {strides = array<i32>} : memref<2048xi32, #tpu.memory_space<vmem>>, vector<16xi32>,
      %parallel_loop3A_131 = arith.constant 16 : i32
      %parallel_loop3A_132 = arith.addi %parallel_loop3A_126, %parallel_loop3A_131 : i32
      %parallel_loop3A_133 = arith.index_cast %parallel_loop3A_132 : i32 to index
      %parallel_loop3A_134 = tpu.vector_load %arg9[%parallel_loop3A_133] {strides = array<i32>} : memref<2048xi32, #tpu.memory_space<vmem>>, vector<16xi32>,
      %parallel_loop3A_135 = arith.constant 32 : i32
      %parallel_loop3A_136 = arith.addi %parallel_loop3A_126, %parallel_loop3A_135 : i32
      %parallel_loop3A_137 = arith.index_cast %parallel_loop3A_136 : i32 to index
      %parallel_loop3A_138 = tpu.vector_load %arg9[%parallel_loop3A_137] {strides = array<i32>} : memref<2048xi32, #tpu.memory_space<vmem>>, vector<16xi32>,
      %parallel_loop3A_139 = arith.constant 48 : i32
      %parallel_loop3A_140 = arith.addi %parallel_loop3A_126, %parallel_loop3A_139 : i32
      %parallel_loop3A_141 = arith.index_cast %parallel_loop3A_140 : i32 to index
      %parallel_loop3A_142 = tpu.vector_load %arg9[%parallel_loop3A_141] {strides = array<i32>} : memref<2048xi32, #tpu.memory_space<vmem>>, vector<16xi32>,
      %parallel_loop3A_143 = arith.constant true
      %parallel_loop3A_144 = vector.broadcast %parallel_loop3A_143 : i1 to vector<16xi1>
      %parallel_loop3A_145 = tpu.scan <sum>, %parallel_loop3A_130 masked %parallel_loop3A_144 : vector<16xi32>, vector<16xi1> -> vector<16xi32>
      %parallel_loop3A_146 = arith.constant true
      %parallel_loop3A_147 = vector.broadcast %parallel_loop3A_146 : i1 to vector<16xi1>
      %parallel_loop3A_148 = tpu.scan <sum>, %parallel_loop3A_134 masked %parallel_loop3A_147 : vector<16xi32>, vector<16xi1> -> vector<16xi32>
      %parallel_loop3A_149 = arith.constant true
      %parallel_loop3A_150 = vector.broadcast %parallel_loop3A_149 : i1 to vector<16xi1>
      %parallel_loop3A_151 = tpu.scan <sum>, %parallel_loop3A_138 masked %parallel_loop3A_150 : vector<16xi32>, vector<16xi1> -> vector<16xi32>
      %parallel_loop3A_152 = arith.constant true
      %parallel_loop3A_153 = vector.broadcast %parallel_loop3A_152 : i1 to vector<16xi1>
      %parallel_loop3A_154 = tpu.scan <sum>, %parallel_loop3A_142 masked %parallel_loop3A_153 : vector<16xi32>, vector<16xi1> -> vector<16xi32>
      %parallel_loop3A_155 = arith.constant true
      %parallel_loop3A_156 = vector.broadcast %parallel_loop3A_155 : i1 to vector<16xi1>
      %parallel_loop3A_157 = tpu.scan <sum>, %parallel_loop3A_130 masked %parallel_loop3A_156 : vector<16xi32>, vector<16xi1> -> vector<16xi32>
      %parallel_loop3A_158 = vector.extract %parallel_loop3A_157[15] : i32 from vector<16xi32>
      %parallel_loop3A_159 = arith.constant true
      %parallel_loop3A_160 = vector.broadcast %parallel_loop3A_159 : i1 to vector<16xi1>
      %parallel_loop3A_161 = tpu.scan <sum>, %parallel_loop3A_134 masked %parallel_loop3A_160 : vector<16xi32>, vector<16xi1> -> vector<16xi32>
      %parallel_loop3A_162 = vector.extract %parallel_loop3A_161[15] : i32 from vector<16xi32>
      %parallel_loop3A_163 = arith.constant true
      %parallel_loop3A_164 = vector.broadcast %parallel_loop3A_163 : i1 to vector<16xi1>
      %parallel_loop3A_165 = tpu.scan <sum>, %parallel_loop3A_138 masked %parallel_loop3A_164 : vector<16xi32>, vector<16xi1> -> vector<16xi32>
      %parallel_loop3A_166 = vector.extract %parallel_loop3A_165[15] : i32 from vector<16xi32>
      %parallel_loop3A_167 = arith.constant true
      %parallel_loop3A_168 = vector.broadcast %parallel_loop3A_167 : i1 to vector<16xi1>
      %parallel_loop3A_169 = tpu.scan <sum>, %parallel_loop3A_142 masked %parallel_loop3A_168 : vector<16xi32>, vector<16xi1> -> vector<16xi32>
      %parallel_loop3A_170 = vector.extract %parallel_loop3A_169[15] : i32 from vector<16xi32>
      %parallel_loop3A_171 = arith.subi %parallel_loop3A_145, %parallel_loop3A_130 : vector<16xi32>
      %parallel_loop3A_172 = vector.broadcast %parallel_loop3A_124 : i32 to vector<16xi32>
      %parallel_loop3A_173 = arith.addi %parallel_loop3A_171, %parallel_loop3A_172 : vector<16xi32>
      %parallel_loop3A_174 = arith.constant 0 : i32
      %parallel_loop3A_175 = arith.addi %parallel_loop3A_126, %parallel_loop3A_174 : i32
      %parallel_loop3A_176 = arith.index_cast %parallel_loop3A_175 : i32 to index
      %parallel_loop3A_177 = tpu.vector_load %arg9[%parallel_loop3A_176] {strides = array<i32>} : memref<2048xi32, #tpu.memory_space<vmem>>, vector<16xi32>,
      tpu.vector_store %arg9[%parallel_loop3A_176], %parallel_loop3A_173 {strides = array<i32>} : memref<2048xi32, #tpu.memory_space<vmem>>, vector<16xi32>,
      %parallel_loop3A_178 = arith.addi %parallel_loop3A_124, %parallel_loop3A_158 : i32
      %parallel_loop3A_179 = arith.subi %parallel_loop3A_148, %parallel_loop3A_134 : vector<16xi32>
      %parallel_loop3A_180 = vector.broadcast %parallel_loop3A_178 : i32 to vector<16xi32>
      %parallel_loop3A_181 = arith.addi %parallel_loop3A_179, %parallel_loop3A_180 : vector<16xi32>
      %parallel_loop3A_182 = arith.constant 16 : i32
      %parallel_loop3A_183 = arith.addi %parallel_loop3A_126, %parallel_loop3A_182 : i32
      %parallel_loop3A_184 = arith.index_cast %parallel_loop3A_183 : i32 to index
      %parallel_loop3A_185 = tpu.vector_load %arg9[%parallel_loop3A_184] {strides = array<i32>} : memref<2048xi32, #tpu.memory_space<vmem>>, vector<16xi32>,
      tpu.vector_store %arg9[%parallel_loop3A_184], %parallel_loop3A_181 {strides = array<i32>} : memref<2048xi32, #tpu.memory_space<vmem>>, vector<16xi32>,
      %parallel_loop3A_186 = arith.addi %parallel_loop3A_178, %parallel_loop3A_162 : i32
      %parallel_loop3A_187 = arith.subi %parallel_loop3A_151, %parallel_loop3A_138 : vector<16xi32>
      %parallel_loop3A_188 = vector.broadcast %parallel_loop3A_186 : i32 to vector<16xi32>
      %parallel_loop3A_189 = arith.addi %parallel_loop3A_187, %parallel_loop3A_188 : vector<16xi32>
      %parallel_loop3A_190 = arith.constant 32 : i32
      %parallel_loop3A_191 = arith.addi %parallel_loop3A_126, %parallel_loop3A_190 : i32
      %parallel_loop3A_192 = arith.index_cast %parallel_loop3A_191 : i32 to index
      %parallel_loop3A_193 = tpu.vector_load %arg9[%parallel_loop3A_192] {strides = array<i32>} : memref<2048xi32, #tpu.memory_space<vmem>>, vector<16xi32>,
      tpu.vector_store %arg9[%parallel_loop3A_192], %parallel_loop3A_189 {strides = array<i32>} : memref<2048xi32, #tpu.memory_space<vmem>>, vector<16xi32>,
      %parallel_loop3A_194 = arith.addi %parallel_loop3A_186, %parallel_loop3A_166 : i32
      %parallel_loop3A_195 = arith.subi %parallel_loop3A_154, %parallel_loop3A_142 : vector<16xi32>
      %parallel_loop3A_196 = vector.broadcast %parallel_loop3A_194 : i32 to vector<16xi32>
      %parallel_loop3A_197 = arith.addi %parallel_loop3A_195, %parallel_loop3A_196 : vector<16xi32>
      %parallel_loop3A_198 = arith.constant 48 : i32
      %parallel_loop3A_199 = arith.addi %parallel_loop3A_126, %parallel_loop3A_198 : i32
      %parallel_loop3A_200 = arith.index_cast %parallel_loop3A_199 : i32 to index
      %parallel_loop3A_201 = tpu.vector_load %arg9[%parallel_loop3A_200] {strides = array<i32>} : memref<2048xi32, #tpu.memory_space<vmem>>, vector<16xi32>,
      tpu.vector_store %arg9[%parallel_loop3A_200], %parallel_loop3A_197 {strides = array<i32>} : memref<2048xi32, #tpu.memory_space<vmem>>, vector<16xi32>,
      %parallel_loop3A_202 = arith.addi %parallel_loop3A_194, %parallel_loop3A_170 : i32
      scf.yield %parallel_loop3A_202 : i32
    } {sc.loop_unroll_factor = 1 : i64, sc.parallel_access}
    %parallel_loop3A_48 = arith.constant 0 : i32
    %parallel_loop3A_49 = arith.constant 16 : i32
    %parallel_loop3A_50 = arith.constant 1 : i32
    %parallel_loop3A_51 = arith.constant 0 : i32
    %parallel_loop3A_52 = scf.for %parallel_loop3A_123 = %parallel_loop3A_48 to %parallel_loop3A_49 step %parallel_loop3A_50 iter_args(%parallel_loop3A_124 = %parallel_loop3A_51) -> (i32)  : i32 {
      %parallel_loop3A_125 = arith.constant 64 : i32
      %parallel_loop3A_126 = arith.muli %parallel_loop3A_123, %parallel_loop3A_125 : i32
      %parallel_loop3A_127 = arith.constant 0 : i32
      %parallel_loop3A_128 = arith.addi %parallel_loop3A_126, %parallel_loop3A_127 : i32
      %parallel_loop3A_129 = arith.index_cast %parallel_loop3A_128 : i32 to index
      %parallel_loop3A_130 = tpu.vector_load %arg10[%parallel_loop3A_129] {strides = array<i32>} : memref<1024xi32, #tpu.memory_space<vmem>>, vector<16xi32>,
      %parallel_loop3A_131 = arith.constant 16 : i32
      %parallel_loop3A_132 = arith.addi %parallel_loop3A_126, %parallel_loop3A_131 : i32
      %parallel_loop3A_133 = arith.index_cast %parallel_loop3A_132 : i32 to index
      %parallel_loop3A_134 = tpu.vector_load %arg10[%parallel_loop3A_133] {strides = array<i32>} : memref<1024xi32, #tpu.memory_space<vmem>>, vector<16xi32>,
      %parallel_loop3A_135 = arith.constant 32 : i32
      %parallel_loop3A_136 = arith.addi %parallel_loop3A_126, %parallel_loop3A_135 : i32
      %parallel_loop3A_137 = arith.index_cast %parallel_loop3A_136 : i32 to index
      %parallel_loop3A_138 = tpu.vector_load %arg10[%parallel_loop3A_137] {strides = array<i32>} : memref<1024xi32, #tpu.memory_space<vmem>>, vector<16xi32>,
      %parallel_loop3A_139 = arith.constant 48 : i32
      %parallel_loop3A_140 = arith.addi %parallel_loop3A_126, %parallel_loop3A_139 : i32
      %parallel_loop3A_141 = arith.index_cast %parallel_loop3A_140 : i32 to index
      %parallel_loop3A_142 = tpu.vector_load %arg10[%parallel_loop3A_141] {strides = array<i32>} : memref<1024xi32, #tpu.memory_space<vmem>>, vector<16xi32>,
      %parallel_loop3A_143 = arith.constant true
      %parallel_loop3A_144 = vector.broadcast %parallel_loop3A_143 : i1 to vector<16xi1>
      %parallel_loop3A_145 = tpu.scan <sum>, %parallel_loop3A_130 masked %parallel_loop3A_144 : vector<16xi32>, vector<16xi1> -> vector<16xi32>
      %parallel_loop3A_146 = arith.constant true
      %parallel_loop3A_147 = vector.broadcast %parallel_loop3A_146 : i1 to vector<16xi1>
      %parallel_loop3A_148 = tpu.scan <sum>, %parallel_loop3A_134 masked %parallel_loop3A_147 : vector<16xi32>, vector<16xi1> -> vector<16xi32>
      %parallel_loop3A_149 = arith.constant true
      %parallel_loop3A_150 = vector.broadcast %parallel_loop3A_149 : i1 to vector<16xi1>
      %parallel_loop3A_151 = tpu.scan <sum>, %parallel_loop3A_138 masked %parallel_loop3A_150 : vector<16xi32>, vector<16xi1> -> vector<16xi32>
      %parallel_loop3A_152 = arith.constant true
      %parallel_loop3A_153 = vector.broadcast %parallel_loop3A_152 : i1 to vector<16xi1>
      %parallel_loop3A_154 = tpu.scan <sum>, %parallel_loop3A_142 masked %parallel_loop3A_153 : vector<16xi32>, vector<16xi1> -> vector<16xi32>
      %parallel_loop3A_155 = arith.constant true
      %parallel_loop3A_156 = vector.broadcast %parallel_loop3A_155 : i1 to vector<16xi1>
      %parallel_loop3A_157 = tpu.scan <sum>, %parallel_loop3A_130 masked %parallel_loop3A_156 : vector<16xi32>, vector<16xi1> -> vector<16xi32>
      %parallel_loop3A_158 = vector.extract %parallel_loop3A_157[15] : i32 from vector<16xi32>
      %parallel_loop3A_159 = arith.constant true
      %parallel_loop3A_160 = vector.broadcast %parallel_loop3A_159 : i1 to vector<16xi1>
      %parallel_loop3A_161 = tpu.scan <sum>, %parallel_loop3A_134 masked %parallel_loop3A_160 : vector<16xi32>, vector<16xi1> -> vector<16xi32>
      %parallel_loop3A_162 = vector.extract %parallel_loop3A_161[15] : i32 from vector<16xi32>
      %parallel_loop3A_163 = arith.constant true
      %parallel_loop3A_164 = vector.broadcast %parallel_loop3A_163 : i1 to vector<16xi1>
      %parallel_loop3A_165 = tpu.scan <sum>, %parallel_loop3A_138 masked %parallel_loop3A_164 : vector<16xi32>, vector<16xi1> -> vector<16xi32>
      %parallel_loop3A_166 = vector.extract %parallel_loop3A_165[15] : i32 from vector<16xi32>
      %parallel_loop3A_167 = arith.constant true
      %parallel_loop3A_168 = vector.broadcast %parallel_loop3A_167 : i1 to vector<16xi1>
      %parallel_loop3A_169 = tpu.scan <sum>, %parallel_loop3A_142 masked %parallel_loop3A_168 : vector<16xi32>, vector<16xi1> -> vector<16xi32>
      %parallel_loop3A_170 = vector.extract %parallel_loop3A_169[15] : i32 from vector<16xi32>
      %parallel_loop3A_171 = arith.subi %parallel_loop3A_145, %parallel_loop3A_130 : vector<16xi32>
      %parallel_loop3A_172 = vector.broadcast %parallel_loop3A_124 : i32 to vector<16xi32>
      %parallel_loop3A_173 = arith.addi %parallel_loop3A_171, %parallel_loop3A_172 : vector<16xi32>
      %parallel_loop3A_174 = arith.constant 0 : i32
      %parallel_loop3A_175 = arith.addi %parallel_loop3A_126, %parallel_loop3A_174 : i32
      %parallel_loop3A_176 = arith.index_cast %parallel_loop3A_175 : i32 to index
      %parallel_loop3A_177 = tpu.vector_load %arg10[%parallel_loop3A_176] {strides = array<i32>} : memref<1024xi32, #tpu.memory_space<vmem>>, vector<16xi32>,
      tpu.vector_store %arg10[%parallel_loop3A_176], %parallel_loop3A_173 {strides = array<i32>} : memref<1024xi32, #tpu.memory_space<vmem>>, vector<16xi32>,
      %parallel_loop3A_178 = arith.addi %parallel_loop3A_124, %parallel_loop3A_158 : i32
      %parallel_loop3A_179 = arith.subi %parallel_loop3A_148, %parallel_loop3A_134 : vector<16xi32>
      %parallel_loop3A_180 = vector.broadcast %parallel_loop3A_178 : i32 to vector<16xi32>
      %parallel_loop3A_181 = arith.addi %parallel_loop3A_179, %parallel_loop3A_180 : vector<16xi32>
      %parallel_loop3A_182 = arith.constant 16 : i32
      %parallel_loop3A_183 = arith.addi %parallel_loop3A_126, %parallel_loop3A_182 : i32
      %parallel_loop3A_184 = arith.index_cast %parallel_loop3A_183 : i32 to index
      %parallel_loop3A_185 = tpu.vector_load %arg10[%parallel_loop3A_184] {strides = array<i32>} : memref<1024xi32, #tpu.memory_space<vmem>>, vector<16xi32>,
      tpu.vector_store %arg10[%parallel_loop3A_184], %parallel_loop3A_181 {strides = array<i32>} : memref<1024xi32, #tpu.memory_space<vmem>>, vector<16xi32>,
      %parallel_loop3A_186 = arith.addi %parallel_loop3A_178, %parallel_loop3A_162 : i32
      %parallel_loop3A_187 = arith.subi %parallel_loop3A_151, %parallel_loop3A_138 : vector<16xi32>
      %parallel_loop3A_188 = vector.broadcast %parallel_loop3A_186 : i32 to vector<16xi32>
      %parallel_loop3A_189 = arith.addi %parallel_loop3A_187, %parallel_loop3A_188 : vector<16xi32>
      %parallel_loop3A_190 = arith.constant 32 : i32
      %parallel_loop3A_191 = arith.addi %parallel_loop3A_126, %parallel_loop3A_190 : i32
      %parallel_loop3A_192 = arith.index_cast %parallel_loop3A_191 : i32 to index
      %parallel_loop3A_193 = tpu.vector_load %arg10[%parallel_loop3A_192] {strides = array<i32>} : memref<1024xi32, #tpu.memory_space<vmem>>, vector<16xi32>,
      tpu.vector_store %arg10[%parallel_loop3A_192], %parallel_loop3A_189 {strides = array<i32>} : memref<1024xi32, #tpu.memory_space<vmem>>, vector<16xi32>,
      %parallel_loop3A_194 = arith.addi %parallel_loop3A_186, %parallel_loop3A_166 : i32
      %parallel_loop3A_195 = arith.subi %parallel_loop3A_154, %parallel_loop3A_142 : vector<16xi32>
      %parallel_loop3A_196 = vector.broadcast %parallel_loop3A_194 : i32 to vector<16xi32>
      %parallel_loop3A_197 = arith.addi %parallel_loop3A_195, %parallel_loop3A_196 : vector<16xi32>
      %parallel_loop3A_198 = arith.constant 48 : i32
      %parallel_loop3A_199 = arith.addi %parallel_loop3A_126, %parallel_loop3A_198 : i32
      %parallel_loop3A_200 = arith.index_cast %parallel_loop3A_199 : i32 to index
      %parallel_loop3A_201 = tpu.vector_load %arg10[%parallel_loop3A_200] {strides = array<i32>} : memref<1024xi32, #tpu.memory_space<vmem>>, vector<16xi32>,
      tpu.vector_store %arg10[%parallel_loop3A_200], %parallel_loop3A_197 {strides = array<i32>} : memref<1024xi32, #tpu.memory_space<vmem>>, vector<16xi32>,
      %parallel_loop3A_202 = arith.addi %parallel_loop3A_194, %parallel_loop3A_170 : i32
      scf.yield %parallel_loop3A_202 : i32
    } {sc.loop_unroll_factor = 1 : i64, sc.parallel_access}
    %scan3A = arith.constant 0 : i32
    %scan3A_53 = arith.constant 32 : i32
    %scan3A_54 = arith.addi %scan3A, %scan3A_53 : i32
    %scan3A_55 = arith.constant 1 : i32
    scf.for %scan3A_123 = %scan3A to %scan3A_54 step %scan3A_55  : i32 {
      %mul3A_124 = arith.constant 128 : i32
      %mul3A_125 = arith.muli %scan3A_123, %mul3A_124 : i32
      %add3A_126 = arith.constant 0 : i32
      %add3A_127 = arith.addi %add3A_126, %mul3A_125 : i32
      %add3A_128 = arith.constant 0 : i32
      %add3A_129 = arith.addi %add3A_127, %add3A_128 : i32
      %get3A_130 = arith.index_cast %add3A_129 : i32 to index
      %get3A_131 = tpu.vector_load %arg5[%get3A_130] {strides = array<i32>} : memref<4096xi32, #tpu.memory_space<vmem>>, vector<16xi32>,
      %add3A_132 = arith.addi %multiple_of3A, %add3A_129 : i32
      %add3A_133 = vector.broadcast %add3A_132 : i32 to vector<16xi32>
      %add3A_134 = arith.addi %add3A_133, %iota3A : vector<16xi32>
      %lt3A = vector.broadcast %reduce_sum3A_7 : i32 to vector<16xi32>
      %lt3A_135 = arith.cmpi slt, %add3A_134, %lt3A : vector<16xi32>
      %jit3A_136 = arith.constant 0 : i32
      %broadcast_in_dim3A_137 = vector.broadcast %jit3A_136 : i32 to vector<16xi32>
      %select_n3A_138 = arith.select %lt3A_135, %broadcast_in_dim3A_137, %get3A_131 : vector<16xi1>, vector<16xi32>
      %ge3A = vector.broadcast %add3A_24 : i32 to vector<16xi32>
      %ge3A_139 = arith.cmpi sge, %add3A_134, %ge3A : vector<16xi32>
      %jit3A_140 = arith.constant 2097151 : i32
      %broadcast_in_dim3A_141 = vector.broadcast %jit3A_140 : i32 to vector<16xi32>
      %select_n3A_142 = arith.select %ge3A_139, %broadcast_in_dim3A_141, %select_n3A_138 : vector<16xi1>, vector<16xi32>
      %add3A_143 = arith.constant 0 : i32
      %add3A_144 = arith.addi %add3A_127, %add3A_143 : i32
      %add3A_145 = arith.addi %multiple_of3A, %add3A_144 : i32
      %add3A_146 = vector.broadcast %add3A_145 : i32 to vector<16xi32>
      %add3A_147 = arith.addi %add3A_146, %iota3A : vector<16xi32>
      %and3A_148 = arith.constant 2047 : i32
      %and3A_149 = vector.broadcast %and3A_148 : i32 to vector<16xi32>
      %and3A_150 = arith.andi %select_n3A_142, %and3A_149 : vector<16xi32>
      %broadcast_in_dim3A_151 = arith.constant true
      %broadcast_in_dim3A_152 = vector.broadcast %broadcast_in_dim3A_151 : i1 to vector<16xi1>
      %unique3A, %unique3A_153 = tpu.scan_count mask(%broadcast_in_dim3A_152 : vector<16xi1>) value(%and3A_150 : vector<16xi32>) : vector<16xi1>, vector<16xi32>
      %add3A_154 = arith.constant 16 : i32
      %add3A_155 = arith.addi %add3A_127, %add3A_154 : i32
      %get3A_156 = arith.index_cast %add3A_155 : i32 to index
      %get3A_157 = tpu.vector_load %arg5[%get3A_156] {strides = array<i32>} : memref<4096xi32, #tpu.memory_space<vmem>>, vector<16xi32>,
      %add3A_158 = arith.addi %multiple_of3A, %add3A_155 : i32
      %add3A_159 = vector.broadcast %add3A_158 : i32 to vector<16xi32>
      %add3A_160 = arith.addi %add3A_159, %iota3A : vector<16xi32>
      %lt3A_161 = vector.broadcast %reduce_sum3A_7 : i32 to vector<16xi32>
      %lt3A_162 = arith.cmpi slt, %add3A_160, %lt3A_161 : vector<16xi32>
      %jit3A_163 = arith.constant 0 : i32
      %broadcast_in_dim3A_164 = vector.broadcast %jit3A_163 : i32 to vector<16xi32>
      %select_n3A_165 = arith.select %lt3A_162, %broadcast_in_dim3A_164, %get3A_157 : vector<16xi1>, vector<16xi32>
      %ge3A_166 = vector.broadcast %add3A_24 : i32 to vector<16xi32>
      %ge3A_167 = arith.cmpi sge, %add3A_160, %ge3A_166 : vector<16xi32>
      %jit3A_168 = arith.constant 2097151 : i32
      %broadcast_in_dim3A_169 = vector.broadcast %jit3A_168 : i32 to vector<16xi32>
      %select_n3A_170 = arith.select %ge3A_167, %broadcast_in_dim3A_169, %select_n3A_165 : vector<16xi1>, vector<16xi32>
      %add3A_171 = arith.constant 16 : i32
      %add3A_172 = arith.addi %add3A_127, %add3A_171 : i32
      %add3A_173 = arith.addi %multiple_of3A, %add3A_172 : i32
      %add3A_174 = vector.broadcast %add3A_173 : i32 to vector<16xi32>
      %add3A_175 = arith.addi %add3A_174, %iota3A : vector<16xi32>
      %and3A_176 = arith.constant 2047 : i32
      %and3A_177 = vector.broadcast %and3A_176 : i32 to vector<16xi32>
      %and3A_178 = arith.andi %select_n3A_170, %and3A_177 : vector<16xi32>
      %broadcast_in_dim3A_179 = arith.constant true
      %broadcast_in_dim3A_180 = vector.broadcast %broadcast_in_dim3A_179 : i1 to vector<16xi1>
      %unique3A_181, %unique3A_182 = tpu.scan_count mask(%broadcast_in_dim3A_180 : vector<16xi1>) value(%and3A_178 : vector<16xi32>) : vector<16xi1>, vector<16xi32>
      %add3A_183 = arith.constant 32 : i32
      %add3A_184 = arith.addi %add3A_127, %add3A_183 : i32
      %get3A_185 = arith.index_cast %add3A_184 : i32 to index
      %get3A_186 = tpu.vector_load %arg5[%get3A_185] {strides = array<i32>} : memref<4096xi32, #tpu.memory_space<vmem>>, vector<16xi32>,
      %add3A_187 = arith.addi %multiple_of3A, %add3A_184 : i32
      %add3A_188 = vector.broadcast %add3A_187 : i32 to vector<16xi32>
      %add3A_189 = arith.addi %add3A_188, %iota3A : vector<16xi32>
      %lt3A_190 = vector.broadcast %reduce_sum3A_7 : i32 to vector<16xi32>
      %lt3A_191 = arith.cmpi slt, %add3A_189, %lt3A_190 : vector<16xi32>
      %jit3A_192 = arith.constant 0 : i32
      %broadcast_in_dim3A_193 = vector.broadcast %jit3A_192 : i32 to vector<16xi32>
      %select_n3A_194 = arith.select %lt3A_191, %broadcast_in_dim3A_193, %get3A_186 : vector<16xi1>, vector<16xi32>
      %ge3A_195 = vector.broadcast %add3A_24 : i32 to vector<16xi32>
      %ge3A_196 = arith.cmpi sge, %add3A_189, %ge3A_195 : vector<16xi32>
      %jit3A_197 = arith.constant 2097151 : i32
      %broadcast_in_dim3A_198 = vector.broadcast %jit3A_197 : i32 to vector<16xi32>
      %select_n3A_199 = arith.select %ge3A_196, %broadcast_in_dim3A_198, %select_n3A_194 : vector<16xi1>, vector<16xi32>
      %add3A_200 = arith.constant 32 : i32
      %add3A_201 = arith.addi %add3A_127, %add3A_200 : i32
      %add3A_202 = arith.addi %multiple_of3A, %add3A_201 : i32
      %add3A_203 = vector.broadcast %add3A_202 : i32 to vector<16xi32>
      %add3A_204 = arith.addi %add3A_203, %iota3A : vector<16xi32>
      %and3A_205 = arith.constant 2047 : i32
      %and3A_206 = vector.broadcast %and3A_205 : i32 to vector<16xi32>
      %and3A_207 = arith.andi %select_n3A_199, %and3A_206 : vector<16xi32>
      %broadcast_in_dim3A_208 = arith.constant true
      %broadcast_in_dim3A_209 = vector.broadcast %broadcast_in_dim3A_208 : i1 to vector<16xi1>
      %unique3A_210, %unique3A_211 = tpu.scan_count mask(%broadcast_in_dim3A_209 : vector<16xi1>) value(%and3A_207 : vector<16xi32>) : vector<16xi1>, vector<16xi32>
      %add3A_212 = arith.constant 48 : i32
      %add3A_213 = arith.addi %add3A_127, %add3A_212 : i32
      %get3A_214 = arith.index_cast %add3A_213 : i32 to index
      %get3A_215 = tpu.vector_load %arg5[%get3A_214] {strides = array<i32>} : memref<4096xi32, #tpu.memory_space<vmem>>, vector<16xi32>,
      %add3A_216 = arith.addi %multiple_of3A, %add3A_213 : i32
      %add3A_217 = vector.broadcast %add3A_216 : i32 to vector<16xi32>
      %add3A_218 = arith.addi %add3A_217, %iota3A : vector<16xi32>
      %lt3A_219 = vector.broadcast %reduce_sum3A_7 : i32 to vector<16xi32>
      %lt3A_220 = arith.cmpi slt, %add3A_218, %lt3A_219 : vector<16xi32>
      %jit3A_221 = arith.constant 0 : i32
      %broadcast_in_dim3A_222 = vector.broadcast %jit3A_221 : i32 to vector<16xi32>
      %select_n3A_223 = arith.select %lt3A_220, %broadcast_in_dim3A_222, %get3A_215 : vector<16xi1>, vector<16xi32>
      %ge3A_224 = vector.broadcast %add3A_24 : i32 to vector<16xi32>
      %ge3A_225 = arith.cmpi sge, %add3A_218, %ge3A_224 : vector<16xi32>
      %jit3A_226 = arith.constant 2097151 : i32
      %broadcast_in_dim3A_227 = vector.broadcast %jit3A_226 : i32 to vector<16xi32>
      %select_n3A_228 = arith.select %ge3A_225, %broadcast_in_dim3A_227, %select_n3A_223 : vector<16xi1>, vector<16xi32>
      %add3A_229 = arith.constant 48 : i32
      %add3A_230 = arith.addi %add3A_127, %add3A_229 : i32
      %add3A_231 = arith.addi %multiple_of3A, %add3A_230 : i32
      %add3A_232 = vector.broadcast %add3A_231 : i32 to vector<16xi32>
      %add3A_233 = arith.addi %add3A_232, %iota3A : vector<16xi32>
      %and3A_234 = arith.constant 2047 : i32
      %and3A_235 = vector.broadcast %and3A_234 : i32 to vector<16xi32>
      %and3A_236 = arith.andi %select_n3A_228, %and3A_235 : vector<16xi32>
      %broadcast_in_dim3A_237 = arith.constant true
      %broadcast_in_dim3A_238 = vector.broadcast %broadcast_in_dim3A_237 : i1 to vector<16xi1>
      %unique3A_239, %unique3A_240 = tpu.scan_count mask(%broadcast_in_dim3A_238 : vector<16xi1>) value(%and3A_236 : vector<16xi32>) : vector<16xi1>, vector<16xi32>
      %add3A_241 = arith.constant 64 : i32
      %add3A_242 = arith.addi %add3A_127, %add3A_241 : i32
      %get3A_243 = arith.index_cast %add3A_242 : i32 to index
      %get3A_244 = tpu.vector_load %arg5[%get3A_243] {strides = array<i32>} : memref<4096xi32, #tpu.memory_space<vmem>>, vector<16xi32>,
      %add3A_245 = arith.addi %multiple_of3A, %add3A_242 : i32
      %add3A_246 = vector.broadcast %add3A_245 : i32 to vector<16xi32>
      %add3A_247 = arith.addi %add3A_246, %iota3A : vector<16xi32>
      %lt3A_248 = vector.broadcast %reduce_sum3A_7 : i32 to vector<16xi32>
      %lt3A_249 = arith.cmpi slt, %add3A_247, %lt3A_248 : vector<16xi32>
      %jit3A_250 = arith.constant 0 : i32
      %broadcast_in_dim3A_251 = vector.broadcast %jit3A_250 : i32 to vector<16xi32>
      %select_n3A_252 = arith.select %lt3A_249, %broadcast_in_dim3A_251, %get3A_244 : vector<16xi1>, vector<16xi32>
      %ge3A_253 = vector.broadcast %add3A_24 : i32 to vector<16xi32>
      %ge3A_254 = arith.cmpi sge, %add3A_247, %ge3A_253 : vector<16xi32>
      %jit3A_255 = arith.constant 2097151 : i32
      %broadcast_in_dim3A_256 = vector.broadcast %jit3A_255 : i32 to vector<16xi32>
      %select_n3A_257 = arith.select %ge3A_254, %broadcast_in_dim3A_256, %select_n3A_252 : vector<16xi1>, vector<16xi32>
      %add3A_258 = arith.constant 64 : i32
      %add3A_259 = arith.addi %add3A_127, %add3A_258 : i32
      %add3A_260 = arith.addi %multiple_of3A, %add3A_259 : i32
      %add3A_261 = vector.broadcast %add3A_260 : i32 to vector<16xi32>
      %add3A_262 = arith.addi %add3A_261, %iota3A : vector<16xi32>
      %and3A_263 = arith.constant 2047 : i32
      %and3A_264 = vector.broadcast %and3A_263 : i32 to vector<16xi32>
      %and3A_265 = arith.andi %select_n3A_257, %and3A_264 : vector<16xi32>
      %broadcast_in_dim3A_266 = arith.constant true
      %broadcast_in_dim3A_267 = vector.broadcast %broadcast_in_dim3A_266 : i1 to vector<16xi1>
      %unique3A_268, %unique3A_269 = tpu.scan_count mask(%broadcast_in_dim3A_267 : vector<16xi1>) value(%and3A_265 : vector<16xi32>) : vector<16xi1>, vector<16xi32>
      %add3A_270 = arith.constant 80 : i32
      %add3A_271 = arith.addi %add3A_127, %add3A_270 : i32
      %get3A_272 = arith.index_cast %add3A_271 : i32 to index
      %get3A_273 = tpu.vector_load %arg5[%get3A_272] {strides = array<i32>} : memref<4096xi32, #tpu.memory_space<vmem>>, vector<16xi32>,
      %add3A_274 = arith.addi %multiple_of3A, %add3A_271 : i32
      %add3A_275 = vector.broadcast %add3A_274 : i32 to vector<16xi32>
      %add3A_276 = arith.addi %add3A_275, %iota3A : vector<16xi32>
      %lt3A_277 = vector.broadcast %reduce_sum3A_7 : i32 to vector<16xi32>
      %lt3A_278 = arith.cmpi slt, %add3A_276, %lt3A_277 : vector<16xi32>
      %jit3A_279 = arith.constant 0 : i32
      %broadcast_in_dim3A_280 = vector.broadcast %jit3A_279 : i32 to vector<16xi32>
      %select_n3A_281 = arith.select %lt3A_278, %broadcast_in_dim3A_280, %get3A_273 : vector<16xi1>, vector<16xi32>
      %ge3A_282 = vector.broadcast %add3A_24 : i32 to vector<16xi32>
      %ge3A_283 = arith.cmpi sge, %add3A_276, %ge3A_282 : vector<16xi32>
      %jit3A_284 = arith.constant 2097151 : i32
      %broadcast_in_dim3A_285 = vector.broadcast %jit3A_284 : i32 to vector<16xi32>
      %select_n3A_286 = arith.select %ge3A_283, %broadcast_in_dim3A_285, %select_n3A_281 : vector<16xi1>, vector<16xi32>
      %add3A_287 = arith.constant 80 : i32
      %add3A_288 = arith.addi %add3A_127, %add3A_287 : i32
      %add3A_289 = arith.addi %multiple_of3A, %add3A_288 : i32
      %add3A_290 = vector.broadcast %add3A_289 : i32 to vector<16xi32>
      %add3A_291 = arith.addi %add3A_290, %iota3A : vector<16xi32>
      %and3A_292 = arith.constant 2047 : i32
      %and3A_293 = vector.broadcast %and3A_292 : i32 to vector<16xi32>
      %and3A_294 = arith.andi %select_n3A_286, %and3A_293 : vector<16xi32>
      %broadcast_in_dim3A_295 = arith.constant true
      %broadcast_in_dim3A_296 = vector.broadcast %broadcast_in_dim3A_295 : i1 to vector<16xi1>
      %unique3A_297, %unique3A_298 = tpu.scan_count mask(%broadcast_in_dim3A_296 : vector<16xi1>) value(%and3A_294 : vector<16xi32>) : vector<16xi1>, vector<16xi32>
      %add3A_299 = arith.constant 96 : i32
      %add3A_300 = arith.addi %add3A_127, %add3A_299 : i32
      %get3A_301 = arith.index_cast %add3A_300 : i32 to index
      %get3A_302 = tpu.vector_load %arg5[%get3A_301] {strides = array<i32>} : memref<4096xi32, #tpu.memory_space<vmem>>, vector<16xi32>,
      %add3A_303 = arith.addi %multiple_of3A, %add3A_300 : i32
      %add3A_304 = vector.broadcast %add3A_303 : i32 to vector<16xi32>
      %add3A_305 = arith.addi %add3A_304, %iota3A : vector<16xi32>
      %lt3A_306 = vector.broadcast %reduce_sum3A_7 : i32 to vector<16xi32>
      %lt3A_307 = arith.cmpi slt, %add3A_305, %lt3A_306 : vector<16xi32>
      %jit3A_308 = arith.constant 0 : i32
      %broadcast_in_dim3A_309 = vector.broadcast %jit3A_308 : i32 to vector<16xi32>
      %select_n3A_310 = arith.select %lt3A_307, %broadcast_in_dim3A_309, %get3A_302 : vector<16xi1>, vector<16xi32>
      %ge3A_311 = vector.broadcast %add3A_24 : i32 to vector<16xi32>
      %ge3A_312 = arith.cmpi sge, %add3A_305, %ge3A_311 : vector<16xi32>
      %jit3A_313 = arith.constant 2097151 : i32
      %broadcast_in_dim3A_314 = vector.broadcast %jit3A_313 : i32 to vector<16xi32>
      %select_n3A_315 = arith.select %ge3A_312, %broadcast_in_dim3A_314, %select_n3A_310 : vector<16xi1>, vector<16xi32>
      %add3A_316 = arith.constant 96 : i32
      %add3A_317 = arith.addi %add3A_127, %add3A_316 : i32
      %add3A_318 = arith.addi %multiple_of3A, %add3A_317 : i32
      %add3A_319 = vector.broadcast %add3A_318 : i32 to vector<16xi32>
      %add3A_320 = arith.addi %add3A_319, %iota3A : vector<16xi32>
      %and3A_321 = arith.constant 2047 : i32
      %and3A_322 = vector.broadcast %and3A_321 : i32 to vector<16xi32>
      %and3A_323 = arith.andi %select_n3A_315, %and3A_322 : vector<16xi32>
      %broadcast_in_dim3A_324 = arith.constant true
      %broadcast_in_dim3A_325 = vector.broadcast %broadcast_in_dim3A_324 : i1 to vector<16xi1>
      %unique3A_326, %unique3A_327 = tpu.scan_count mask(%broadcast_in_dim3A_325 : vector<16xi1>) value(%and3A_323 : vector<16xi32>) : vector<16xi1>, vector<16xi32>
      %add3A_328 = arith.constant 112 : i32
      %add3A_329 = arith.addi %add3A_127, %add3A_328 : i32
      %get3A_330 = arith.index_cast %add3A_329 : i32 to index
      %get3A_331 = tpu.vector_load %arg5[%get3A_330] {strides = array<i32>} : memref<4096xi32, #tpu.memory_space<vmem>>, vector<16xi32>,
      %add3A_332 = arith.addi %multiple_of3A, %add3A_329 : i32
      %add3A_333 = vector.broadcast %add3A_332 : i32 to vector<16xi32>
      %add3A_334 = arith.addi %add3A_333, %iota3A : vector<16xi32>
      %lt3A_335 = vector.broadcast %reduce_sum3A_7 : i32 to vector<16xi32>
      %lt3A_336 = arith.cmpi slt, %add3A_334, %lt3A_335 : vector<16xi32>
      %jit3A_337 = arith.constant 0 : i32
      %broadcast_in_dim3A_338 = vector.broadcast %jit3A_337 : i32 to vector<16xi32>
      %select_n3A_339 = arith.select %lt3A_336, %broadcast_in_dim3A_338, %get3A_331 : vector<16xi1>, vector<16xi32>
      %ge3A_340 = vector.broadcast %add3A_24 : i32 to vector<16xi32>
      %ge3A_341 = arith.cmpi sge, %add3A_334, %ge3A_340 : vector<16xi32>
      %jit3A_342 = arith.constant 2097151 : i32
      %broadcast_in_dim3A_343 = vector.broadcast %jit3A_342 : i32 to vector<16xi32>
      %select_n3A_344 = arith.select %ge3A_341, %broadcast_in_dim3A_343, %select_n3A_339 : vector<16xi1>, vector<16xi32>
      %add3A_345 = arith.constant 112 : i32
      %add3A_346 = arith.addi %add3A_127, %add3A_345 : i32
      %add3A_347 = arith.addi %multiple_of3A, %add3A_346 : i32
      %add3A_348 = vector.broadcast %add3A_347 : i32 to vector<16xi32>
      %add3A_349 = arith.addi %add3A_348, %iota3A : vector<16xi32>
      %and3A_350 = arith.constant 2047 : i32
      %and3A_351 = vector.broadcast %and3A_350 : i32 to vector<16xi32>
      %and3A_352 = arith.andi %select_n3A_344, %and3A_351 : vector<16xi32>
      %broadcast_in_dim3A_353 = arith.constant true
      %broadcast_in_dim3A_354 = vector.broadcast %broadcast_in_dim3A_353 : i1 to vector<16xi1>
      %unique3A_355, %unique3A_356 = tpu.scan_count mask(%broadcast_in_dim3A_354 : vector<16xi1>) value(%and3A_352 : vector<16xi32>) : vector<16xi1>, vector<16xi32>
      %gather3A = tpu.vector_load_idx %arg9[%and3A_150] : memref<2048xi32, #tpu.memory_space<vmem>>[vector<16xi32>], vector<16xi32>,
      %add3A_357 = arith.addi %gather3A, %unique3A_153 : vector<16xi32>
      %sub3A_358 = arith.constant 1 : i32
      %sub3A_359 = vector.broadcast %sub3A_358 : i32 to vector<16xi32>
      %sub3A_360 = arith.subi %add3A_357, %sub3A_359 : vector<16xi32>
      tpu.vector_store_idx %arg6[%sub3A_360], %select_n3A_142 : memref<4096xi32, #tpu.memory_space<vmem>>[vector<16xi32>], vector<16xi32>,
      tpu.vector_store_idx %arg7[%sub3A_360], %add3A_147 : memref<4096xi32, #tpu.memory_space<vmem>>[vector<16xi32>], vector<16xi32>,
      tpu.vector_store_idx %arg9[%and3A_150], %unique3A_153 masked %unique3A {add = true} : memref<2048xi32, #tpu.memory_space<vmem>>[vector<16xi32>], vector<16xi32>, vector<16xi1>
      %gather3A_361 = tpu.vector_load_idx %arg9[%and3A_178] : memref<2048xi32, #tpu.memory_space<vmem>>[vector<16xi32>], vector<16xi32>,
      %add3A_362 = arith.addi %gather3A_361, %unique3A_182 : vector<16xi32>
      %sub3A_363 = arith.constant 1 : i32
      %sub3A_364 = vector.broadcast %sub3A_363 : i32 to vector<16xi32>
      %sub3A_365 = arith.subi %add3A_362, %sub3A_364 : vector<16xi32>
      tpu.vector_store_idx %arg6[%sub3A_365], %select_n3A_170 : memref<4096xi32, #tpu.memory_space<vmem>>[vector<16xi32>], vector<16xi32>,
      tpu.vector_store_idx %arg7[%sub3A_365], %add3A_175 : memref<4096xi32, #tpu.memory_space<vmem>>[vector<16xi32>], vector<16xi32>,
      tpu.vector_store_idx %arg9[%and3A_178], %unique3A_182 masked %unique3A_181 {add = true} : memref<2048xi32, #tpu.memory_space<vmem>>[vector<16xi32>], vector<16xi32>, vector<16xi1>
      %gather3A_366 = tpu.vector_load_idx %arg9[%and3A_207] : memref<2048xi32, #tpu.memory_space<vmem>>[vector<16xi32>], vector<16xi32>,
      %add3A_367 = arith.addi %gather3A_366, %unique3A_211 : vector<16xi32>
      %sub3A_368 = arith.constant 1 : i32
      %sub3A_369 = vector.broadcast %sub3A_368 : i32 to vector<16xi32>
      %sub3A_370 = arith.subi %add3A_367, %sub3A_369 : vector<16xi32>
      tpu.vector_store_idx %arg6[%sub3A_370], %select_n3A_199 : memref<4096xi32, #tpu.memory_space<vmem>>[vector<16xi32>], vector<16xi32>,
      tpu.vector_store_idx %arg7[%sub3A_370], %add3A_204 : memref<4096xi32, #tpu.memory_space<vmem>>[vector<16xi32>], vector<16xi32>,
      tpu.vector_store_idx %arg9[%and3A_207], %unique3A_211 masked %unique3A_210 {add = true} : memref<2048xi32, #tpu.memory_space<vmem>>[vector<16xi32>], vector<16xi32>, vector<16xi1>
      %gather3A_371 = tpu.vector_load_idx %arg9[%and3A_236] : memref<2048xi32, #tpu.memory_space<vmem>>[vector<16xi32>], vector<16xi32>,
      %add3A_372 = arith.addi %gather3A_371, %unique3A_240 : vector<16xi32>
      %sub3A_373 = arith.constant 1 : i32
      %sub3A_374 = vector.broadcast %sub3A_373 : i32 to vector<16xi32>
      %sub3A_375 = arith.subi %add3A_372, %sub3A_374 : vector<16xi32>
      tpu.vector_store_idx %arg6[%sub3A_375], %select_n3A_228 : memref<4096xi32, #tpu.memory_space<vmem>>[vector<16xi32>], vector<16xi32>,
      tpu.vector_store_idx %arg7[%sub3A_375], %add3A_233 : memref<4096xi32, #tpu.memory_space<vmem>>[vector<16xi32>], vector<16xi32>,
      tpu.vector_store_idx %arg9[%and3A_236], %unique3A_240 masked %unique3A_239 {add = true} : memref<2048xi32, #tpu.memory_space<vmem>>[vector<16xi32>], vector<16xi32>, vector<16xi1>
      %gather3A_376 = tpu.vector_load_idx %arg9[%and3A_265] : memref<2048xi32, #tpu.memory_space<vmem>>[vector<16xi32>], vector<16xi32>,
      %add3A_377 = arith.addi %gather3A_376, %unique3A_269 : vector<16xi32>
      %sub3A_378 = arith.constant 1 : i32
      %sub3A_379 = vector.broadcast %sub3A_378 : i32 to vector<16xi32>
      %sub3A_380 = arith.subi %add3A_377, %sub3A_379 : vector<16xi32>
      tpu.vector_store_idx %arg6[%sub3A_380], %select_n3A_257 : memref<4096xi32, #tpu.memory_space<vmem>>[vector<16xi32>], vector<16xi32>,
      tpu.vector_store_idx %arg7[%sub3A_380], %add3A_262 : memref<4096xi32, #tpu.memory_space<vmem>>[vector<16xi32>], vector<16xi32>,
      tpu.vector_store_idx %arg9[%and3A_265], %unique3A_269 masked %unique3A_268 {add = true} : memref<2048xi32, #tpu.memory_space<vmem>>[vector<16xi32>], vector<16xi32>, vector<16xi1>
      %gather3A_381 = tpu.vector_load_idx %arg9[%and3A_294] : memref<2048xi32, #tpu.memory_space<vmem>>[vector<16xi32>], vector<16xi32>,
      %add3A_382 = arith.addi %gather3A_381, %unique3A_298 : vector<16xi32>
      %sub3A_383 = arith.constant 1 : i32
      %sub3A_384 = vector.broadcast %sub3A_383 : i32 to vector<16xi32>
      %sub3A_385 = arith.subi %add3A_382, %sub3A_384 : vector<16xi32>
      tpu.vector_store_idx %arg6[%sub3A_385], %select_n3A_286 : memref<4096xi32, #tpu.memory_space<vmem>>[vector<16xi32>], vector<16xi32>,
      tpu.vector_store_idx %arg7[%sub3A_385], %add3A_291 : memref<4096xi32, #tpu.memory_space<vmem>>[vector<16xi32>], vector<16xi32>,
      tpu.vector_store_idx %arg9[%and3A_294], %unique3A_298 masked %unique3A_297 {add = true} : memref<2048xi32, #tpu.memory_space<vmem>>[vector<16xi32>], vector<16xi32>, vector<16xi1>
      %gather3A_386 = tpu.vector_load_idx %arg9[%and3A_323] : memref<2048xi32, #tpu.memory_space<vmem>>[vector<16xi32>], vector<16xi32>,
      %add3A_387 = arith.addi %gather3A_386, %unique3A_327 : vector<16xi32>
      %sub3A_388 = arith.constant 1 : i32
      %sub3A_389 = vector.broadcast %sub3A_388 : i32 to vector<16xi32>
      %sub3A_390 = arith.subi %add3A_387, %sub3A_389 : vector<16xi32>
      tpu.vector_store_idx %arg6[%sub3A_390], %select_n3A_315 : memref<4096xi32, #tpu.memory_space<vmem>>[vector<16xi32>], vector<16xi32>,
      tpu.vector_store_idx %arg7[%sub3A_390], %add3A_320 : memref<4096xi32, #tpu.memory_space<vmem>>[vector<16xi32>], vector<16xi32>,
      tpu.vector_store_idx %arg9[%and3A_323], %unique3A_327 masked %unique3A_326 {add = true} : memref<2048xi32, #tpu.memory_space<vmem>>[vector<16xi32>], vector<16xi32>, vector<16xi1>
      %gather3A_391 = tpu.vector_load_idx %arg9[%and3A_352] : memref<2048xi32, #tpu.memory_space<vmem>>[vector<16xi32>], vector<16xi32>,
      %add3A_392 = arith.addi %gather3A_391, %unique3A_356 : vector<16xi32>
      %sub3A_393 = arith.constant 1 : i32
      %sub3A_394 = vector.broadcast %sub3A_393 : i32 to vector<16xi32>
      %sub3A_395 = arith.subi %add3A_392, %sub3A_394 : vector<16xi32>
      tpu.vector_store_idx %arg6[%sub3A_395], %select_n3A_344 : memref<4096xi32, #tpu.memory_space<vmem>>[vector<16xi32>], vector<16xi32>,
      tpu.vector_store_idx %arg7[%sub3A_395], %add3A_349 : memref<4096xi32, #tpu.memory_space<vmem>>[vector<16xi32>], vector<16xi32>,
      tpu.vector_store_idx %arg9[%and3A_352], %unique3A_356 masked %unique3A_355 {add = true} : memref<2048xi32, #tpu.memory_space<vmem>>[vector<16xi32>], vector<16xi32>, vector<16xi1>
    }
    %scan3A_56 = arith.constant 32 : i32
    %scan3A_57 = arith.constant 0 : i32
    %scan3A_58 = arith.constant 32 : i32
    %scan3A_59 = arith.addi %scan3A_57, %scan3A_58 : i32
    %scan3A_60 = arith.constant 1 : i32
    scf.for %scan3A_123 = %scan3A_57 to %scan3A_59 step %scan3A_60  : i32 {
      %mul3A_124 = arith.constant 128 : i32
      %mul3A_125 = arith.muli %scan3A_123, %mul3A_124 : i32
      %add3A_126 = arith.constant 0 : i32
      %add3A_127 = arith.addi %add3A_126, %mul3A_125 : i32
      %add3A_128 = arith.constant 0 : i32
      %add3A_129 = arith.addi %add3A_127, %add3A_128 : i32
      %get3A_130 = arith.index_cast %add3A_129 : i32 to index
      %get3A_131 = tpu.vector_load %arg6[%get3A_130] {strides = array<i32>} : memref<4096xi32, #tpu.memory_space<vmem>>, vector<16xi32>,
      %add3A_132 = arith.constant 0 : i32
      %add3A_133 = arith.addi %add3A_127, %add3A_132 : i32
      %get3A_134 = arith.index_cast %add3A_133 : i32 to index
      %get3A_135 = tpu.vector_load %arg7[%get3A_134] {strides = array<i32>} : memref<4096xi32, #tpu.memory_space<vmem>>, vector<16xi32>,
      %shift_right_arithmetic3A = arith.constant 11 : i32
      %shift_right_arithmetic3A_136 = vector.broadcast %shift_right_arithmetic3A : i32 to vector<16xi32>
      %shift_right_arithmetic3A_137 = arith.shrsi %get3A_131, %shift_right_arithmetic3A_136 : vector<16xi32>
      %broadcast_in_dim3A_138 = arith.constant true
      %broadcast_in_dim3A_139 = vector.broadcast %broadcast_in_dim3A_138 : i1 to vector<16xi1>
      %unique3A, %unique3A_140 = tpu.scan_count mask(%broadcast_in_dim3A_139 : vector<16xi1>) value(%shift_right_arithmetic3A_137 : vector<16xi32>) : vector<16xi1>, vector<16xi32>
      %add3A_141 = arith.constant 16 : i32
      %add3A_142 = arith.addi %add3A_127, %add3A_141 : i32
      %get3A_143 = arith.index_cast %add3A_142 : i32 to index
      %get3A_144 = tpu.vector_load %arg6[%get3A_143] {strides = array<i32>} : memref<4096xi32, #tpu.memory_space<vmem>>, vector<16xi32>,
      %add3A_145 = arith.constant 16 : i32
      %add3A_146 = arith.addi %add3A_127, %add3A_145 : i32
      %get3A_147 = arith.index_cast %add3A_146 : i32 to index
      %get3A_148 = tpu.vector_load %arg7[%get3A_147] {strides = array<i32>} : memref<4096xi32, #tpu.memory_space<vmem>>, vector<16xi32>,
      %shift_right_arithmetic3A_149 = arith.constant 11 : i32
      %shift_right_arithmetic3A_150 = vector.broadcast %shift_right_arithmetic3A_149 : i32 to vector<16xi32>
      %shift_right_arithmetic3A_151 = arith.shrsi %get3A_144, %shift_right_arithmetic3A_150 : vector<16xi32>
      %broadcast_in_dim3A_152 = arith.constant true
      %broadcast_in_dim3A_153 = vector.broadcast %broadcast_in_dim3A_152 : i1 to vector<16xi1>
      %unique3A_154, %unique3A_155 = tpu.scan_count mask(%broadcast_in_dim3A_153 : vector<16xi1>) value(%shift_right_arithmetic3A_151 : vector<16xi32>) : vector<16xi1>, vector<16xi32>
      %add3A_156 = arith.constant 32 : i32
      %add3A_157 = arith.addi %add3A_127, %add3A_156 : i32
      %get3A_158 = arith.index_cast %add3A_157 : i32 to index
      %get3A_159 = tpu.vector_load %arg6[%get3A_158] {strides = array<i32>} : memref<4096xi32, #tpu.memory_space<vmem>>, vector<16xi32>,
      %add3A_160 = arith.constant 32 : i32
      %add3A_161 = arith.addi %add3A_127, %add3A_160 : i32
      %get3A_162 = arith.index_cast %add3A_161 : i32 to index
      %get3A_163 = tpu.vector_load %arg7[%get3A_162] {strides = array<i32>} : memref<4096xi32, #tpu.memory_space<vmem>>, vector<16xi32>,
      %shift_right_arithmetic3A_164 = arith.constant 11 : i32
      %shift_right_arithmetic3A_165 = vector.broadcast %shift_right_arithmetic3A_164 : i32 to vector<16xi32>
      %shift_right_arithmetic3A_166 = arith.shrsi %get3A_159, %shift_right_arithmetic3A_165 : vector<16xi32>
      %broadcast_in_dim3A_167 = arith.constant true
      %broadcast_in_dim3A_168 = vector.broadcast %broadcast_in_dim3A_167 : i1 to vector<16xi1>
      %unique3A_169, %unique3A_170 = tpu.scan_count mask(%broadcast_in_dim3A_168 : vector<16xi1>) value(%shift_right_arithmetic3A_166 : vector<16xi32>) : vector<16xi1>, vector<16xi32>
      %add3A_171 = arith.constant 48 : i32
      %add3A_172 = arith.addi %add3A_127, %add3A_171 : i32
      %get3A_173 = arith.index_cast %add3A_172 : i32 to index
      %get3A_174 = tpu.vector_load %arg6[%get3A_173] {strides = array<i32>} : memref<4096xi32, #tpu.memory_space<vmem>>, vector<16xi32>,
      %add3A_175 = arith.constant 48 : i32
      %add3A_176 = arith.addi %add3A_127, %add3A_175 : i32
      %get3A_177 = arith.index_cast %add3A_176 : i32 to index
      %get3A_178 = tpu.vector_load %arg7[%get3A_177] {strides = array<i32>} : memref<4096xi32, #tpu.memory_space<vmem>>, vector<16xi32>,
      %shift_right_arithmetic3A_179 = arith.constant 11 : i32
      %shift_right_arithmetic3A_180 = vector.broadcast %shift_right_arithmetic3A_179 : i32 to vector<16xi32>
      %shift_right_arithmetic3A_181 = arith.shrsi %get3A_174, %shift_right_arithmetic3A_180 : vector<16xi32>
      %broadcast_in_dim3A_182 = arith.constant true
      %broadcast_in_dim3A_183 = vector.broadcast %broadcast_in_dim3A_182 : i1 to vector<16xi1>
      %unique3A_184, %unique3A_185 = tpu.scan_count mask(%broadcast_in_dim3A_183 : vector<16xi1>) value(%shift_right_arithmetic3A_181 : vector<16xi32>) : vector<16xi1>, vector<16xi32>
      %add3A_186 = arith.constant 64 : i32
      %add3A_187 = arith.addi %add3A_127, %add3A_186 : i32
      %get3A_188 = arith.index_cast %add3A_187 : i32 to index
      %get3A_189 = tpu.vector_load %arg6[%get3A_188] {strides = array<i32>} : memref<4096xi32, #tpu.memory_space<vmem>>, vector<16xi32>,
      %add3A_190 = arith.constant 64 : i32
      %add3A_191 = arith.addi %add3A_127, %add3A_190 : i32
      %get3A_192 = arith.index_cast %add3A_191 : i32 to index
      %get3A_193 = tpu.vector_load %arg7[%get3A_192] {strides = array<i32>} : memref<4096xi32, #tpu.memory_space<vmem>>, vector<16xi32>,
      %shift_right_arithmetic3A_194 = arith.constant 11 : i32
      %shift_right_arithmetic3A_195 = vector.broadcast %shift_right_arithmetic3A_194 : i32 to vector<16xi32>
      %shift_right_arithmetic3A_196 = arith.shrsi %get3A_189, %shift_right_arithmetic3A_195 : vector<16xi32>
      %broadcast_in_dim3A_197 = arith.constant true
      %broadcast_in_dim3A_198 = vector.broadcast %broadcast_in_dim3A_197 : i1 to vector<16xi1>
      %unique3A_199, %unique3A_200 = tpu.scan_count mask(%broadcast_in_dim3A_198 : vector<16xi1>) value(%shift_right_arithmetic3A_196 : vector<16xi32>) : vector<16xi1>, vector<16xi32>
      %add3A_201 = arith.constant 80 : i32
      %add3A_202 = arith.addi %add3A_127, %add3A_201 : i32
      %get3A_203 = arith.index_cast %add3A_202 : i32 to index
      %get3A_204 = tpu.vector_load %arg6[%get3A_203] {strides = array<i32>} : memref<4096xi32, #tpu.memory_space<vmem>>, vector<16xi32>,
      %add3A_205 = arith.constant 80 : i32
      %add3A_206 = arith.addi %add3A_127, %add3A_205 : i32
      %get3A_207 = arith.index_cast %add3A_206 : i32 to index
      %get3A_208 = tpu.vector_load %arg7[%get3A_207] {strides = array<i32>} : memref<4096xi32, #tpu.memory_space<vmem>>, vector<16xi32>,
      %shift_right_arithmetic3A_209 = arith.constant 11 : i32
      %shift_right_arithmetic3A_210 = vector.broadcast %shift_right_arithmetic3A_209 : i32 to vector<16xi32>
      %shift_right_arithmetic3A_211 = arith.shrsi %get3A_204, %shift_right_arithmetic3A_210 : vector<16xi32>
      %broadcast_in_dim3A_212 = arith.constant true
      %broadcast_in_dim3A_213 = vector.broadcast %broadcast_in_dim3A_212 : i1 to vector<16xi1>
      %unique3A_214, %unique3A_215 = tpu.scan_count mask(%broadcast_in_dim3A_213 : vector<16xi1>) value(%shift_right_arithmetic3A_211 : vector<16xi32>) : vector<16xi1>, vector<16xi32>
      %add3A_216 = arith.constant 96 : i32
      %add3A_217 = arith.addi %add3A_127, %add3A_216 : i32
      %get3A_218 = arith.index_cast %add3A_217 : i32 to index
      %get3A_219 = tpu.vector_load %arg6[%get3A_218] {strides = array<i32>} : memref<4096xi32, #tpu.memory_space<vmem>>, vector<16xi32>,
      %add3A_220 = arith.constant 96 : i32
      %add3A_221 = arith.addi %add3A_127, %add3A_220 : i32
      %get3A_222 = arith.index_cast %add3A_221 : i32 to index
      %get3A_223 = tpu.vector_load %arg7[%get3A_222] {strides = array<i32>} : memref<4096xi32, #tpu.memory_space<vmem>>, vector<16xi32>,
      %shift_right_arithmetic3A_224 = arith.constant 11 : i32
      %shift_right_arithmetic3A_225 = vector.broadcast %shift_right_arithmetic3A_224 : i32 to vector<16xi32>
      %shift_right_arithmetic3A_226 = arith.shrsi %get3A_219, %shift_right_arithmetic3A_225 : vector<16xi32>
      %broadcast_in_dim3A_227 = arith.constant true
      %broadcast_in_dim3A_228 = vector.broadcast %broadcast_in_dim3A_227 : i1 to vector<16xi1>
      %unique3A_229, %unique3A_230 = tpu.scan_count mask(%broadcast_in_dim3A_228 : vector<16xi1>) value(%shift_right_arithmetic3A_226 : vector<16xi32>) : vector<16xi1>, vector<16xi32>
      %add3A_231 = arith.constant 112 : i32
      %add3A_232 = arith.addi %add3A_127, %add3A_231 : i32
      %get3A_233 = arith.index_cast %add3A_232 : i32 to index
      %get3A_234 = tpu.vector_load %arg6[%get3A_233] {strides = array<i32>} : memref<4096xi32, #tpu.memory_space<vmem>>, vector<16xi32>,
      %add3A_235 = arith.constant 112 : i32
      %add3A_236 = arith.addi %add3A_127, %add3A_235 : i32
      %get3A_237 = arith.index_cast %add3A_236 : i32 to index
      %get3A_238 = tpu.vector_load %arg7[%get3A_237] {strides = array<i32>} : memref<4096xi32, #tpu.memory_space<vmem>>, vector<16xi32>,
      %shift_right_arithmetic3A_239 = arith.constant 11 : i32
      %shift_right_arithmetic3A_240 = vector.broadcast %shift_right_arithmetic3A_239 : i32 to vector<16xi32>
      %shift_right_arithmetic3A_241 = arith.shrsi %get3A_234, %shift_right_arithmetic3A_240 : vector<16xi32>
      %broadcast_in_dim3A_242 = arith.constant true
      %broadcast_in_dim3A_243 = vector.broadcast %broadcast_in_dim3A_242 : i1 to vector<16xi1>
      %unique3A_244, %unique3A_245 = tpu.scan_count mask(%broadcast_in_dim3A_243 : vector<16xi1>) value(%shift_right_arithmetic3A_241 : vector<16xi32>) : vector<16xi1>, vector<16xi32>
      %gather3A = tpu.vector_load_idx %arg10[%shift_right_arithmetic3A_137] : memref<1024xi32, #tpu.memory_space<vmem>>[vector<16xi32>], vector<16xi32>,
      %add3A_246 = arith.addi %gather3A, %unique3A_140 : vector<16xi32>
      %sub3A_247 = arith.constant 1 : i32
      %sub3A_248 = vector.broadcast %sub3A_247 : i32 to vector<16xi32>
      %sub3A_249 = arith.subi %add3A_246, %sub3A_248 : vector<16xi32>
      tpu.vector_store_idx %arg8[%sub3A_249], %get3A_135 : memref<4096xi32, #tpu.memory_space<vmem>>[vector<16xi32>], vector<16xi32>,
      tpu.vector_store_idx %arg10[%shift_right_arithmetic3A_137], %unique3A_140 masked %unique3A {add = true} : memref<1024xi32, #tpu.memory_space<vmem>>[vector<16xi32>], vector<16xi32>, vector<16xi1>
      %gather3A_250 = tpu.vector_load_idx %arg10[%shift_right_arithmetic3A_151] : memref<1024xi32, #tpu.memory_space<vmem>>[vector<16xi32>], vector<16xi32>,
      %add3A_251 = arith.addi %gather3A_250, %unique3A_155 : vector<16xi32>
      %sub3A_252 = arith.constant 1 : i32
      %sub3A_253 = vector.broadcast %sub3A_252 : i32 to vector<16xi32>
      %sub3A_254 = arith.subi %add3A_251, %sub3A_253 : vector<16xi32>
      tpu.vector_store_idx %arg8[%sub3A_254], %get3A_148 : memref<4096xi32, #tpu.memory_space<vmem>>[vector<16xi32>], vector<16xi32>,
      tpu.vector_store_idx %arg10[%shift_right_arithmetic3A_151], %unique3A_155 masked %unique3A_154 {add = true} : memref<1024xi32, #tpu.memory_space<vmem>>[vector<16xi32>], vector<16xi32>, vector<16xi1>
      %gather3A_255 = tpu.vector_load_idx %arg10[%shift_right_arithmetic3A_166] : memref<1024xi32, #tpu.memory_space<vmem>>[vector<16xi32>], vector<16xi32>,
      %add3A_256 = arith.addi %gather3A_255, %unique3A_170 : vector<16xi32>
      %sub3A_257 = arith.constant 1 : i32
      %sub3A_258 = vector.broadcast %sub3A_257 : i32 to vector<16xi32>
      %sub3A_259 = arith.subi %add3A_256, %sub3A_258 : vector<16xi32>
      tpu.vector_store_idx %arg8[%sub3A_259], %get3A_163 : memref<4096xi32, #tpu.memory_space<vmem>>[vector<16xi32>], vector<16xi32>,
      tpu.vector_store_idx %arg10[%shift_right_arithmetic3A_166], %unique3A_170 masked %unique3A_169 {add = true} : memref<1024xi32, #tpu.memory_space<vmem>>[vector<16xi32>], vector<16xi32>, vector<16xi1>
      %gather3A_260 = tpu.vector_load_idx %arg10[%shift_right_arithmetic3A_181] : memref<1024xi32, #tpu.memory_space<vmem>>[vector<16xi32>], vector<16xi32>,
      %add3A_261 = arith.addi %gather3A_260, %unique3A_185 : vector<16xi32>
      %sub3A_262 = arith.constant 1 : i32
      %sub3A_263 = vector.broadcast %sub3A_262 : i32 to vector<16xi32>
      %sub3A_264 = arith.subi %add3A_261, %sub3A_263 : vector<16xi32>
      tpu.vector_store_idx %arg8[%sub3A_264], %get3A_178 : memref<4096xi32, #tpu.memory_space<vmem>>[vector<16xi32>], vector<16xi32>,
      tpu.vector_store_idx %arg10[%shift_right_arithmetic3A_181], %unique3A_185 masked %unique3A_184 {add = true} : memref<1024xi32, #tpu.memory_space<vmem>>[vector<16xi32>], vector<16xi32>, vector<16xi1>
      %gather3A_265 = tpu.vector_load_idx %arg10[%shift_right_arithmetic3A_196] : memref<1024xi32, #tpu.memory_space<vmem>>[vector<16xi32>], vector<16xi32>,
      %add3A_266 = arith.addi %gather3A_265, %unique3A_200 : vector<16xi32>
      %sub3A_267 = arith.constant 1 : i32
      %sub3A_268 = vector.broadcast %sub3A_267 : i32 to vector<16xi32>
      %sub3A_269 = arith.subi %add3A_266, %sub3A_268 : vector<16xi32>
      tpu.vector_store_idx %arg8[%sub3A_269], %get3A_193 : memref<4096xi32, #tpu.memory_space<vmem>>[vector<16xi32>], vector<16xi32>,
      tpu.vector_store_idx %arg10[%shift_right_arithmetic3A_196], %unique3A_200 masked %unique3A_199 {add = true} : memref<1024xi32, #tpu.memory_space<vmem>>[vector<16xi32>], vector<16xi32>, vector<16xi1>
      %gather3A_270 = tpu.vector_load_idx %arg10[%shift_right_arithmetic3A_211] : memref<1024xi32, #tpu.memory_space<vmem>>[vector<16xi32>], vector<16xi32>,
      %add3A_271 = arith.addi %gather3A_270, %unique3A_215 : vector<16xi32>
      %sub3A_272 = arith.constant 1 : i32
      %sub3A_273 = vector.broadcast %sub3A_272 : i32 to vector<16xi32>
      %sub3A_274 = arith.subi %add3A_271, %sub3A_273 : vector<16xi32>
      tpu.vector_store_idx %arg8[%sub3A_274], %get3A_208 : memref<4096xi32, #tpu.memory_space<vmem>>[vector<16xi32>], vector<16xi32>,
      tpu.vector_store_idx %arg10[%shift_right_arithmetic3A_211], %unique3A_215 masked %unique3A_214 {add = true} : memref<1024xi32, #tpu.memory_space<vmem>>[vector<16xi32>], vector<16xi32>, vector<16xi1>
      %gather3A_275 = tpu.vector_load_idx %arg10[%shift_right_arithmetic3A_226] : memref<1024xi32, #tpu.memory_space<vmem>>[vector<16xi32>], vector<16xi32>,
      %add3A_276 = arith.addi %gather3A_275, %unique3A_230 : vector<16xi32>
      %sub3A_277 = arith.constant 1 : i32
      %sub3A_278 = vector.broadcast %sub3A_277 : i32 to vector<16xi32>
      %sub3A_279 = arith.subi %add3A_276, %sub3A_278 : vector<16xi32>
      tpu.vector_store_idx %arg8[%sub3A_279], %get3A_223 : memref<4096xi32, #tpu.memory_space<vmem>>[vector<16xi32>], vector<16xi32>,
      tpu.vector_store_idx %arg10[%shift_right_arithmetic3A_226], %unique3A_230 masked %unique3A_229 {add = true} : memref<1024xi32, #tpu.memory_space<vmem>>[vector<16xi32>], vector<16xi32>, vector<16xi1>
      %gather3A_280 = tpu.vector_load_idx %arg10[%shift_right_arithmetic3A_241] : memref<1024xi32, #tpu.memory_space<vmem>>[vector<16xi32>], vector<16xi32>,
      %add3A_281 = arith.addi %gather3A_280, %unique3A_245 : vector<16xi32>
      %sub3A_282 = arith.constant 1 : i32
      %sub3A_283 = vector.broadcast %sub3A_282 : i32 to vector<16xi32>
      %sub3A_284 = arith.subi %add3A_281, %sub3A_283 : vector<16xi32>
      tpu.vector_store_idx %arg8[%sub3A_284], %get3A_238 : memref<4096xi32, #tpu.memory_space<vmem>>[vector<16xi32>], vector<16xi32>,
      tpu.vector_store_idx %arg10[%shift_right_arithmetic3A_241], %unique3A_245 masked %unique3A_244 {add = true} : memref<1024xi32, #tpu.memory_space<vmem>>[vector<16xi32>], vector<16xi32>, vector<16xi1>
    }
    %scan3A_61 = arith.constant 32 : i32
    %jit3A = arith.constant 128 : i32
    %div3A = arith.divsi %sub3A_25, %jit3A : i32
    %sign3A = arith.constant 0 : i32
    %sign3A_62 = arith.cmpi sgt, %sub3A_25, %sign3A : i32
    %sign3A_63 = arith.extui %sign3A_62 : i1 to i32
    %sign3A_64 = arith.constant 0 : i32
    %sign3A_65 = arith.cmpi slt, %sub3A_25, %sign3A_64 : i32
    %sign3A_66 = arith.extui %sign3A_65 : i1 to i32
    %sign3A_67 = arith.subi %sign3A_63, %sign3A_66 : i32
    %sign3A_68 = arith.constant 0 : i32
    %sign3A_69 = arith.cmpi sgt, %jit3A, %sign3A_68 : i32
    %sign3A_70 = arith.extui %sign3A_69 : i1 to i32
    %sign3A_71 = arith.constant 0 : i32
    %sign3A_72 = arith.cmpi slt, %jit3A, %sign3A_71 : i32
    %sign3A_73 = arith.extui %sign3A_72 : i1 to i32
    %sign3A_74 = arith.subi %sign3A_70, %sign3A_73 : i32
    %ne3A = arith.cmpi ne, %sign3A_67, %sign3A_74 : i32
    %rem3A = arith.remsi %sub3A_25, %jit3A : i32
    %ne3A_75 = arith.constant 0 : i32
    %ne3A_76 = arith.cmpi ne, %rem3A, %ne3A_75 : i32
    %and3A = arith.andi %ne3A, %ne3A_76 : i1
    %sub3A_77 = arith.constant 1 : i32
    %sub3A_78 = arith.subi %div3A, %sub3A_77 : i32
    %select_n3A_79 = arith.select %and3A, %sub3A_78, %div3A : i32
    %while3A = arith.constant 0 : i32
    %while3A_80 = arith.constant 0 : i32
    %while3A_81 = arith.subi %select_n3A_79, %while3A_80 : i32
    %while3A_82 = arith.addi %while3A_80, %while3A_81 : i32
    %while3A_83 = arith.constant 1 : i32
    %while3A_84 = arith.divsi %while3A_81, %while3A_83 : i32
    %while3A_85 = arith.muli %while3A_84, %while3A_83 : i32
    %while3A_86 = arith.addi %while3A_80, %while3A_85 : i32
    %while3A_87 = arith.constant 1 : i32
    scf.for %while3A_123 = %while3A_80 to %while3A_86 step %while3A_87  : i32 {
      %mul3A_124 = arith.constant 128 : i32
      %mul3A_125 = arith.muli %while3A_123, %mul3A_124 : i32
      %add3A_126 = arith.addi %sub3A_27, %mul3A_125 : i32
      %multiple_of3A_127 = tpu.assume_multiple %add3A_126, 8 : i32
      %mul3A_128 = arith.constant 32768 : i32
      %mul3A_129 = arith.muli %arg0, %mul3A_128 : i32
      %add3A_130 = arith.addi %mul3A_129, %reduce_sum3A_7 : i32
      %mul3A_131 = arith.constant 128 : i32
      %mul3A_132 = arith.muli %while3A_123, %mul3A_131 : i32
      %add3A_133 = arith.addi %add3A_130, %mul3A_132 : i32
      %multiple_of3A_134 = tpu.assume_multiple %add3A_133, 8 : i32
      %dma_start3A_135 = tpu.memref_slice %arg8[%multiple_of3A_127] : memref<4096xi32, #tpu.memory_space<vmem>> -> memref<128xi32, #tpu.memory_space<vmem>>
      %dma_start3A_136 = tpu.memref_slice %arg4[%multiple_of3A_134] : memref<65536xi32, #tpu.memory_space<hbm>> -> memref<128xi32, #tpu.memory_space<hbm>>
      %dma_start3A_137 = tpu.memref_slice %arg4[%multiple_of3A_134] : memref<65536xi32, #tpu.memory_space<hbm>> -> memref<128xi32, #tpu.memory_space<hbm>>
      %dma_start3A_138 = tpu.memref_slice %arg8[%multiple_of3A_127] : memref<4096xi32, #tpu.memory_space<vmem>> -> memref<128xi32, #tpu.memory_space<vmem>>
      tpu.enqueue_dma source(%dma_start3A_138 : memref<128xi32, #tpu.memory_space<vmem>>) target(%dma_start3A_137 : memref<128xi32, #tpu.memory_space<hbm>>) target_semaphore(%arg12 : memref<!tpu.dma_semaphore, #tpu.memory_space<semaphore_mem>>)
    }
    %while3A_88 = arith.constant 1 : i32
    scf.for %while3A_123 = %while3A_86 to %while3A_82 step %while3A_88  : i32 {
      %mul3A_124 = arith.constant 128 : i32
      %mul3A_125 = arith.muli %while3A_123, %mul3A_124 : i32
      %add3A_126 = arith.addi %sub3A_27, %mul3A_125 : i32
      %multiple_of3A_127 = tpu.assume_multiple %add3A_126, 8 : i32
      %mul3A_128 = arith.constant 32768 : i32
      %mul3A_129 = arith.muli %arg0, %mul3A_128 : i32
      %add3A_130 = arith.addi %mul3A_129, %reduce_sum3A_7 : i32
      %mul3A_131 = arith.constant 128 : i32
      %mul3A_132 = arith.muli %while3A_123, %mul3A_131 : i32
      %add3A_133 = arith.addi %add3A_130, %mul3A_132 : i32
      %multiple_of3A_134 = tpu.assume_multiple %add3A_133, 8 : i32
      %dma_start3A_135 = tpu.memref_slice %arg8[%multiple_of3A_127] : memref<4096xi32, #tpu.memory_space<vmem>> -> memref<128xi32, #tpu.memory_space<vmem>>
      %dma_start3A_136 = tpu.memref_slice %arg4[%multiple_of3A_134] : memref<65536xi32, #tpu.memory_space<hbm>> -> memref<128xi32, #tpu.memory_space<hbm>>
      %dma_start3A_137 = tpu.memref_slice %arg4[%multiple_of3A_134] : memref<65536xi32, #tpu.memory_space<hbm>> -> memref<128xi32, #tpu.memory_space<hbm>>
      %dma_start3A_138 = tpu.memref_slice %arg8[%multiple_of3A_127] : memref<4096xi32, #tpu.memory_space<vmem>> -> memref<128xi32, #tpu.memory_space<vmem>>
      tpu.enqueue_dma source(%dma_start3A_138 : memref<128xi32, #tpu.memory_space<vmem>>) target(%dma_start3A_137 : memref<128xi32, #tpu.memory_space<hbm>>) target_semaphore(%arg12 : memref<!tpu.dma_semaphore, #tpu.memory_space<semaphore_mem>>)
    }
    %jit3A_89 = arith.constant 128 : i32
    %div3A_90 = arith.divsi %sub3A_25, %jit3A_89 : i32
    %sign3A_91 = arith.constant 0 : i32
    %sign3A_92 = arith.cmpi sgt, %sub3A_25, %sign3A_91 : i32
    %sign3A_93 = arith.extui %sign3A_92 : i1 to i32
    %sign3A_94 = arith.constant 0 : i32
    %sign3A_95 = arith.cmpi slt, %sub3A_25, %sign3A_94 : i32
    %sign3A_96 = arith.extui %sign3A_95 : i1 to i32
    %sign3A_97 = arith.subi %sign3A_93, %sign3A_96 : i32
    %sign3A_98 = arith.constant 0 : i32
    %sign3A_99 = arith.cmpi sgt, %jit3A_89, %sign3A_98 : i32
    %sign3A_100 = arith.extui %sign3A_99 : i1 to i32
    %sign3A_101 = arith.constant 0 : i32
    %sign3A_102 = arith.cmpi slt, %jit3A_89, %sign3A_101 : i32
    %sign3A_103 = arith.extui %sign3A_102 : i1 to i32
    %sign3A_104 = arith.subi %sign3A_100, %sign3A_103 : i32
    %ne3A_105 = arith.cmpi ne, %sign3A_97, %sign3A_104 : i32
    %rem3A_106 = arith.remsi %sub3A_25, %jit3A_89 : i32
    %ne3A_107 = arith.constant 0 : i32
    %ne3A_108 = arith.cmpi ne, %rem3A_106, %ne3A_107 : i32
    %and3A_109 = arith.andi %ne3A_105, %ne3A_108 : i1
    %sub3A_110 = arith.constant 1 : i32
    %sub3A_111 = arith.subi %div3A_90, %sub3A_110 : i32
    %select_n3A_112 = arith.select %and3A_109, %sub3A_111, %div3A_90 : i32
    %while3A_113 = arith.constant 0 : i32
    %while3A_114 = arith.constant 0 : i32
    %while3A_115 = arith.subi %select_n3A_112, %while3A_114 : i32
    %while3A_116 = arith.addi %while3A_114, %while3A_115 : i32
    %while3A_117 = arith.constant 1 : i32
    %while3A_118 = arith.divsi %while3A_115, %while3A_117 : i32
    %while3A_119 = arith.muli %while3A_118, %while3A_117 : i32
    %while3A_120 = arith.addi %while3A_114, %while3A_119 : i32
    %while3A_121 = arith.constant 1 : i32
    scf.for %while3A_123 = %while3A_114 to %while3A_120 step %while3A_121  : i32 {
      %mul3A_124 = arith.constant 128 : i32
      %mul3A_125 = arith.muli %while3A_123, %mul3A_124 : i32
      %add3A_126 = arith.addi %sub3A_27, %mul3A_125 : i32
      %multiple_of3A_127 = tpu.assume_multiple %add3A_126, 8 : i32
      %mul3A_128 = arith.constant 32768 : i32
      %mul3A_129 = arith.muli %arg0, %mul3A_128 : i32
      %add3A_130 = arith.addi %mul3A_129, %reduce_sum3A_7 : i32
      %mul3A_131 = arith.constant 128 : i32
      %mul3A_132 = arith.muli %while3A_123, %mul3A_131 : i32
      %add3A_133 = arith.addi %add3A_130, %mul3A_132 : i32
      %multiple_of3A_134 = tpu.assume_multiple %add3A_133, 8 : i32
      %dma_wait3A_135 = tpu.memref_slice %arg8[%multiple_of3A_127] : memref<4096xi32, #tpu.memory_space<vmem>> -> memref<128xi32, #tpu.memory_space<vmem>>
      %dma_wait3A_136 = tpu.memref_slice %arg4[%multiple_of3A_134] : memref<65536xi32, #tpu.memory_space<hbm>> -> memref<128xi32, #tpu.memory_space<hbm>>
      %dma_wait3A_137 = tpu.memref_slice %arg4[%multiple_of3A_134] : memref<65536xi32, #tpu.memory_space<hbm>> -> memref<128xi32, #tpu.memory_space<hbm>>
      %dma_wait3A_138 = tpu.memref_slice %arg8[%multiple_of3A_127] : memref<4096xi32, #tpu.memory_space<vmem>> -> memref<128xi32, #tpu.memory_space<vmem>>
      tpu.wait_dma2 semaphore(%arg12 : memref<!tpu.dma_semaphore, #tpu.memory_space<semaphore_mem>>) src(%dma_wait3A_138 : memref<128xi32, #tpu.memory_space<vmem>>) dst(%dma_wait3A_137 : memref<128xi32, #tpu.memory_space<hbm>>)
    }
    %while3A_122 = arith.constant 1 : i32
    scf.for %while3A_123 = %while3A_120 to %while3A_116 step %while3A_122  : i32 {
      %mul3A_124 = arith.constant 128 : i32
      %mul3A_125 = arith.muli %while3A_123, %mul3A_124 : i32
      %add3A_126 = arith.addi %sub3A_27, %mul3A_125 : i32
      %multiple_of3A_127 = tpu.assume_multiple %add3A_126, 8 : i32
      %mul3A_128 = arith.constant 32768 : i32
      %mul3A_129 = arith.muli %arg0, %mul3A_128 : i32
      %add3A_130 = arith.addi %mul3A_129, %reduce_sum3A_7 : i32
      %mul3A_131 = arith.constant 128 : i32
      %mul3A_132 = arith.muli %while3A_123, %mul3A_131 : i32
      %add3A_133 = arith.addi %add3A_130, %mul3A_132 : i32
      %multiple_of3A_134 = tpu.assume_multiple %add3A_133, 8 : i32
      %dma_wait3A_135 = tpu.memref_slice %arg8[%multiple_of3A_127] : memref<4096xi32, #tpu.memory_space<vmem>> -> memref<128xi32, #tpu.memory_space<vmem>>
      %dma_wait3A_136 = tpu.memref_slice %arg4[%multiple_of3A_134] : memref<65536xi32, #tpu.memory_space<hbm>> -> memref<128xi32, #tpu.memory_space<hbm>>
      %dma_wait3A_137 = tpu.memref_slice %arg4[%multiple_of3A_134] : memref<65536xi32, #tpu.memory_space<hbm>> -> memref<128xi32, #tpu.memory_space<hbm>>
      %dma_wait3A_138 = tpu.memref_slice %arg8[%multiple_of3A_127] : memref<4096xi32, #tpu.memory_space<vmem>> -> memref<128xi32, #tpu.memory_space<vmem>>
      tpu.wait_dma2 semaphore(%arg12 : memref<!tpu.dma_semaphore, #tpu.memory_space<semaphore_mem>>) src(%dma_wait3A_138 : memref<128xi32, #tpu.memory_space<vmem>>) dst(%dma_wait3A_137 : memref<128xi32, #tpu.memory_space<hbm>>)
    }
    return
  }
}

module attributes {stable_mosaic.version = 14 : i64} {
  func.func @_codes_body(%arg0: memref<4x256x128xi32, #tpu.memory_space<vmem>>, %arg1: memref<2x256x128xi32, #tpu.memory_space<vmem>>, %arg2: memref<8x128xi32, #tpu.memory_space<vmem>>) attributes {dimension_semantics = [], scalar_prefetch = 0 : i64, scratch_operands = 0 : i64, tpu.core_type = #tpu.core_type<tc>} {
    %get3A = arith.constant 0 : index
    %get3A_0 = arith.constant 0 : index
    %get3A_1 = arith.constant 0 : index
    %get3A_2 = vector.load %arg0[%get3A, %get3A_0, %get3A_1] : memref<4x256x128xi32, #tpu.memory_space<vmem>>, vector<1x256x128xi32>
    %get3A_3 = vector.shape_cast %get3A_2 : vector<1x256x128xi32> to vector<256x128xi32>
    %get3A_4 = arith.constant 1 : index
    %get3A_5 = arith.constant 0 : index
    %get3A_6 = arith.constant 0 : index
    %get3A_7 = vector.load %arg0[%get3A_4, %get3A_5, %get3A_6] : memref<4x256x128xi32, #tpu.memory_space<vmem>>, vector<1x256x128xi32>
    %get3A_8 = vector.shape_cast %get3A_7 : vector<1x256x128xi32> to vector<256x128xi32>
    %get3A_9 = arith.constant 2 : index
    %get3A_10 = arith.constant 0 : index
    %get3A_11 = arith.constant 0 : index
    %get3A_12 = vector.load %arg0[%get3A_9, %get3A_10, %get3A_11] : memref<4x256x128xi32, #tpu.memory_space<vmem>>, vector<1x256x128xi32>
    %get3A_13 = vector.shape_cast %get3A_12 : vector<1x256x128xi32> to vector<256x128xi32>
    %get3A_14 = arith.constant 3 : index
    %get3A_15 = arith.constant 0 : index
    %get3A_16 = arith.constant 0 : index
    %get3A_17 = vector.load %arg0[%get3A_14, %get3A_15, %get3A_16] : memref<4x256x128xi32, #tpu.memory_space<vmem>>, vector<1x256x128xi32>
    %get3A_18 = vector.shape_cast %get3A_17 : vector<1x256x128xi32> to vector<256x128xi32>
    %lt3A = arith.constant 1 : i32
    %lt3A_19 = vector.broadcast %lt3A : i32 to vector<256x128xi32>
    %lt3A_20 = arith.cmpi slt, %get3A_3, %lt3A_19 : vector<256x128xi32>
    %convert_element_type3A = arith.extui %lt3A_20 : vector<256x128xi1> to vector<256x128xi32>
    %reduce_sum3A = vector.shape_cast %convert_element_type3A : vector<256x128xi32> to vector<1x256x128xi32>
    %reduce_sum3A_21 = arith.constant dense<0> : vector<1xi32>
    %reduce_sum3A_22 = vector.multi_reduction <add>, %reduce_sum3A, %reduce_sum3A_21 [1, 2] : vector<1x256x128xi32> to vector<1xi32>
    %reduce_sum3A_23 = vector.shape_cast %reduce_sum3A_22 : vector<1xi32> to vector<1x1x1xi32>
    %reduce_sum3A_24 = vector.extract %reduce_sum3A_23[0, 0, 0] : i32 from vector<1x1x1xi32>
    %lt3A_25 = arith.constant 2 : i32
    %lt3A_26 = vector.broadcast %lt3A_25 : i32 to vector<256x128xi32>
    %lt3A_27 = arith.cmpi slt, %get3A_3, %lt3A_26 : vector<256x128xi32>
    %convert_element_type3A_28 = arith.extui %lt3A_27 : vector<256x128xi1> to vector<256x128xi32>
    %reduce_sum3A_29 = vector.shape_cast %convert_element_type3A_28 : vector<256x128xi32> to vector<1x256x128xi32>
    %reduce_sum3A_30 = arith.constant dense<0> : vector<1xi32>
    %reduce_sum3A_31 = vector.multi_reduction <add>, %reduce_sum3A_29, %reduce_sum3A_30 [1, 2] : vector<1x256x128xi32> to vector<1xi32>
    %reduce_sum3A_32 = vector.shape_cast %reduce_sum3A_31 : vector<1xi32> to vector<1x1x1xi32>
    %reduce_sum3A_33 = vector.extract %reduce_sum3A_32[0, 0, 0] : i32 from vector<1x1x1xi32>
    %lt3A_34 = arith.constant 3 : i32
    %lt3A_35 = vector.broadcast %lt3A_34 : i32 to vector<256x128xi32>
    %lt3A_36 = arith.cmpi slt, %get3A_3, %lt3A_35 : vector<256x128xi32>
    %convert_element_type3A_37 = arith.extui %lt3A_36 : vector<256x128xi1> to vector<256x128xi32>
    %reduce_sum3A_38 = vector.shape_cast %convert_element_type3A_37 : vector<256x128xi32> to vector<1x256x128xi32>
    %reduce_sum3A_39 = arith.constant dense<0> : vector<1xi32>
    %reduce_sum3A_40 = vector.multi_reduction <add>, %reduce_sum3A_38, %reduce_sum3A_39 [1, 2] : vector<1x256x128xi32> to vector<1xi32>
    %reduce_sum3A_41 = vector.shape_cast %reduce_sum3A_40 : vector<1xi32> to vector<1x1x1xi32>
    %reduce_sum3A_42 = vector.extract %reduce_sum3A_41[0, 0, 0] : i32 from vector<1x1x1xi32>
    %lt3A_43 = arith.constant 4 : i32
    %lt3A_44 = vector.broadcast %lt3A_43 : i32 to vector<256x128xi32>
    %lt3A_45 = arith.cmpi slt, %get3A_3, %lt3A_44 : vector<256x128xi32>
    %convert_element_type3A_46 = arith.extui %lt3A_45 : vector<256x128xi1> to vector<256x128xi32>
    %reduce_sum3A_47 = vector.shape_cast %convert_element_type3A_46 : vector<256x128xi32> to vector<1x256x128xi32>
    %reduce_sum3A_48 = arith.constant dense<0> : vector<1xi32>
    %reduce_sum3A_49 = vector.multi_reduction <add>, %reduce_sum3A_47, %reduce_sum3A_48 [1, 2] : vector<1x256x128xi32> to vector<1xi32>
    %reduce_sum3A_50 = vector.shape_cast %reduce_sum3A_49 : vector<1xi32> to vector<1x1x1xi32>
    %reduce_sum3A_51 = vector.extract %reduce_sum3A_50[0, 0, 0] : i32 from vector<1x1x1xi32>
    %lt3A_52 = arith.constant 5 : i32
    %lt3A_53 = vector.broadcast %lt3A_52 : i32 to vector<256x128xi32>
    %lt3A_54 = arith.cmpi slt, %get3A_3, %lt3A_53 : vector<256x128xi32>
    %convert_element_type3A_55 = arith.extui %lt3A_54 : vector<256x128xi1> to vector<256x128xi32>
    %reduce_sum3A_56 = vector.shape_cast %convert_element_type3A_55 : vector<256x128xi32> to vector<1x256x128xi32>
    %reduce_sum3A_57 = arith.constant dense<0> : vector<1xi32>
    %reduce_sum3A_58 = vector.multi_reduction <add>, %reduce_sum3A_56, %reduce_sum3A_57 [1, 2] : vector<1x256x128xi32> to vector<1xi32>
    %reduce_sum3A_59 = vector.shape_cast %reduce_sum3A_58 : vector<1xi32> to vector<1x1x1xi32>
    %reduce_sum3A_60 = vector.extract %reduce_sum3A_59[0, 0, 0] : i32 from vector<1x1x1xi32>
    %lt3A_61 = arith.constant 6 : i32
    %lt3A_62 = vector.broadcast %lt3A_61 : i32 to vector<256x128xi32>
    %lt3A_63 = arith.cmpi slt, %get3A_3, %lt3A_62 : vector<256x128xi32>
    %convert_element_type3A_64 = arith.extui %lt3A_63 : vector<256x128xi1> to vector<256x128xi32>
    %reduce_sum3A_65 = vector.shape_cast %convert_element_type3A_64 : vector<256x128xi32> to vector<1x256x128xi32>
    %reduce_sum3A_66 = arith.constant dense<0> : vector<1xi32>
    %reduce_sum3A_67 = vector.multi_reduction <add>, %reduce_sum3A_65, %reduce_sum3A_66 [1, 2] : vector<1x256x128xi32> to vector<1xi32>
    %reduce_sum3A_68 = vector.shape_cast %reduce_sum3A_67 : vector<1xi32> to vector<1x1x1xi32>
    %reduce_sum3A_69 = vector.extract %reduce_sum3A_68[0, 0, 0] : i32 from vector<1x1x1xi32>
    %lt3A_70 = arith.constant 7 : i32
    %lt3A_71 = vector.broadcast %lt3A_70 : i32 to vector<256x128xi32>
    %lt3A_72 = arith.cmpi slt, %get3A_3, %lt3A_71 : vector<256x128xi32>
    %convert_element_type3A_73 = arith.extui %lt3A_72 : vector<256x128xi1> to vector<256x128xi32>
    %reduce_sum3A_74 = vector.shape_cast %convert_element_type3A_73 : vector<256x128xi32> to vector<1x256x128xi32>
    %reduce_sum3A_75 = arith.constant dense<0> : vector<1xi32>
    %reduce_sum3A_76 = vector.multi_reduction <add>, %reduce_sum3A_74, %reduce_sum3A_75 [1, 2] : vector<1x256x128xi32> to vector<1xi32>
    %reduce_sum3A_77 = vector.shape_cast %reduce_sum3A_76 : vector<1xi32> to vector<1x1x1xi32>
    %reduce_sum3A_78 = vector.extract %reduce_sum3A_77[0, 0, 0] : i32 from vector<1x1x1xi32>
    %lt3A_79 = arith.constant 8 : i32
    %lt3A_80 = vector.broadcast %lt3A_79 : i32 to vector<256x128xi32>
    %lt3A_81 = arith.cmpi slt, %get3A_3, %lt3A_80 : vector<256x128xi32>
    %convert_element_type3A_82 = arith.extui %lt3A_81 : vector<256x128xi1> to vector<256x128xi32>
    %reduce_sum3A_83 = vector.shape_cast %convert_element_type3A_82 : vector<256x128xi32> to vector<1x256x128xi32>
    %reduce_sum3A_84 = arith.constant dense<0> : vector<1xi32>
    %reduce_sum3A_85 = vector.multi_reduction <add>, %reduce_sum3A_83, %reduce_sum3A_84 [1, 2] : vector<1x256x128xi32> to vector<1xi32>
    %reduce_sum3A_86 = vector.shape_cast %reduce_sum3A_85 : vector<1xi32> to vector<1x1x1xi32>
    %reduce_sum3A_87 = vector.extract %reduce_sum3A_86[0, 0, 0] : i32 from vector<1x1x1xi32>
    %lt3A_88 = arith.constant 9 : i32
    %lt3A_89 = vector.broadcast %lt3A_88 : i32 to vector<256x128xi32>
    %lt3A_90 = arith.cmpi slt, %get3A_3, %lt3A_89 : vector<256x128xi32>
    %convert_element_type3A_91 = arith.extui %lt3A_90 : vector<256x128xi1> to vector<256x128xi32>
    %reduce_sum3A_92 = vector.shape_cast %convert_element_type3A_91 : vector<256x128xi32> to vector<1x256x128xi32>
    %reduce_sum3A_93 = arith.constant dense<0> : vector<1xi32>
    %reduce_sum3A_94 = vector.multi_reduction <add>, %reduce_sum3A_92, %reduce_sum3A_93 [1, 2] : vector<1x256x128xi32> to vector<1xi32>
    %reduce_sum3A_95 = vector.shape_cast %reduce_sum3A_94 : vector<1xi32> to vector<1x1x1xi32>
    %reduce_sum3A_96 = vector.extract %reduce_sum3A_95[0, 0, 0] : i32 from vector<1x1x1xi32>
    %lt3A_97 = arith.constant 10 : i32
    %lt3A_98 = vector.broadcast %lt3A_97 : i32 to vector<256x128xi32>
    %lt3A_99 = arith.cmpi slt, %get3A_3, %lt3A_98 : vector<256x128xi32>
    %convert_element_type3A_100 = arith.extui %lt3A_99 : vector<256x128xi1> to vector<256x128xi32>
    %reduce_sum3A_101 = vector.shape_cast %convert_element_type3A_100 : vector<256x128xi32> to vector<1x256x128xi32>
    %reduce_sum3A_102 = arith.constant dense<0> : vector<1xi32>
    %reduce_sum3A_103 = vector.multi_reduction <add>, %reduce_sum3A_101, %reduce_sum3A_102 [1, 2] : vector<1x256x128xi32> to vector<1xi32>
    %reduce_sum3A_104 = vector.shape_cast %reduce_sum3A_103 : vector<1xi32> to vector<1x1x1xi32>
    %reduce_sum3A_105 = vector.extract %reduce_sum3A_104[0, 0, 0] : i32 from vector<1x1x1xi32>
    %lt3A_106 = arith.constant 11 : i32
    %lt3A_107 = vector.broadcast %lt3A_106 : i32 to vector<256x128xi32>
    %lt3A_108 = arith.cmpi slt, %get3A_3, %lt3A_107 : vector<256x128xi32>
    %convert_element_type3A_109 = arith.extui %lt3A_108 : vector<256x128xi1> to vector<256x128xi32>
    %reduce_sum3A_110 = vector.shape_cast %convert_element_type3A_109 : vector<256x128xi32> to vector<1x256x128xi32>
    %reduce_sum3A_111 = arith.constant dense<0> : vector<1xi32>
    %reduce_sum3A_112 = vector.multi_reduction <add>, %reduce_sum3A_110, %reduce_sum3A_111 [1, 2] : vector<1x256x128xi32> to vector<1xi32>
    %reduce_sum3A_113 = vector.shape_cast %reduce_sum3A_112 : vector<1xi32> to vector<1x1x1xi32>
    %reduce_sum3A_114 = vector.extract %reduce_sum3A_113[0, 0, 0] : i32 from vector<1x1x1xi32>
    %lt3A_115 = arith.constant 12 : i32
    %lt3A_116 = vector.broadcast %lt3A_115 : i32 to vector<256x128xi32>
    %lt3A_117 = arith.cmpi slt, %get3A_3, %lt3A_116 : vector<256x128xi32>
    %convert_element_type3A_118 = arith.extui %lt3A_117 : vector<256x128xi1> to vector<256x128xi32>
    %reduce_sum3A_119 = vector.shape_cast %convert_element_type3A_118 : vector<256x128xi32> to vector<1x256x128xi32>
    %reduce_sum3A_120 = arith.constant dense<0> : vector<1xi32>
    %reduce_sum3A_121 = vector.multi_reduction <add>, %reduce_sum3A_119, %reduce_sum3A_120 [1, 2] : vector<1x256x128xi32> to vector<1xi32>
    %reduce_sum3A_122 = vector.shape_cast %reduce_sum3A_121 : vector<1xi32> to vector<1x1x1xi32>
    %reduce_sum3A_123 = vector.extract %reduce_sum3A_122[0, 0, 0] : i32 from vector<1x1x1xi32>
    %lt3A_124 = arith.constant 13 : i32
    %lt3A_125 = vector.broadcast %lt3A_124 : i32 to vector<256x128xi32>
    %lt3A_126 = arith.cmpi slt, %get3A_3, %lt3A_125 : vector<256x128xi32>
    %convert_element_type3A_127 = arith.extui %lt3A_126 : vector<256x128xi1> to vector<256x128xi32>
    %reduce_sum3A_128 = vector.shape_cast %convert_element_type3A_127 : vector<256x128xi32> to vector<1x256x128xi32>
    %reduce_sum3A_129 = arith.constant dense<0> : vector<1xi32>
    %reduce_sum3A_130 = vector.multi_reduction <add>, %reduce_sum3A_128, %reduce_sum3A_129 [1, 2] : vector<1x256x128xi32> to vector<1xi32>
    %reduce_sum3A_131 = vector.shape_cast %reduce_sum3A_130 : vector<1xi32> to vector<1x1x1xi32>
    %reduce_sum3A_132 = vector.extract %reduce_sum3A_131[0, 0, 0] : i32 from vector<1x1x1xi32>
    %lt3A_133 = arith.constant 14 : i32
    %lt3A_134 = vector.broadcast %lt3A_133 : i32 to vector<256x128xi32>
    %lt3A_135 = arith.cmpi slt, %get3A_3, %lt3A_134 : vector<256x128xi32>
    %convert_element_type3A_136 = arith.extui %lt3A_135 : vector<256x128xi1> to vector<256x128xi32>
    %reduce_sum3A_137 = vector.shape_cast %convert_element_type3A_136 : vector<256x128xi32> to vector<1x256x128xi32>
    %reduce_sum3A_138 = arith.constant dense<0> : vector<1xi32>
    %reduce_sum3A_139 = vector.multi_reduction <add>, %reduce_sum3A_137, %reduce_sum3A_138 [1, 2] : vector<1x256x128xi32> to vector<1xi32>
    %reduce_sum3A_140 = vector.shape_cast %reduce_sum3A_139 : vector<1xi32> to vector<1x1x1xi32>
    %reduce_sum3A_141 = vector.extract %reduce_sum3A_140[0, 0, 0] : i32 from vector<1x1x1xi32>
    %lt3A_142 = arith.constant 15 : i32
    %lt3A_143 = vector.broadcast %lt3A_142 : i32 to vector<256x128xi32>
    %lt3A_144 = arith.cmpi slt, %get3A_3, %lt3A_143 : vector<256x128xi32>
    %convert_element_type3A_145 = arith.extui %lt3A_144 : vector<256x128xi1> to vector<256x128xi32>
    %reduce_sum3A_146 = vector.shape_cast %convert_element_type3A_145 : vector<256x128xi32> to vector<1x256x128xi32>
    %reduce_sum3A_147 = arith.constant dense<0> : vector<1xi32>
    %reduce_sum3A_148 = vector.multi_reduction <add>, %reduce_sum3A_146, %reduce_sum3A_147 [1, 2] : vector<1x256x128xi32> to vector<1xi32>
    %reduce_sum3A_149 = vector.shape_cast %reduce_sum3A_148 : vector<1xi32> to vector<1x1x1xi32>
    %reduce_sum3A_150 = vector.extract %reduce_sum3A_149[0, 0, 0] : i32 from vector<1x1x1xi32>
    %lt3A_151 = arith.constant 16 : i32
    %lt3A_152 = vector.broadcast %lt3A_151 : i32 to vector<256x128xi32>
    %lt3A_153 = arith.cmpi slt, %get3A_3, %lt3A_152 : vector<256x128xi32>
    %convert_element_type3A_154 = arith.extui %lt3A_153 : vector<256x128xi1> to vector<256x128xi32>
    %reduce_sum3A_155 = vector.shape_cast %convert_element_type3A_154 : vector<256x128xi32> to vector<1x256x128xi32>
    %reduce_sum3A_156 = arith.constant dense<0> : vector<1xi32>
    %reduce_sum3A_157 = vector.multi_reduction <add>, %reduce_sum3A_155, %reduce_sum3A_156 [1, 2] : vector<1x256x128xi32> to vector<1xi32>
    %reduce_sum3A_158 = vector.shape_cast %reduce_sum3A_157 : vector<1xi32> to vector<1x1x1xi32>
    %reduce_sum3A_159 = vector.extract %reduce_sum3A_158[0, 0, 0] : i32 from vector<1x1x1xi32>
    %shift_left3A = arith.constant 16 : i32
    %shift_left3A_160 = vector.broadcast %shift_left3A : i32 to vector<256x128xi32>
    %shift_left3A_161 = arith.shli %get3A_8, %shift_left3A_160 : vector<256x128xi32>
    %or3A = arith.ori %get3A_8, %shift_left3A_161 : vector<256x128xi32>
    %and3A = arith.constant 50331903 : i32
    %and3A_162 = vector.broadcast %and3A : i32 to vector<256x128xi32>
    %and3A_163 = arith.andi %or3A, %and3A_162 : vector<256x128xi32>
    %shift_left3A_164 = arith.constant 8 : i32
    %shift_left3A_165 = vector.broadcast %shift_left3A_164 : i32 to vector<256x128xi32>
    %shift_left3A_166 = arith.shli %and3A_163, %shift_left3A_165 : vector<256x128xi32>
    %or3A_167 = arith.ori %and3A_163, %shift_left3A_166 : vector<256x128xi32>
    %and3A_168 = arith.constant 50393103 : i32
    %and3A_169 = vector.broadcast %and3A_168 : i32 to vector<256x128xi32>
    %and3A_170 = arith.andi %or3A_167, %and3A_169 : vector<256x128xi32>
    %shift_left3A_171 = arith.constant 4 : i32
    %shift_left3A_172 = vector.broadcast %shift_left3A_171 : i32 to vector<256x128xi32>
    %shift_left3A_173 = arith.shli %and3A_170, %shift_left3A_172 : vector<256x128xi32>
    %or3A_174 = arith.ori %and3A_170, %shift_left3A_173 : vector<256x128xi32>
    %and3A_175 = arith.constant 51130563 : i32
    %and3A_176 = vector.broadcast %and3A_175 : i32 to vector<256x128xi32>
    %and3A_177 = arith.andi %or3A_174, %and3A_176 : vector<256x128xi32>
    %shift_left3A_178 = arith.constant 2 : i32
    %shift_left3A_179 = vector.broadcast %shift_left3A_178 : i32 to vector<256x128xi32>
    %shift_left3A_180 = arith.shli %and3A_177, %shift_left3A_179 : vector<256x128xi32>
    %or3A_181 = arith.ori %and3A_177, %shift_left3A_180 : vector<256x128xi32>
    %and3A_182 = arith.constant 153391689 : i32
    %and3A_183 = vector.broadcast %and3A_182 : i32 to vector<256x128xi32>
    %and3A_184 = arith.andi %or3A_181, %and3A_183 : vector<256x128xi32>
    %shift_left3A_185 = arith.constant 16 : i32
    %shift_left3A_186 = vector.broadcast %shift_left3A_185 : i32 to vector<256x128xi32>
    %shift_left3A_187 = arith.shli %get3A_13, %shift_left3A_186 : vector<256x128xi32>
    %or3A_188 = arith.ori %get3A_13, %shift_left3A_187 : vector<256x128xi32>
    %and3A_189 = arith.constant 50331903 : i32
    %and3A_190 = vector.broadcast %and3A_189 : i32 to vector<256x128xi32>
    %and3A_191 = arith.andi %or3A_188, %and3A_190 : vector<256x128xi32>
    %shift_left3A_192 = arith.constant 8 : i32
    %shift_left3A_193 = vector.broadcast %shift_left3A_192 : i32 to vector<256x128xi32>
    %shift_left3A_194 = arith.shli %and3A_191, %shift_left3A_193 : vector<256x128xi32>
    %or3A_195 = arith.ori %and3A_191, %shift_left3A_194 : vector<256x128xi32>
    %and3A_196 = arith.constant 50393103 : i32
    %and3A_197 = vector.broadcast %and3A_196 : i32 to vector<256x128xi32>
    %and3A_198 = arith.andi %or3A_195, %and3A_197 : vector<256x128xi32>
    %shift_left3A_199 = arith.constant 4 : i32
    %shift_left3A_200 = vector.broadcast %shift_left3A_199 : i32 to vector<256x128xi32>
    %shift_left3A_201 = arith.shli %and3A_198, %shift_left3A_200 : vector<256x128xi32>
    %or3A_202 = arith.ori %and3A_198, %shift_left3A_201 : vector<256x128xi32>
    %and3A_203 = arith.constant 51130563 : i32
    %and3A_204 = vector.broadcast %and3A_203 : i32 to vector<256x128xi32>
    %and3A_205 = arith.andi %or3A_202, %and3A_204 : vector<256x128xi32>
    %shift_left3A_206 = arith.constant 2 : i32
    %shift_left3A_207 = vector.broadcast %shift_left3A_206 : i32 to vector<256x128xi32>
    %shift_left3A_208 = arith.shli %and3A_205, %shift_left3A_207 : vector<256x128xi32>
    %or3A_209 = arith.ori %and3A_205, %shift_left3A_208 : vector<256x128xi32>
    %and3A_210 = arith.constant 153391689 : i32
    %and3A_211 = vector.broadcast %and3A_210 : i32 to vector<256x128xi32>
    %and3A_212 = arith.andi %or3A_209, %and3A_211 : vector<256x128xi32>
    %shift_left3A_213 = arith.constant 16 : i32
    %shift_left3A_214 = vector.broadcast %shift_left3A_213 : i32 to vector<256x128xi32>
    %shift_left3A_215 = arith.shli %get3A_18, %shift_left3A_214 : vector<256x128xi32>
    %or3A_216 = arith.ori %get3A_18, %shift_left3A_215 : vector<256x128xi32>
    %and3A_217 = arith.constant 50331903 : i32
    %and3A_218 = vector.broadcast %and3A_217 : i32 to vector<256x128xi32>
    %and3A_219 = arith.andi %or3A_216, %and3A_218 : vector<256x128xi32>
    %shift_left3A_220 = arith.constant 8 : i32
    %shift_left3A_221 = vector.broadcast %shift_left3A_220 : i32 to vector<256x128xi32>
    %shift_left3A_222 = arith.shli %and3A_219, %shift_left3A_221 : vector<256x128xi32>
    %or3A_223 = arith.ori %and3A_219, %shift_left3A_222 : vector<256x128xi32>
    %and3A_224 = arith.constant 50393103 : i32
    %and3A_225 = vector.broadcast %and3A_224 : i32 to vector<256x128xi32>
    %and3A_226 = arith.andi %or3A_223, %and3A_225 : vector<256x128xi32>
    %shift_left3A_227 = arith.constant 4 : i32
    %shift_left3A_228 = vector.broadcast %shift_left3A_227 : i32 to vector<256x128xi32>
    %shift_left3A_229 = arith.shli %and3A_226, %shift_left3A_228 : vector<256x128xi32>
    %or3A_230 = arith.ori %and3A_226, %shift_left3A_229 : vector<256x128xi32>
    %and3A_231 = arith.constant 51130563 : i32
    %and3A_232 = vector.broadcast %and3A_231 : i32 to vector<256x128xi32>
    %and3A_233 = arith.andi %or3A_230, %and3A_232 : vector<256x128xi32>
    %shift_left3A_234 = arith.constant 2 : i32
    %shift_left3A_235 = vector.broadcast %shift_left3A_234 : i32 to vector<256x128xi32>
    %shift_left3A_236 = arith.shli %and3A_233, %shift_left3A_235 : vector<256x128xi32>
    %or3A_237 = arith.ori %and3A_233, %shift_left3A_236 : vector<256x128xi32>
    %and3A_238 = arith.constant 153391689 : i32
    %and3A_239 = vector.broadcast %and3A_238 : i32 to vector<256x128xi32>
    %and3A_240 = arith.andi %or3A_237, %and3A_239 : vector<256x128xi32>
    %shift_left3A_241 = arith.constant 1 : i32
    %shift_left3A_242 = vector.broadcast %shift_left3A_241 : i32 to vector<256x128xi32>
    %shift_left3A_243 = arith.shli %and3A_212, %shift_left3A_242 : vector<256x128xi32>
    %or3A_244 = arith.ori %and3A_184, %shift_left3A_243 : vector<256x128xi32>
    %shift_left3A_245 = arith.constant 2 : i32
    %shift_left3A_246 = vector.broadcast %shift_left3A_245 : i32 to vector<256x128xi32>
    %shift_left3A_247 = arith.shli %and3A_240, %shift_left3A_246 : vector<256x128xi32>
    %or3A_248 = arith.ori %or3A_244, %shift_left3A_247 : vector<256x128xi32>
    %and3A_249 = arith.constant 32767 : i32
    %and3A_250 = vector.broadcast %and3A_249 : i32 to vector<256x128xi32>
    %and3A_251 = arith.andi %or3A_248, %and3A_250 : vector<256x128xi32>
    %shift_right_arithmetic3A = arith.constant 1 : i32
    %shift_right_arithmetic3A_252 = vector.broadcast %shift_right_arithmetic3A : i32 to vector<256x128xi32>
    %shift_right_arithmetic3A_253 = arith.shrsi %or3A_248, %shift_right_arithmetic3A_252 : vector<256x128xi32>
    %and3A_254 = arith.constant 98304 : i32
    %and3A_255 = vector.broadcast %and3A_254 : i32 to vector<256x128xi32>
    %and3A_256 = arith.andi %shift_right_arithmetic3A_253, %and3A_255 : vector<256x128xi32>
    %or3A_257 = arith.ori %and3A_251, %and3A_256 : vector<256x128xi32>
    %shift_right_arithmetic3A_258 = arith.constant 2 : i32
    %shift_right_arithmetic3A_259 = vector.broadcast %shift_right_arithmetic3A_258 : i32 to vector<256x128xi32>
    %shift_right_arithmetic3A_260 = arith.shrsi %or3A_248, %shift_right_arithmetic3A_259 : vector<256x128xi32>
    %and3A_261 = arith.constant 393216 : i32
    %and3A_262 = vector.broadcast %and3A_261 : i32 to vector<256x128xi32>
    %and3A_263 = arith.andi %shift_right_arithmetic3A_260, %and3A_262 : vector<256x128xi32>
    %or3A_264 = arith.ori %or3A_257, %and3A_263 : vector<256x128xi32>
    %shift_right_arithmetic3A_265 = arith.constant 3 : i32
    %shift_right_arithmetic3A_266 = vector.broadcast %shift_right_arithmetic3A_265 : i32 to vector<256x128xi32>
    %shift_right_arithmetic3A_267 = arith.shrsi %or3A_248, %shift_right_arithmetic3A_266 : vector<256x128xi32>
    %and3A_268 = arith.constant 1572864 : i32
    %and3A_269 = vector.broadcast %and3A_268 : i32 to vector<256x128xi32>
    %and3A_270 = arith.andi %shift_right_arithmetic3A_267, %and3A_269 : vector<256x128xi32>
    %or3A_271 = arith.ori %or3A_264, %and3A_270 : vector<256x128xi32>
    %swap3A = arith.constant 0 : index
    %swap3A_272 = arith.constant 0 : index
    %swap3A_273 = arith.constant 0 : index
    %swap3A_274 = vector.load %arg1[%swap3A, %swap3A_272, %swap3A_273] : memref<2x256x128xi32, #tpu.memory_space<vmem>>, vector<1x256x128xi32>
    %swap3A_275 = vector.shape_cast %swap3A_274 : vector<1x256x128xi32> to vector<256x128xi32>
    %swap3A_276 = vector.shape_cast %or3A_271 : vector<256x128xi32> to vector<1x256x128xi32>
    tpu.vector_store %arg1[%swap3A, %swap3A_272, %swap3A_273], %swap3A_276 {strides = array<i32>} : memref<2x256x128xi32, #tpu.memory_space<vmem>>, vector<1x256x128xi32>,
    %shift_left3A_277 = arith.constant 1 : i32
    %shift_left3A_278 = vector.broadcast %shift_left3A_277 : i32 to vector<256x128xi32>
    %shift_left3A_279 = arith.shli %and3A_240, %shift_left3A_278 : vector<256x128xi32>
    %or3A_280 = arith.ori %and3A_184, %shift_left3A_279 : vector<256x128xi32>
    %shift_left3A_281 = arith.constant 2 : i32
    %shift_left3A_282 = vector.broadcast %shift_left3A_281 : i32 to vector<256x128xi32>
    %shift_left3A_283 = arith.shli %and3A_212, %shift_left3A_282 : vector<256x128xi32>
    %or3A_284 = arith.ori %or3A_280, %shift_left3A_283 : vector<256x128xi32>
    %and3A_285 = arith.constant 32767 : i32
    %and3A_286 = vector.broadcast %and3A_285 : i32 to vector<256x128xi32>
    %and3A_287 = arith.andi %or3A_284, %and3A_286 : vector<256x128xi32>
    %shift_right_arithmetic3A_288 = arith.constant 1 : i32
    %shift_right_arithmetic3A_289 = vector.broadcast %shift_right_arithmetic3A_288 : i32 to vector<256x128xi32>
    %shift_right_arithmetic3A_290 = arith.shrsi %or3A_284, %shift_right_arithmetic3A_289 : vector<256x128xi32>
    %and3A_291 = arith.constant 98304 : i32
    %and3A_292 = vector.broadcast %and3A_291 : i32 to vector<256x128xi32>
    %and3A_293 = arith.andi %shift_right_arithmetic3A_290, %and3A_292 : vector<256x128xi32>
    %or3A_294 = arith.ori %and3A_287, %and3A_293 : vector<256x128xi32>
    %shift_right_arithmetic3A_295 = arith.constant 2 : i32
    %shift_right_arithmetic3A_296 = vector.broadcast %shift_right_arithmetic3A_295 : i32 to vector<256x128xi32>
    %shift_right_arithmetic3A_297 = arith.shrsi %or3A_284, %shift_right_arithmetic3A_296 : vector<256x128xi32>
    %and3A_298 = arith.constant 393216 : i32
    %and3A_299 = vector.broadcast %and3A_298 : i32 to vector<256x128xi32>
    %and3A_300 = arith.andi %shift_right_arithmetic3A_297, %and3A_299 : vector<256x128xi32>
    %or3A_301 = arith.ori %or3A_294, %and3A_300 : vector<256x128xi32>
    %shift_right_arithmetic3A_302 = arith.constant 3 : i32
    %shift_right_arithmetic3A_303 = vector.broadcast %shift_right_arithmetic3A_302 : i32 to vector<256x128xi32>
    %shift_right_arithmetic3A_304 = arith.shrsi %or3A_284, %shift_right_arithmetic3A_303 : vector<256x128xi32>
    %and3A_305 = arith.constant 1572864 : i32
    %and3A_306 = vector.broadcast %and3A_305 : i32 to vector<256x128xi32>
    %and3A_307 = arith.andi %shift_right_arithmetic3A_304, %and3A_306 : vector<256x128xi32>
    %or3A_308 = arith.ori %or3A_301, %and3A_307 : vector<256x128xi32>
    %swap3A_309 = arith.constant 1 : index
    %swap3A_310 = arith.constant 0 : index
    %swap3A_311 = arith.constant 0 : index
    %swap3A_312 = vector.load %arg1[%swap3A_309, %swap3A_310, %swap3A_311] : memref<2x256x128xi32, #tpu.memory_space<vmem>>, vector<1x256x128xi32>
    %swap3A_313 = vector.shape_cast %swap3A_312 : vector<1x256x128xi32> to vector<256x128xi32>
    %swap3A_314 = vector.shape_cast %or3A_308 : vector<256x128xi32> to vector<1x256x128xi32>
    tpu.vector_store %arg1[%swap3A_309, %swap3A_310, %swap3A_311], %swap3A_314 {strides = array<i32>} : memref<2x256x128xi32, #tpu.memory_space<vmem>>, vector<1x256x128xi32>,
    %iota3A = tpu.iota {dimensions = array<i32: 1>} : vector<8x128xi32>
    %broadcast_in_dim3A = arith.constant 0 : i32
    %broadcast_in_dim3A_315 = vector.broadcast %broadcast_in_dim3A : i32 to vector<8x128xi32>
    %eq3A = arith.constant 0 : i32
    %eq3A_316 = vector.broadcast %eq3A : i32 to vector<8x128xi32>
    %eq3A_317 = arith.cmpi eq, %iota3A, %eq3A_316 : vector<8x128xi32>
    %jit3A = arith.constant 0 : i32
    %broadcast_in_dim3A_318 = vector.broadcast %jit3A : i32 to vector<8x128xi32>
    %select_n3A = arith.select %eq3A_317, %broadcast_in_dim3A_318, %broadcast_in_dim3A_315 : vector<8x128xi1>, vector<8x128xi32>
    %eq3A_319 = arith.constant 1 : i32
    %eq3A_320 = vector.broadcast %eq3A_319 : i32 to vector<8x128xi32>
    %eq3A_321 = arith.cmpi eq, %iota3A, %eq3A_320 : vector<8x128xi32>
    %broadcast_in_dim3A_322 = vector.broadcast %reduce_sum3A_24 : i32 to vector<8x128xi32>
    %select_n3A_323 = arith.select %eq3A_321, %broadcast_in_dim3A_322, %select_n3A : vector<8x128xi1>, vector<8x128xi32>
    %eq3A_324 = arith.constant 2 : i32
    %eq3A_325 = vector.broadcast %eq3A_324 : i32 to vector<8x128xi32>
    %eq3A_326 = arith.cmpi eq, %iota3A, %eq3A_325 : vector<8x128xi32>
    %broadcast_in_dim3A_327 = vector.broadcast %reduce_sum3A_33 : i32 to vector<8x128xi32>
    %select_n3A_328 = arith.select %eq3A_326, %broadcast_in_dim3A_327, %select_n3A_323 : vector<8x128xi1>, vector<8x128xi32>
    %eq3A_329 = arith.constant 3 : i32
    %eq3A_330 = vector.broadcast %eq3A_329 : i32 to vector<8x128xi32>
    %eq3A_331 = arith.cmpi eq, %iota3A, %eq3A_330 : vector<8x128xi32>
    %broadcast_in_dim3A_332 = vector.broadcast %reduce_sum3A_42 : i32 to vector<8x128xi32>
    %select_n3A_333 = arith.select %eq3A_331, %broadcast_in_dim3A_332, %select_n3A_328 : vector<8x128xi1>, vector<8x128xi32>
    %eq3A_334 = arith.constant 4 : i32
    %eq3A_335 = vector.broadcast %eq3A_334 : i32 to vector<8x128xi32>
    %eq3A_336 = arith.cmpi eq, %iota3A, %eq3A_335 : vector<8x128xi32>
    %broadcast_in_dim3A_337 = vector.broadcast %reduce_sum3A_51 : i32 to vector<8x128xi32>
    %select_n3A_338 = arith.select %eq3A_336, %broadcast_in_dim3A_337, %select_n3A_333 : vector<8x128xi1>, vector<8x128xi32>
    %eq3A_339 = arith.constant 5 : i32
    %eq3A_340 = vector.broadcast %eq3A_339 : i32 to vector<8x128xi32>
    %eq3A_341 = arith.cmpi eq, %iota3A, %eq3A_340 : vector<8x128xi32>
    %broadcast_in_dim3A_342 = vector.broadcast %reduce_sum3A_60 : i32 to vector<8x128xi32>
    %select_n3A_343 = arith.select %eq3A_341, %broadcast_in_dim3A_342, %select_n3A_338 : vector<8x128xi1>, vector<8x128xi32>
    %eq3A_344 = arith.constant 6 : i32
    %eq3A_345 = vector.broadcast %eq3A_344 : i32 to vector<8x128xi32>
    %eq3A_346 = arith.cmpi eq, %iota3A, %eq3A_345 : vector<8x128xi32>
    %broadcast_in_dim3A_347 = vector.broadcast %reduce_sum3A_69 : i32 to vector<8x128xi32>
    %select_n3A_348 = arith.select %eq3A_346, %broadcast_in_dim3A_347, %select_n3A_343 : vector<8x128xi1>, vector<8x128xi32>
    %eq3A_349 = arith.constant 7 : i32
    %eq3A_350 = vector.broadcast %eq3A_349 : i32 to vector<8x128xi32>
    %eq3A_351 = arith.cmpi eq, %iota3A, %eq3A_350 : vector<8x128xi32>
    %broadcast_in_dim3A_352 = vector.broadcast %reduce_sum3A_78 : i32 to vector<8x128xi32>
    %select_n3A_353 = arith.select %eq3A_351, %broadcast_in_dim3A_352, %select_n3A_348 : vector<8x128xi1>, vector<8x128xi32>
    %eq3A_354 = arith.constant 8 : i32
    %eq3A_355 = vector.broadcast %eq3A_354 : i32 to vector<8x128xi32>
    %eq3A_356 = arith.cmpi eq, %iota3A, %eq3A_355 : vector<8x128xi32>
    %broadcast_in_dim3A_357 = vector.broadcast %reduce_sum3A_87 : i32 to vector<8x128xi32>
    %select_n3A_358 = arith.select %eq3A_356, %broadcast_in_dim3A_357, %select_n3A_353 : vector<8x128xi1>, vector<8x128xi32>
    %eq3A_359 = arith.constant 9 : i32
    %eq3A_360 = vector.broadcast %eq3A_359 : i32 to vector<8x128xi32>
    %eq3A_361 = arith.cmpi eq, %iota3A, %eq3A_360 : vector<8x128xi32>
    %broadcast_in_dim3A_362 = vector.broadcast %reduce_sum3A_96 : i32 to vector<8x128xi32>
    %select_n3A_363 = arith.select %eq3A_361, %broadcast_in_dim3A_362, %select_n3A_358 : vector<8x128xi1>, vector<8x128xi32>
    %eq3A_364 = arith.constant 10 : i32
    %eq3A_365 = vector.broadcast %eq3A_364 : i32 to vector<8x128xi32>
    %eq3A_366 = arith.cmpi eq, %iota3A, %eq3A_365 : vector<8x128xi32>
    %broadcast_in_dim3A_367 = vector.broadcast %reduce_sum3A_105 : i32 to vector<8x128xi32>
    %select_n3A_368 = arith.select %eq3A_366, %broadcast_in_dim3A_367, %select_n3A_363 : vector<8x128xi1>, vector<8x128xi32>
    %eq3A_369 = arith.constant 11 : i32
    %eq3A_370 = vector.broadcast %eq3A_369 : i32 to vector<8x128xi32>
    %eq3A_371 = arith.cmpi eq, %iota3A, %eq3A_370 : vector<8x128xi32>
    %broadcast_in_dim3A_372 = vector.broadcast %reduce_sum3A_114 : i32 to vector<8x128xi32>
    %select_n3A_373 = arith.select %eq3A_371, %broadcast_in_dim3A_372, %select_n3A_368 : vector<8x128xi1>, vector<8x128xi32>
    %eq3A_374 = arith.constant 12 : i32
    %eq3A_375 = vector.broadcast %eq3A_374 : i32 to vector<8x128xi32>
    %eq3A_376 = arith.cmpi eq, %iota3A, %eq3A_375 : vector<8x128xi32>
    %broadcast_in_dim3A_377 = vector.broadcast %reduce_sum3A_123 : i32 to vector<8x128xi32>
    %select_n3A_378 = arith.select %eq3A_376, %broadcast_in_dim3A_377, %select_n3A_373 : vector<8x128xi1>, vector<8x128xi32>
    %eq3A_379 = arith.constant 13 : i32
    %eq3A_380 = vector.broadcast %eq3A_379 : i32 to vector<8x128xi32>
    %eq3A_381 = arith.cmpi eq, %iota3A, %eq3A_380 : vector<8x128xi32>
    %broadcast_in_dim3A_382 = vector.broadcast %reduce_sum3A_132 : i32 to vector<8x128xi32>
    %select_n3A_383 = arith.select %eq3A_381, %broadcast_in_dim3A_382, %select_n3A_378 : vector<8x128xi1>, vector<8x128xi32>
    %eq3A_384 = arith.constant 14 : i32
    %eq3A_385 = vector.broadcast %eq3A_384 : i32 to vector<8x128xi32>
    %eq3A_386 = arith.cmpi eq, %iota3A, %eq3A_385 : vector<8x128xi32>
    %broadcast_in_dim3A_387 = vector.broadcast %reduce_sum3A_141 : i32 to vector<8x128xi32>
    %select_n3A_388 = arith.select %eq3A_386, %broadcast_in_dim3A_387, %select_n3A_383 : vector<8x128xi1>, vector<8x128xi32>
    %eq3A_389 = arith.constant 15 : i32
    %eq3A_390 = vector.broadcast %eq3A_389 : i32 to vector<8x128xi32>
    %eq3A_391 = arith.cmpi eq, %iota3A, %eq3A_390 : vector<8x128xi32>
    %broadcast_in_dim3A_392 = vector.broadcast %reduce_sum3A_150 : i32 to vector<8x128xi32>
    %select_n3A_393 = arith.select %eq3A_391, %broadcast_in_dim3A_392, %select_n3A_388 : vector<8x128xi1>, vector<8x128xi32>
    %eq3A_394 = arith.constant 16 : i32
    %eq3A_395 = vector.broadcast %eq3A_394 : i32 to vector<8x128xi32>
    %eq3A_396 = arith.cmpi eq, %iota3A, %eq3A_395 : vector<8x128xi32>
    %broadcast_in_dim3A_397 = vector.broadcast %reduce_sum3A_159 : i32 to vector<8x128xi32>
    %select_n3A_398 = arith.select %eq3A_396, %broadcast_in_dim3A_397, %select_n3A_393 : vector<8x128xi1>, vector<8x128xi32>
    %swap3A_399 = arith.constant 0 : index
    %swap3A_400 = arith.constant 0 : index
    %swap3A_401 = vector.load %arg2[%swap3A_399, %swap3A_400] : memref<8x128xi32, #tpu.memory_space<vmem>>, vector<8x128xi32>
    tpu.vector_store %arg2[%swap3A_399, %swap3A_400], %select_n3A_398 {strides = array<i32>} : memref<8x128xi32, #tpu.memory_space<vmem>>, vector<8x128xi32>,
    return
  }
}

module attributes {stable_mosaic.version = 14 : i64} {
  func.func @_maps_body(%arg0: memref<4x256x128xi32, #tpu.memory_space<vmem>>, %arg1: memref<512x128xi32, #tpu.memory_space<vmem>>, %arg2: memref<256x128xi32, #tpu.memory_space<vmem>>, %arg3: memref<512x128xi32, #tpu.memory_space<vmem>>) attributes {dimension_semantics = [], scalar_prefetch = 0 : i64, scratch_operands = 0 : i64, tpu.core_type = #tpu.core_type<tc>} {
    %get3A = arith.constant 0 : index
    %get3A_0 = arith.constant 0 : index
    %get3A_1 = arith.constant 0 : index
    %get3A_2 = vector.load %arg0[%get3A, %get3A_0, %get3A_1] : memref<4x256x128xi32, #tpu.memory_space<vmem>>, vector<1x256x128xi32>
    %get3A_3 = vector.shape_cast %get3A_2 : vector<1x256x128xi32> to vector<256x128xi32>
    %lt3A = arith.constant 1 : i32
    %lt3A_4 = vector.broadcast %lt3A : i32 to vector<256x128xi32>
    %lt3A_5 = arith.cmpi slt, %get3A_3, %lt3A_4 : vector<256x128xi32>
    %convert_element_type3A = arith.extui %lt3A_5 : vector<256x128xi1> to vector<256x128xi32>
    %reduce_sum3A = vector.shape_cast %convert_element_type3A : vector<256x128xi32> to vector<1x256x128xi32>
    %reduce_sum3A_6 = arith.constant dense<0> : vector<1xi32>
    %reduce_sum3A_7 = vector.multi_reduction <add>, %reduce_sum3A, %reduce_sum3A_6 [1, 2] : vector<1x256x128xi32> to vector<1xi32>
    %reduce_sum3A_8 = vector.shape_cast %reduce_sum3A_7 : vector<1xi32> to vector<1x1x1xi32>
    %reduce_sum3A_9 = vector.extract %reduce_sum3A_8[0, 0, 0] : i32 from vector<1x1x1xi32>
    %lt3A_10 = arith.constant 2 : i32
    %lt3A_11 = vector.broadcast %lt3A_10 : i32 to vector<256x128xi32>
    %lt3A_12 = arith.cmpi slt, %get3A_3, %lt3A_11 : vector<256x128xi32>
    %convert_element_type3A_13 = arith.extui %lt3A_12 : vector<256x128xi1> to vector<256x128xi32>
    %reduce_sum3A_14 = vector.shape_cast %convert_element_type3A_13 : vector<256x128xi32> to vector<1x256x128xi32>
    %reduce_sum3A_15 = arith.constant dense<0> : vector<1xi32>
    %reduce_sum3A_16 = vector.multi_reduction <add>, %reduce_sum3A_14, %reduce_sum3A_15 [1, 2] : vector<1x256x128xi32> to vector<1xi32>
    %reduce_sum3A_17 = vector.shape_cast %reduce_sum3A_16 : vector<1xi32> to vector<1x1x1xi32>
    %reduce_sum3A_18 = vector.extract %reduce_sum3A_17[0, 0, 0] : i32 from vector<1x1x1xi32>
    %lt3A_19 = arith.constant 3 : i32
    %lt3A_20 = vector.broadcast %lt3A_19 : i32 to vector<256x128xi32>
    %lt3A_21 = arith.cmpi slt, %get3A_3, %lt3A_20 : vector<256x128xi32>
    %convert_element_type3A_22 = arith.extui %lt3A_21 : vector<256x128xi1> to vector<256x128xi32>
    %reduce_sum3A_23 = vector.shape_cast %convert_element_type3A_22 : vector<256x128xi32> to vector<1x256x128xi32>
    %reduce_sum3A_24 = arith.constant dense<0> : vector<1xi32>
    %reduce_sum3A_25 = vector.multi_reduction <add>, %reduce_sum3A_23, %reduce_sum3A_24 [1, 2] : vector<1x256x128xi32> to vector<1xi32>
    %reduce_sum3A_26 = vector.shape_cast %reduce_sum3A_25 : vector<1xi32> to vector<1x1x1xi32>
    %reduce_sum3A_27 = vector.extract %reduce_sum3A_26[0, 0, 0] : i32 from vector<1x1x1xi32>
    %lt3A_28 = arith.constant 4 : i32
    %lt3A_29 = vector.broadcast %lt3A_28 : i32 to vector<256x128xi32>
    %lt3A_30 = arith.cmpi slt, %get3A_3, %lt3A_29 : vector<256x128xi32>
    %convert_element_type3A_31 = arith.extui %lt3A_30 : vector<256x128xi1> to vector<256x128xi32>
    %reduce_sum3A_32 = vector.shape_cast %convert_element_type3A_31 : vector<256x128xi32> to vector<1x256x128xi32>
    %reduce_sum3A_33 = arith.constant dense<0> : vector<1xi32>
    %reduce_sum3A_34 = vector.multi_reduction <add>, %reduce_sum3A_32, %reduce_sum3A_33 [1, 2] : vector<1x256x128xi32> to vector<1xi32>
    %reduce_sum3A_35 = vector.shape_cast %reduce_sum3A_34 : vector<1xi32> to vector<1x1x1xi32>
    %reduce_sum3A_36 = vector.extract %reduce_sum3A_35[0, 0, 0] : i32 from vector<1x1x1xi32>
    %lt3A_37 = arith.constant 5 : i32
    %lt3A_38 = vector.broadcast %lt3A_37 : i32 to vector<256x128xi32>
    %lt3A_39 = arith.cmpi slt, %get3A_3, %lt3A_38 : vector<256x128xi32>
    %convert_element_type3A_40 = arith.extui %lt3A_39 : vector<256x128xi1> to vector<256x128xi32>
    %reduce_sum3A_41 = vector.shape_cast %convert_element_type3A_40 : vector<256x128xi32> to vector<1x256x128xi32>
    %reduce_sum3A_42 = arith.constant dense<0> : vector<1xi32>
    %reduce_sum3A_43 = vector.multi_reduction <add>, %reduce_sum3A_41, %reduce_sum3A_42 [1, 2] : vector<1x256x128xi32> to vector<1xi32>
    %reduce_sum3A_44 = vector.shape_cast %reduce_sum3A_43 : vector<1xi32> to vector<1x1x1xi32>
    %reduce_sum3A_45 = vector.extract %reduce_sum3A_44[0, 0, 0] : i32 from vector<1x1x1xi32>
    %lt3A_46 = arith.constant 6 : i32
    %lt3A_47 = vector.broadcast %lt3A_46 : i32 to vector<256x128xi32>
    %lt3A_48 = arith.cmpi slt, %get3A_3, %lt3A_47 : vector<256x128xi32>
    %convert_element_type3A_49 = arith.extui %lt3A_48 : vector<256x128xi1> to vector<256x128xi32>
    %reduce_sum3A_50 = vector.shape_cast %convert_element_type3A_49 : vector<256x128xi32> to vector<1x256x128xi32>
    %reduce_sum3A_51 = arith.constant dense<0> : vector<1xi32>
    %reduce_sum3A_52 = vector.multi_reduction <add>, %reduce_sum3A_50, %reduce_sum3A_51 [1, 2] : vector<1x256x128xi32> to vector<1xi32>
    %reduce_sum3A_53 = vector.shape_cast %reduce_sum3A_52 : vector<1xi32> to vector<1x1x1xi32>
    %reduce_sum3A_54 = vector.extract %reduce_sum3A_53[0, 0, 0] : i32 from vector<1x1x1xi32>
    %lt3A_55 = arith.constant 7 : i32
    %lt3A_56 = vector.broadcast %lt3A_55 : i32 to vector<256x128xi32>
    %lt3A_57 = arith.cmpi slt, %get3A_3, %lt3A_56 : vector<256x128xi32>
    %convert_element_type3A_58 = arith.extui %lt3A_57 : vector<256x128xi1> to vector<256x128xi32>
    %reduce_sum3A_59 = vector.shape_cast %convert_element_type3A_58 : vector<256x128xi32> to vector<1x256x128xi32>
    %reduce_sum3A_60 = arith.constant dense<0> : vector<1xi32>
    %reduce_sum3A_61 = vector.multi_reduction <add>, %reduce_sum3A_59, %reduce_sum3A_60 [1, 2] : vector<1x256x128xi32> to vector<1xi32>
    %reduce_sum3A_62 = vector.shape_cast %reduce_sum3A_61 : vector<1xi32> to vector<1x1x1xi32>
    %reduce_sum3A_63 = vector.extract %reduce_sum3A_62[0, 0, 0] : i32 from vector<1x1x1xi32>
    %lt3A_64 = arith.constant 8 : i32
    %lt3A_65 = vector.broadcast %lt3A_64 : i32 to vector<256x128xi32>
    %lt3A_66 = arith.cmpi slt, %get3A_3, %lt3A_65 : vector<256x128xi32>
    %convert_element_type3A_67 = arith.extui %lt3A_66 : vector<256x128xi1> to vector<256x128xi32>
    %reduce_sum3A_68 = vector.shape_cast %convert_element_type3A_67 : vector<256x128xi32> to vector<1x256x128xi32>
    %reduce_sum3A_69 = arith.constant dense<0> : vector<1xi32>
    %reduce_sum3A_70 = vector.multi_reduction <add>, %reduce_sum3A_68, %reduce_sum3A_69 [1, 2] : vector<1x256x128xi32> to vector<1xi32>
    %reduce_sum3A_71 = vector.shape_cast %reduce_sum3A_70 : vector<1xi32> to vector<1x1x1xi32>
    %reduce_sum3A_72 = vector.extract %reduce_sum3A_71[0, 0, 0] : i32 from vector<1x1x1xi32>
    %lt3A_73 = arith.constant 9 : i32
    %lt3A_74 = vector.broadcast %lt3A_73 : i32 to vector<256x128xi32>
    %lt3A_75 = arith.cmpi slt, %get3A_3, %lt3A_74 : vector<256x128xi32>
    %convert_element_type3A_76 = arith.extui %lt3A_75 : vector<256x128xi1> to vector<256x128xi32>
    %reduce_sum3A_77 = vector.shape_cast %convert_element_type3A_76 : vector<256x128xi32> to vector<1x256x128xi32>
    %reduce_sum3A_78 = arith.constant dense<0> : vector<1xi32>
    %reduce_sum3A_79 = vector.multi_reduction <add>, %reduce_sum3A_77, %reduce_sum3A_78 [1, 2] : vector<1x256x128xi32> to vector<1xi32>
    %reduce_sum3A_80 = vector.shape_cast %reduce_sum3A_79 : vector<1xi32> to vector<1x1x1xi32>
    %reduce_sum3A_81 = vector.extract %reduce_sum3A_80[0, 0, 0] : i32 from vector<1x1x1xi32>
    %lt3A_82 = arith.constant 10 : i32
    %lt3A_83 = vector.broadcast %lt3A_82 : i32 to vector<256x128xi32>
    %lt3A_84 = arith.cmpi slt, %get3A_3, %lt3A_83 : vector<256x128xi32>
    %convert_element_type3A_85 = arith.extui %lt3A_84 : vector<256x128xi1> to vector<256x128xi32>
    %reduce_sum3A_86 = vector.shape_cast %convert_element_type3A_85 : vector<256x128xi32> to vector<1x256x128xi32>
    %reduce_sum3A_87 = arith.constant dense<0> : vector<1xi32>
    %reduce_sum3A_88 = vector.multi_reduction <add>, %reduce_sum3A_86, %reduce_sum3A_87 [1, 2] : vector<1x256x128xi32> to vector<1xi32>
    %reduce_sum3A_89 = vector.shape_cast %reduce_sum3A_88 : vector<1xi32> to vector<1x1x1xi32>
    %reduce_sum3A_90 = vector.extract %reduce_sum3A_89[0, 0, 0] : i32 from vector<1x1x1xi32>
    %lt3A_91 = arith.constant 11 : i32
    %lt3A_92 = vector.broadcast %lt3A_91 : i32 to vector<256x128xi32>
    %lt3A_93 = arith.cmpi slt, %get3A_3, %lt3A_92 : vector<256x128xi32>
    %convert_element_type3A_94 = arith.extui %lt3A_93 : vector<256x128xi1> to vector<256x128xi32>
    %reduce_sum3A_95 = vector.shape_cast %convert_element_type3A_94 : vector<256x128xi32> to vector<1x256x128xi32>
    %reduce_sum3A_96 = arith.constant dense<0> : vector<1xi32>
    %reduce_sum3A_97 = vector.multi_reduction <add>, %reduce_sum3A_95, %reduce_sum3A_96 [1, 2] : vector<1x256x128xi32> to vector<1xi32>
    %reduce_sum3A_98 = vector.shape_cast %reduce_sum3A_97 : vector<1xi32> to vector<1x1x1xi32>
    %reduce_sum3A_99 = vector.extract %reduce_sum3A_98[0, 0, 0] : i32 from vector<1x1x1xi32>
    %lt3A_100 = arith.constant 12 : i32
    %lt3A_101 = vector.broadcast %lt3A_100 : i32 to vector<256x128xi32>
    %lt3A_102 = arith.cmpi slt, %get3A_3, %lt3A_101 : vector<256x128xi32>
    %convert_element_type3A_103 = arith.extui %lt3A_102 : vector<256x128xi1> to vector<256x128xi32>
    %reduce_sum3A_104 = vector.shape_cast %convert_element_type3A_103 : vector<256x128xi32> to vector<1x256x128xi32>
    %reduce_sum3A_105 = arith.constant dense<0> : vector<1xi32>
    %reduce_sum3A_106 = vector.multi_reduction <add>, %reduce_sum3A_104, %reduce_sum3A_105 [1, 2] : vector<1x256x128xi32> to vector<1xi32>
    %reduce_sum3A_107 = vector.shape_cast %reduce_sum3A_106 : vector<1xi32> to vector<1x1x1xi32>
    %reduce_sum3A_108 = vector.extract %reduce_sum3A_107[0, 0, 0] : i32 from vector<1x1x1xi32>
    %lt3A_109 = arith.constant 13 : i32
    %lt3A_110 = vector.broadcast %lt3A_109 : i32 to vector<256x128xi32>
    %lt3A_111 = arith.cmpi slt, %get3A_3, %lt3A_110 : vector<256x128xi32>
    %convert_element_type3A_112 = arith.extui %lt3A_111 : vector<256x128xi1> to vector<256x128xi32>
    %reduce_sum3A_113 = vector.shape_cast %convert_element_type3A_112 : vector<256x128xi32> to vector<1x256x128xi32>
    %reduce_sum3A_114 = arith.constant dense<0> : vector<1xi32>
    %reduce_sum3A_115 = vector.multi_reduction <add>, %reduce_sum3A_113, %reduce_sum3A_114 [1, 2] : vector<1x256x128xi32> to vector<1xi32>
    %reduce_sum3A_116 = vector.shape_cast %reduce_sum3A_115 : vector<1xi32> to vector<1x1x1xi32>
    %reduce_sum3A_117 = vector.extract %reduce_sum3A_116[0, 0, 0] : i32 from vector<1x1x1xi32>
    %lt3A_118 = arith.constant 14 : i32
    %lt3A_119 = vector.broadcast %lt3A_118 : i32 to vector<256x128xi32>
    %lt3A_120 = arith.cmpi slt, %get3A_3, %lt3A_119 : vector<256x128xi32>
    %convert_element_type3A_121 = arith.extui %lt3A_120 : vector<256x128xi1> to vector<256x128xi32>
    %reduce_sum3A_122 = vector.shape_cast %convert_element_type3A_121 : vector<256x128xi32> to vector<1x256x128xi32>
    %reduce_sum3A_123 = arith.constant dense<0> : vector<1xi32>
    %reduce_sum3A_124 = vector.multi_reduction <add>, %reduce_sum3A_122, %reduce_sum3A_123 [1, 2] : vector<1x256x128xi32> to vector<1xi32>
    %reduce_sum3A_125 = vector.shape_cast %reduce_sum3A_124 : vector<1xi32> to vector<1x1x1xi32>
    %reduce_sum3A_126 = vector.extract %reduce_sum3A_125[0, 0, 0] : i32 from vector<1x1x1xi32>
    %lt3A_127 = arith.constant 15 : i32
    %lt3A_128 = vector.broadcast %lt3A_127 : i32 to vector<256x128xi32>
    %lt3A_129 = arith.cmpi slt, %get3A_3, %lt3A_128 : vector<256x128xi32>
    %convert_element_type3A_130 = arith.extui %lt3A_129 : vector<256x128xi1> to vector<256x128xi32>
    %reduce_sum3A_131 = vector.shape_cast %convert_element_type3A_130 : vector<256x128xi32> to vector<1x256x128xi32>
    %reduce_sum3A_132 = arith.constant dense<0> : vector<1xi32>
    %reduce_sum3A_133 = vector.multi_reduction <add>, %reduce_sum3A_131, %reduce_sum3A_132 [1, 2] : vector<1x256x128xi32> to vector<1xi32>
    %reduce_sum3A_134 = vector.shape_cast %reduce_sum3A_133 : vector<1xi32> to vector<1x1x1xi32>
    %reduce_sum3A_135 = vector.extract %reduce_sum3A_134[0, 0, 0] : i32 from vector<1x1x1xi32>
    %lt3A_136 = arith.constant 16 : i32
    %lt3A_137 = vector.broadcast %lt3A_136 : i32 to vector<256x128xi32>
    %lt3A_138 = arith.cmpi slt, %get3A_3, %lt3A_137 : vector<256x128xi32>
    %convert_element_type3A_139 = arith.extui %lt3A_138 : vector<256x128xi1> to vector<256x128xi32>
    %reduce_sum3A_140 = vector.shape_cast %convert_element_type3A_139 : vector<256x128xi32> to vector<1x256x128xi32>
    %reduce_sum3A_141 = arith.constant dense<0> : vector<1xi32>
    %reduce_sum3A_142 = vector.multi_reduction <add>, %reduce_sum3A_140, %reduce_sum3A_141 [1, 2] : vector<1x256x128xi32> to vector<1xi32>
    %reduce_sum3A_143 = vector.shape_cast %reduce_sum3A_142 : vector<1xi32> to vector<1x1x1xi32>
    %reduce_sum3A_144 = vector.extract %reduce_sum3A_143[0, 0, 0] : i32 from vector<1x1x1xi32>
    %broadcast_in_dim3A = arith.constant 0 : i32
    %broadcast_in_dim3A_145 = vector.broadcast %broadcast_in_dim3A : i32 to vector<256x128xi32>
    %eq3A = arith.constant 0 : i32
    %eq3A_146 = vector.broadcast %eq3A : i32 to vector<256x128xi32>
    %eq3A_147 = arith.cmpi eq, %get3A_3, %eq3A_146 : vector<256x128xi32>
    %sub3A = arith.constant 0 : i32
    %sub3A_148 = arith.constant 0 : i32
    %sub3A_149 = arith.subi %sub3A, %sub3A_148 : i32
    %broadcast_in_dim3A_150 = vector.broadcast %sub3A_149 : i32 to vector<256x128xi32>
    %select_n3A = arith.select %eq3A_147, %broadcast_in_dim3A_150, %broadcast_in_dim3A_145 : vector<256x128xi1>, vector<256x128xi32>
    %eq3A_151 = arith.constant 1 : i32
    %eq3A_152 = vector.broadcast %eq3A_151 : i32 to vector<256x128xi32>
    %eq3A_153 = arith.cmpi eq, %get3A_3, %eq3A_152 : vector<256x128xi32>
    %sub3A_154 = arith.constant 4096 : i32
    %sub3A_155 = arith.subi %sub3A_154, %reduce_sum3A_9 : i32
    %broadcast_in_dim3A_156 = vector.broadcast %sub3A_155 : i32 to vector<256x128xi32>
    %select_n3A_157 = arith.select %eq3A_153, %broadcast_in_dim3A_156, %select_n3A : vector<256x128xi1>, vector<256x128xi32>
    %eq3A_158 = arith.constant 2 : i32
    %eq3A_159 = vector.broadcast %eq3A_158 : i32 to vector<256x128xi32>
    %eq3A_160 = arith.cmpi eq, %get3A_3, %eq3A_159 : vector<256x128xi32>
    %sub3A_161 = arith.constant 8192 : i32
    %sub3A_162 = arith.subi %sub3A_161, %reduce_sum3A_18 : i32
    %broadcast_in_dim3A_163 = vector.broadcast %sub3A_162 : i32 to vector<256x128xi32>
    %select_n3A_164 = arith.select %eq3A_160, %broadcast_in_dim3A_163, %select_n3A_157 : vector<256x128xi1>, vector<256x128xi32>
    %eq3A_165 = arith.constant 3 : i32
    %eq3A_166 = vector.broadcast %eq3A_165 : i32 to vector<256x128xi32>
    %eq3A_167 = arith.cmpi eq, %get3A_3, %eq3A_166 : vector<256x128xi32>
    %sub3A_168 = arith.constant 12288 : i32
    %sub3A_169 = arith.subi %sub3A_168, %reduce_sum3A_27 : i32
    %broadcast_in_dim3A_170 = vector.broadcast %sub3A_169 : i32 to vector<256x128xi32>
    %select_n3A_171 = arith.select %eq3A_167, %broadcast_in_dim3A_170, %select_n3A_164 : vector<256x128xi1>, vector<256x128xi32>
    %eq3A_172 = arith.constant 4 : i32
    %eq3A_173 = vector.broadcast %eq3A_172 : i32 to vector<256x128xi32>
    %eq3A_174 = arith.cmpi eq, %get3A_3, %eq3A_173 : vector<256x128xi32>
    %sub3A_175 = arith.constant 16384 : i32
    %sub3A_176 = arith.subi %sub3A_175, %reduce_sum3A_36 : i32
    %broadcast_in_dim3A_177 = vector.broadcast %sub3A_176 : i32 to vector<256x128xi32>
    %select_n3A_178 = arith.select %eq3A_174, %broadcast_in_dim3A_177, %select_n3A_171 : vector<256x128xi1>, vector<256x128xi32>
    %eq3A_179 = arith.constant 5 : i32
    %eq3A_180 = vector.broadcast %eq3A_179 : i32 to vector<256x128xi32>
    %eq3A_181 = arith.cmpi eq, %get3A_3, %eq3A_180 : vector<256x128xi32>
    %sub3A_182 = arith.constant 20480 : i32
    %sub3A_183 = arith.subi %sub3A_182, %reduce_sum3A_45 : i32
    %broadcast_in_dim3A_184 = vector.broadcast %sub3A_183 : i32 to vector<256x128xi32>
    %select_n3A_185 = arith.select %eq3A_181, %broadcast_in_dim3A_184, %select_n3A_178 : vector<256x128xi1>, vector<256x128xi32>
    %eq3A_186 = arith.constant 6 : i32
    %eq3A_187 = vector.broadcast %eq3A_186 : i32 to vector<256x128xi32>
    %eq3A_188 = arith.cmpi eq, %get3A_3, %eq3A_187 : vector<256x128xi32>
    %sub3A_189 = arith.constant 24576 : i32
    %sub3A_190 = arith.subi %sub3A_189, %reduce_sum3A_54 : i32
    %broadcast_in_dim3A_191 = vector.broadcast %sub3A_190 : i32 to vector<256x128xi32>
    %select_n3A_192 = arith.select %eq3A_188, %broadcast_in_dim3A_191, %select_n3A_185 : vector<256x128xi1>, vector<256x128xi32>
    %eq3A_193 = arith.constant 7 : i32
    %eq3A_194 = vector.broadcast %eq3A_193 : i32 to vector<256x128xi32>
    %eq3A_195 = arith.cmpi eq, %get3A_3, %eq3A_194 : vector<256x128xi32>
    %sub3A_196 = arith.constant 28672 : i32
    %sub3A_197 = arith.subi %sub3A_196, %reduce_sum3A_63 : i32
    %broadcast_in_dim3A_198 = vector.broadcast %sub3A_197 : i32 to vector<256x128xi32>
    %select_n3A_199 = arith.select %eq3A_195, %broadcast_in_dim3A_198, %select_n3A_192 : vector<256x128xi1>, vector<256x128xi32>
    %eq3A_200 = arith.constant 8 : i32
    %eq3A_201 = vector.broadcast %eq3A_200 : i32 to vector<256x128xi32>
    %eq3A_202 = arith.cmpi eq, %get3A_3, %eq3A_201 : vector<256x128xi32>
    %sub3A_203 = arith.constant 32768 : i32
    %sub3A_204 = arith.subi %sub3A_203, %reduce_sum3A_72 : i32
    %broadcast_in_dim3A_205 = vector.broadcast %sub3A_204 : i32 to vector<256x128xi32>
    %select_n3A_206 = arith.select %eq3A_202, %broadcast_in_dim3A_205, %select_n3A_199 : vector<256x128xi1>, vector<256x128xi32>
    %eq3A_207 = arith.constant 9 : i32
    %eq3A_208 = vector.broadcast %eq3A_207 : i32 to vector<256x128xi32>
    %eq3A_209 = arith.cmpi eq, %get3A_3, %eq3A_208 : vector<256x128xi32>
    %sub3A_210 = arith.constant 36864 : i32
    %sub3A_211 = arith.subi %sub3A_210, %reduce_sum3A_81 : i32
    %broadcast_in_dim3A_212 = vector.broadcast %sub3A_211 : i32 to vector<256x128xi32>
    %select_n3A_213 = arith.select %eq3A_209, %broadcast_in_dim3A_212, %select_n3A_206 : vector<256x128xi1>, vector<256x128xi32>
    %eq3A_214 = arith.constant 10 : i32
    %eq3A_215 = vector.broadcast %eq3A_214 : i32 to vector<256x128xi32>
    %eq3A_216 = arith.cmpi eq, %get3A_3, %eq3A_215 : vector<256x128xi32>
    %sub3A_217 = arith.constant 40960 : i32
    %sub3A_218 = arith.subi %sub3A_217, %reduce_sum3A_90 : i32
    %broadcast_in_dim3A_219 = vector.broadcast %sub3A_218 : i32 to vector<256x128xi32>
    %select_n3A_220 = arith.select %eq3A_216, %broadcast_in_dim3A_219, %select_n3A_213 : vector<256x128xi1>, vector<256x128xi32>
    %eq3A_221 = arith.constant 11 : i32
    %eq3A_222 = vector.broadcast %eq3A_221 : i32 to vector<256x128xi32>
    %eq3A_223 = arith.cmpi eq, %get3A_3, %eq3A_222 : vector<256x128xi32>
    %sub3A_224 = arith.constant 45056 : i32
    %sub3A_225 = arith.subi %sub3A_224, %reduce_sum3A_99 : i32
    %broadcast_in_dim3A_226 = vector.broadcast %sub3A_225 : i32 to vector<256x128xi32>
    %select_n3A_227 = arith.select %eq3A_223, %broadcast_in_dim3A_226, %select_n3A_220 : vector<256x128xi1>, vector<256x128xi32>
    %eq3A_228 = arith.constant 12 : i32
    %eq3A_229 = vector.broadcast %eq3A_228 : i32 to vector<256x128xi32>
    %eq3A_230 = arith.cmpi eq, %get3A_3, %eq3A_229 : vector<256x128xi32>
    %sub3A_231 = arith.constant 49152 : i32
    %sub3A_232 = arith.subi %sub3A_231, %reduce_sum3A_108 : i32
    %broadcast_in_dim3A_233 = vector.broadcast %sub3A_232 : i32 to vector<256x128xi32>
    %select_n3A_234 = arith.select %eq3A_230, %broadcast_in_dim3A_233, %select_n3A_227 : vector<256x128xi1>, vector<256x128xi32>
    %eq3A_235 = arith.constant 13 : i32
    %eq3A_236 = vector.broadcast %eq3A_235 : i32 to vector<256x128xi32>
    %eq3A_237 = arith.cmpi eq, %get3A_3, %eq3A_236 : vector<256x128xi32>
    %sub3A_238 = arith.constant 53248 : i32
    %sub3A_239 = arith.subi %sub3A_238, %reduce_sum3A_117 : i32
    %broadcast_in_dim3A_240 = vector.broadcast %sub3A_239 : i32 to vector<256x128xi32>
    %select_n3A_241 = arith.select %eq3A_237, %broadcast_in_dim3A_240, %select_n3A_234 : vector<256x128xi1>, vector<256x128xi32>
    %eq3A_242 = arith.constant 14 : i32
    %eq3A_243 = vector.broadcast %eq3A_242 : i32 to vector<256x128xi32>
    %eq3A_244 = arith.cmpi eq, %get3A_3, %eq3A_243 : vector<256x128xi32>
    %sub3A_245 = arith.constant 57344 : i32
    %sub3A_246 = arith.subi %sub3A_245, %reduce_sum3A_126 : i32
    %broadcast_in_dim3A_247 = vector.broadcast %sub3A_246 : i32 to vector<256x128xi32>
    %select_n3A_248 = arith.select %eq3A_244, %broadcast_in_dim3A_247, %select_n3A_241 : vector<256x128xi1>, vector<256x128xi32>
    %eq3A_249 = arith.constant 15 : i32
    %eq3A_250 = vector.broadcast %eq3A_249 : i32 to vector<256x128xi32>
    %eq3A_251 = arith.cmpi eq, %get3A_3, %eq3A_250 : vector<256x128xi32>
    %sub3A_252 = arith.constant 61440 : i32
    %sub3A_253 = arith.subi %sub3A_252, %reduce_sum3A_135 : i32
    %broadcast_in_dim3A_254 = vector.broadcast %sub3A_253 : i32 to vector<256x128xi32>
    %select_n3A_255 = arith.select %eq3A_251, %broadcast_in_dim3A_254, %select_n3A_248 : vector<256x128xi1>, vector<256x128xi32>
    %iota3A = tpu.iota {dimensions = array<i32: 0>} : vector<256x128xi32>
    %iota3A_256 = tpu.iota {dimensions = array<i32: 1>} : vector<256x128xi32>
    %mul3A = arith.constant 128 : i32
    %mul3A_257 = vector.broadcast %mul3A : i32 to vector<256x128xi32>
    %mul3A_258 = arith.muli %iota3A, %mul3A_257 : vector<256x128xi32>
    %add3A = arith.addi %mul3A_258, %iota3A_256 : vector<256x128xi32>
    %add3A_259 = arith.addi %add3A, %select_n3A_255 : vector<256x128xi32>
    %swap3A = arith.constant 0 : index
    %swap3A_260 = arith.constant 0 : index
    %swap3A_261 = vector.load %arg2[%swap3A, %swap3A_260] : memref<256x128xi32, #tpu.memory_space<vmem>>, vector<256x128xi32>
    tpu.vector_store %arg2[%swap3A, %swap3A_260], %add3A_259 {strides = array<i32>} : memref<256x128xi32, #tpu.memory_space<vmem>>, vector<256x128xi32>,
    %iota3A_262 = tpu.iota {dimensions = array<i32: 0>} : vector<32x128xi32>
    %iota3A_263 = tpu.iota {dimensions = array<i32: 1>} : vector<32x128xi32>
    %mul3A_264 = arith.constant 128 : i32
    %mul3A_265 = vector.broadcast %mul3A_264 : i32 to vector<32x128xi32>
    %mul3A_266 = arith.muli %iota3A_262, %mul3A_265 : vector<32x128xi32>
    %add3A_267 = arith.addi %mul3A_266, %iota3A_263 : vector<32x128xi32>
    %sub3A_268 = arith.constant 0 : i32
    %sub3A_269 = arith.subi %reduce_sum3A_9, %sub3A_268 : i32
    %mul3A_270 = arith.constant 2 : i32
    %mul3A_271 = arith.muli %mul3A_270, %sub3A_269 : i32
    %sub3A_272 = arith.constant 2 : i32
    %sub3A_273 = arith.subi %mul3A_271, %sub3A_272 : i32
    %sub3A_274 = vector.broadcast %sub3A_269 : i32 to vector<32x128xi32>
    %sub3A_275 = arith.subi %add3A_267, %sub3A_274 : vector<32x128xi32>
    %max3A = arith.constant 0 : i32
    %max3A_276 = vector.broadcast %max3A : i32 to vector<32x128xi32>
    %max3A_277 = arith.maxsi %sub3A_275, %max3A_276 : vector<32x128xi32>
    %convert_element_type3A_278 = arith.sitofp %sub3A_273 : i32 to f32
    %convert_element_type3A_279 = arith.sitofp %max3A_277 : vector<32x128xi32> to vector<32x128xf32>
    %div3A = vector.broadcast %convert_element_type3A_278 : f32 to vector<32x128xf32>
    %div3A_280 = arith.divf %convert_element_type3A_279, %div3A : vector<32x128xf32>
    %floor3A = math.floor %div3A_280 : vector<32x128xf32>
    %convert_element_type3A_281 = arith.fptosi %floor3A : vector<32x128xf32> to vector<32x128xi32>
    %mul3A_282 = vector.broadcast %sub3A_273 : i32 to vector<32x128xi32>
    %mul3A_283 = arith.muli %convert_element_type3A_281, %mul3A_282 : vector<32x128xi32>
    %sub3A_284 = arith.subi %max3A_277, %mul3A_283 : vector<32x128xi32>
    %ge3A = vector.broadcast %sub3A_273 : i32 to vector<32x128xi32>
    %ge3A_285 = arith.cmpi sge, %sub3A_284, %ge3A : vector<32x128xi32>
    %jit3A = arith.constant 1 : i32
    %jit3A_286 = arith.constant 0 : i32
    %broadcast_in_dim3A_287 = vector.broadcast %jit3A : i32 to vector<32x128xi32>
    %broadcast_in_dim3A_288 = vector.broadcast %jit3A_286 : i32 to vector<32x128xi32>
    %select_n3A_289 = arith.select %ge3A_285, %broadcast_in_dim3A_287, %broadcast_in_dim3A_288 : vector<32x128xi1>, vector<32x128xi32>
    %add3A_290 = arith.addi %convert_element_type3A_281, %select_n3A_289 : vector<32x128xi32>
    %lt3A_291 = arith.constant 0 : i32
    %lt3A_292 = vector.broadcast %lt3A_291 : i32 to vector<32x128xi32>
    %lt3A_293 = arith.cmpi slt, %sub3A_284, %lt3A_292 : vector<32x128xi32>
    %jit3A_294 = arith.constant 1 : i32
    %jit3A_295 = arith.constant 0 : i32
    %broadcast_in_dim3A_296 = vector.broadcast %jit3A_294 : i32 to vector<32x128xi32>
    %broadcast_in_dim3A_297 = vector.broadcast %jit3A_295 : i32 to vector<32x128xi32>
    %select_n3A_298 = arith.select %lt3A_293, %broadcast_in_dim3A_296, %broadcast_in_dim3A_297 : vector<32x128xi1>, vector<32x128xi32>
    %sub3A_299 = arith.subi %add3A_290, %select_n3A_298 : vector<32x128xi32>
    %mul3A_300 = vector.broadcast %sub3A_273 : i32 to vector<32x128xi32>
    %mul3A_301 = arith.muli %sub3A_299, %mul3A_300 : vector<32x128xi32>
    %sub3A_302 = arith.subi %max3A_277, %mul3A_301 : vector<32x128xi32>
    %sub3A_303 = arith.constant 1 : i32
    %sub3A_304 = arith.subi %sub3A_269, %sub3A_303 : i32
    %lt3A_305 = vector.broadcast %sub3A_304 : i32 to vector<32x128xi32>
    %lt3A_306 = arith.cmpi slt, %sub3A_302, %lt3A_305 : vector<32x128xi32>
    %sub3A_307 = arith.constant 2 : i32
    %sub3A_308 = arith.subi %sub3A_269, %sub3A_307 : i32
    %sub3A_309 = vector.broadcast %sub3A_308 : i32 to vector<32x128xi32>
    %sub3A_310 = arith.subi %sub3A_309, %sub3A_302 : vector<32x128xi32>
    %sub3A_311 = vector.broadcast %sub3A_269 : i32 to vector<32x128xi32>
    %sub3A_312 = arith.subi %sub3A_302, %sub3A_311 : vector<32x128xi32>
    %add3A_313 = arith.constant 2 : i32
    %add3A_314 = vector.broadcast %add3A_313 : i32 to vector<32x128xi32>
    %add3A_315 = arith.addi %sub3A_312, %add3A_314 : vector<32x128xi32>
    %select_n3A_316 = arith.select %lt3A_306, %sub3A_310, %add3A_315 : vector<32x128xi1>, vector<32x128xi32>
    %lt3A_317 = vector.broadcast %sub3A_269 : i32 to vector<32x128xi32>
    %lt3A_318 = arith.cmpi slt, %add3A_267, %lt3A_317 : vector<32x128xi32>
    %select_n3A_319 = arith.select %lt3A_318, %add3A_267, %select_n3A_316 : vector<32x128xi1>, vector<32x128xi32>
    %add3A_320 = arith.constant 0 : i32
    %add3A_321 = vector.broadcast %add3A_320 : i32 to vector<32x128xi32>
    %add3A_322 = arith.addi %add3A_321, %select_n3A_319 : vector<32x128xi32>
    %swap3A_323 = arith.constant 0 : index
    %swap3A_324 = arith.constant 0 : index
    %swap3A_325 = vector.load %arg1[%swap3A_323, %swap3A_324] : memref<512x128xi32, #tpu.memory_space<vmem>>, vector<32x128xi32>
    tpu.vector_store %arg1[%swap3A_323, %swap3A_324], %add3A_322 {strides = array<i32>} : memref<512x128xi32, #tpu.memory_space<vmem>>, vector<32x128xi32>,
    %ge3A_326 = vector.broadcast %sub3A_269 : i32 to vector<32x128xi32>
    %ge3A_327 = arith.cmpi sge, %add3A_267, %ge3A_326 : vector<32x128xi32>
    %swap3A_328 = arith.constant 0 : index
    %swap3A_329 = arith.constant 0 : index
    %swap3A_330 = vector.load %arg3[%swap3A_328, %swap3A_329] : memref<512x128xi32, #tpu.memory_space<vmem>>, vector<32x128xi32>
    %swap3A_331 = arith.extui %ge3A_327 : vector<32x128xi1> to vector<32x128xi32>
    %swap3A_332 = arith.constant dense<0> : vector<32x128xi32>
    %swap3A_333 = arith.cmpi ne, %swap3A_330, %swap3A_332 : vector<32x128xi32>
    tpu.vector_store %arg3[%swap3A_328, %swap3A_329], %swap3A_331 {strides = array<i32>} : memref<512x128xi32, #tpu.memory_space<vmem>>, vector<32x128xi32>,
    %sub3A_334 = arith.subi %reduce_sum3A_18, %reduce_sum3A_9 : i32
    %mul3A_335 = arith.constant 2 : i32
    %mul3A_336 = arith.muli %mul3A_335, %sub3A_334 : i32
    %sub3A_337 = arith.constant 2 : i32
    %sub3A_338 = arith.subi %mul3A_336, %sub3A_337 : i32
    %sub3A_339 = vector.broadcast %sub3A_334 : i32 to vector<32x128xi32>
    %sub3A_340 = arith.subi %add3A_267, %sub3A_339 : vector<32x128xi32>
    %max3A_341 = arith.constant 0 : i32
    %max3A_342 = vector.broadcast %max3A_341 : i32 to vector<32x128xi32>
    %max3A_343 = arith.maxsi %sub3A_340, %max3A_342 : vector<32x128xi32>
    %convert_element_type3A_344 = arith.sitofp %sub3A_338 : i32 to f32
    %convert_element_type3A_345 = arith.sitofp %max3A_343 : vector<32x128xi32> to vector<32x128xf32>
    %div3A_346 = vector.broadcast %convert_element_type3A_344 : f32 to vector<32x128xf32>
    %div3A_347 = arith.divf %convert_element_type3A_345, %div3A_346 : vector<32x128xf32>
    %floor3A_348 = math.floor %div3A_347 : vector<32x128xf32>
    %convert_element_type3A_349 = arith.fptosi %floor3A_348 : vector<32x128xf32> to vector<32x128xi32>
    %mul3A_350 = vector.broadcast %sub3A_338 : i32 to vector<32x128xi32>
    %mul3A_351 = arith.muli %convert_element_type3A_349, %mul3A_350 : vector<32x128xi32>
    %sub3A_352 = arith.subi %max3A_343, %mul3A_351 : vector<32x128xi32>
    %ge3A_353 = vector.broadcast %sub3A_338 : i32 to vector<32x128xi32>
    %ge3A_354 = arith.cmpi sge, %sub3A_352, %ge3A_353 : vector<32x128xi32>
    %jit3A_355 = arith.constant 1 : i32
    %jit3A_356 = arith.constant 0 : i32
    %broadcast_in_dim3A_357 = vector.broadcast %jit3A_355 : i32 to vector<32x128xi32>
    %broadcast_in_dim3A_358 = vector.broadcast %jit3A_356 : i32 to vector<32x128xi32>
    %select_n3A_359 = arith.select %ge3A_354, %broadcast_in_dim3A_357, %broadcast_in_dim3A_358 : vector<32x128xi1>, vector<32x128xi32>
    %add3A_360 = arith.addi %convert_element_type3A_349, %select_n3A_359 : vector<32x128xi32>
    %lt3A_361 = arith.constant 0 : i32
    %lt3A_362 = vector.broadcast %lt3A_361 : i32 to vector<32x128xi32>
    %lt3A_363 = arith.cmpi slt, %sub3A_352, %lt3A_362 : vector<32x128xi32>
    %jit3A_364 = arith.constant 1 : i32
    %jit3A_365 = arith.constant 0 : i32
    %broadcast_in_dim3A_366 = vector.broadcast %jit3A_364 : i32 to vector<32x128xi32>
    %broadcast_in_dim3A_367 = vector.broadcast %jit3A_365 : i32 to vector<32x128xi32>
    %select_n3A_368 = arith.select %lt3A_363, %broadcast_in_dim3A_366, %broadcast_in_dim3A_367 : vector<32x128xi1>, vector<32x128xi32>
    %sub3A_369 = arith.subi %add3A_360, %select_n3A_368 : vector<32x128xi32>
    %mul3A_370 = vector.broadcast %sub3A_338 : i32 to vector<32x128xi32>
    %mul3A_371 = arith.muli %sub3A_369, %mul3A_370 : vector<32x128xi32>
    %sub3A_372 = arith.subi %max3A_343, %mul3A_371 : vector<32x128xi32>
    %sub3A_373 = arith.constant 1 : i32
    %sub3A_374 = arith.subi %sub3A_334, %sub3A_373 : i32
    %lt3A_375 = vector.broadcast %sub3A_374 : i32 to vector<32x128xi32>
    %lt3A_376 = arith.cmpi slt, %sub3A_372, %lt3A_375 : vector<32x128xi32>
    %sub3A_377 = arith.constant 2 : i32
    %sub3A_378 = arith.subi %sub3A_334, %sub3A_377 : i32
    %sub3A_379 = vector.broadcast %sub3A_378 : i32 to vector<32x128xi32>
    %sub3A_380 = arith.subi %sub3A_379, %sub3A_372 : vector<32x128xi32>
    %sub3A_381 = vector.broadcast %sub3A_334 : i32 to vector<32x128xi32>
    %sub3A_382 = arith.subi %sub3A_372, %sub3A_381 : vector<32x128xi32>
    %add3A_383 = arith.constant 2 : i32
    %add3A_384 = vector.broadcast %add3A_383 : i32 to vector<32x128xi32>
    %add3A_385 = arith.addi %sub3A_382, %add3A_384 : vector<32x128xi32>
    %select_n3A_386 = arith.select %lt3A_376, %sub3A_380, %add3A_385 : vector<32x128xi1>, vector<32x128xi32>
    %lt3A_387 = vector.broadcast %sub3A_334 : i32 to vector<32x128xi32>
    %lt3A_388 = arith.cmpi slt, %add3A_267, %lt3A_387 : vector<32x128xi32>
    %select_n3A_389 = arith.select %lt3A_388, %add3A_267, %select_n3A_386 : vector<32x128xi1>, vector<32x128xi32>
    %add3A_390 = vector.broadcast %reduce_sum3A_9 : i32 to vector<32x128xi32>
    %add3A_391 = arith.addi %add3A_390, %select_n3A_389 : vector<32x128xi32>
    %swap3A_392 = arith.constant 32 : index
    %swap3A_393 = arith.constant 0 : index
    %swap3A_394 = vector.load %arg1[%swap3A_392, %swap3A_393] : memref<512x128xi32, #tpu.memory_space<vmem>>, vector<32x128xi32>
    tpu.vector_store %arg1[%swap3A_392, %swap3A_393], %add3A_391 {strides = array<i32>} : memref<512x128xi32, #tpu.memory_space<vmem>>, vector<32x128xi32>,
    %ge3A_395 = vector.broadcast %sub3A_334 : i32 to vector<32x128xi32>
    %ge3A_396 = arith.cmpi sge, %add3A_267, %ge3A_395 : vector<32x128xi32>
    %swap3A_397 = arith.constant 32 : index
    %swap3A_398 = arith.constant 0 : index
    %swap3A_399 = vector.load %arg3[%swap3A_397, %swap3A_398] : memref<512x128xi32, #tpu.memory_space<vmem>>, vector<32x128xi32>
    %swap3A_400 = arith.extui %ge3A_396 : vector<32x128xi1> to vector<32x128xi32>
    %swap3A_401 = arith.constant dense<0> : vector<32x128xi32>
    %swap3A_402 = arith.cmpi ne, %swap3A_399, %swap3A_401 : vector<32x128xi32>
    tpu.vector_store %arg3[%swap3A_397, %swap3A_398], %swap3A_400 {strides = array<i32>} : memref<512x128xi32, #tpu.memory_space<vmem>>, vector<32x128xi32>,
    %sub3A_403 = arith.subi %reduce_sum3A_27, %reduce_sum3A_18 : i32
    %mul3A_404 = arith.constant 2 : i32
    %mul3A_405 = arith.muli %mul3A_404, %sub3A_403 : i32
    %sub3A_406 = arith.constant 2 : i32
    %sub3A_407 = arith.subi %mul3A_405, %sub3A_406 : i32
    %sub3A_408 = vector.broadcast %sub3A_403 : i32 to vector<32x128xi32>
    %sub3A_409 = arith.subi %add3A_267, %sub3A_408 : vector<32x128xi32>
    %max3A_410 = arith.constant 0 : i32
    %max3A_411 = vector.broadcast %max3A_410 : i32 to vector<32x128xi32>
    %max3A_412 = arith.maxsi %sub3A_409, %max3A_411 : vector<32x128xi32>
    %convert_element_type3A_413 = arith.sitofp %sub3A_407 : i32 to f32
    %convert_element_type3A_414 = arith.sitofp %max3A_412 : vector<32x128xi32> to vector<32x128xf32>
    %div3A_415 = vector.broadcast %convert_element_type3A_413 : f32 to vector<32x128xf32>
    %div3A_416 = arith.divf %convert_element_type3A_414, %div3A_415 : vector<32x128xf32>
    %floor3A_417 = math.floor %div3A_416 : vector<32x128xf32>
    %convert_element_type3A_418 = arith.fptosi %floor3A_417 : vector<32x128xf32> to vector<32x128xi32>
    %mul3A_419 = vector.broadcast %sub3A_407 : i32 to vector<32x128xi32>
    %mul3A_420 = arith.muli %convert_element_type3A_418, %mul3A_419 : vector<32x128xi32>
    %sub3A_421 = arith.subi %max3A_412, %mul3A_420 : vector<32x128xi32>
    %ge3A_422 = vector.broadcast %sub3A_407 : i32 to vector<32x128xi32>
    %ge3A_423 = arith.cmpi sge, %sub3A_421, %ge3A_422 : vector<32x128xi32>
    %jit3A_424 = arith.constant 1 : i32
    %jit3A_425 = arith.constant 0 : i32
    %broadcast_in_dim3A_426 = vector.broadcast %jit3A_424 : i32 to vector<32x128xi32>
    %broadcast_in_dim3A_427 = vector.broadcast %jit3A_425 : i32 to vector<32x128xi32>
    %select_n3A_428 = arith.select %ge3A_423, %broadcast_in_dim3A_426, %broadcast_in_dim3A_427 : vector<32x128xi1>, vector<32x128xi32>
    %add3A_429 = arith.addi %convert_element_type3A_418, %select_n3A_428 : vector<32x128xi32>
    %lt3A_430 = arith.constant 0 : i32
    %lt3A_431 = vector.broadcast %lt3A_430 : i32 to vector<32x128xi32>
    %lt3A_432 = arith.cmpi slt, %sub3A_421, %lt3A_431 : vector<32x128xi32>
    %jit3A_433 = arith.constant 1 : i32
    %jit3A_434 = arith.constant 0 : i32
    %broadcast_in_dim3A_435 = vector.broadcast %jit3A_433 : i32 to vector<32x128xi32>
    %broadcast_in_dim3A_436 = vector.broadcast %jit3A_434 : i32 to vector<32x128xi32>
    %select_n3A_437 = arith.select %lt3A_432, %broadcast_in_dim3A_435, %broadcast_in_dim3A_436 : vector<32x128xi1>, vector<32x128xi32>
    %sub3A_438 = arith.subi %add3A_429, %select_n3A_437 : vector<32x128xi32>
    %mul3A_439 = vector.broadcast %sub3A_407 : i32 to vector<32x128xi32>
    %mul3A_440 = arith.muli %sub3A_438, %mul3A_439 : vector<32x128xi32>
    %sub3A_441 = arith.subi %max3A_412, %mul3A_440 : vector<32x128xi32>
    %sub3A_442 = arith.constant 1 : i32
    %sub3A_443 = arith.subi %sub3A_403, %sub3A_442 : i32
    %lt3A_444 = vector.broadcast %sub3A_443 : i32 to vector<32x128xi32>
    %lt3A_445 = arith.cmpi slt, %sub3A_441, %lt3A_444 : vector<32x128xi32>
    %sub3A_446 = arith.constant 2 : i32
    %sub3A_447 = arith.subi %sub3A_403, %sub3A_446 : i32
    %sub3A_448 = vector.broadcast %sub3A_447 : i32 to vector<32x128xi32>
    %sub3A_449 = arith.subi %sub3A_448, %sub3A_441 : vector<32x128xi32>
    %sub3A_450 = vector.broadcast %sub3A_403 : i32 to vector<32x128xi32>
    %sub3A_451 = arith.subi %sub3A_441, %sub3A_450 : vector<32x128xi32>
    %add3A_452 = arith.constant 2 : i32
    %add3A_453 = vector.broadcast %add3A_452 : i32 to vector<32x128xi32>
    %add3A_454 = arith.addi %sub3A_451, %add3A_453 : vector<32x128xi32>
    %select_n3A_455 = arith.select %lt3A_445, %sub3A_449, %add3A_454 : vector<32x128xi1>, vector<32x128xi32>
    %lt3A_456 = vector.broadcast %sub3A_403 : i32 to vector<32x128xi32>
    %lt3A_457 = arith.cmpi slt, %add3A_267, %lt3A_456 : vector<32x128xi32>
    %select_n3A_458 = arith.select %lt3A_457, %add3A_267, %select_n3A_455 : vector<32x128xi1>, vector<32x128xi32>
    %add3A_459 = vector.broadcast %reduce_sum3A_18 : i32 to vector<32x128xi32>
    %add3A_460 = arith.addi %add3A_459, %select_n3A_458 : vector<32x128xi32>
    %swap3A_461 = arith.constant 64 : index
    %swap3A_462 = arith.constant 0 : index
    %swap3A_463 = vector.load %arg1[%swap3A_461, %swap3A_462] : memref<512x128xi32, #tpu.memory_space<vmem>>, vector<32x128xi32>
    tpu.vector_store %arg1[%swap3A_461, %swap3A_462], %add3A_460 {strides = array<i32>} : memref<512x128xi32, #tpu.memory_space<vmem>>, vector<32x128xi32>,
    %ge3A_464 = vector.broadcast %sub3A_403 : i32 to vector<32x128xi32>
    %ge3A_465 = arith.cmpi sge, %add3A_267, %ge3A_464 : vector<32x128xi32>
    %swap3A_466 = arith.constant 64 : index
    %swap3A_467 = arith.constant 0 : index
    %swap3A_468 = vector.load %arg3[%swap3A_466, %swap3A_467] : memref<512x128xi32, #tpu.memory_space<vmem>>, vector<32x128xi32>
    %swap3A_469 = arith.extui %ge3A_465 : vector<32x128xi1> to vector<32x128xi32>
    %swap3A_470 = arith.constant dense<0> : vector<32x128xi32>
    %swap3A_471 = arith.cmpi ne, %swap3A_468, %swap3A_470 : vector<32x128xi32>
    tpu.vector_store %arg3[%swap3A_466, %swap3A_467], %swap3A_469 {strides = array<i32>} : memref<512x128xi32, #tpu.memory_space<vmem>>, vector<32x128xi32>,
    %sub3A_472 = arith.subi %reduce_sum3A_36, %reduce_sum3A_27 : i32
    %mul3A_473 = arith.constant 2 : i32
    %mul3A_474 = arith.muli %mul3A_473, %sub3A_472 : i32
    %sub3A_475 = arith.constant 2 : i32
    %sub3A_476 = arith.subi %mul3A_474, %sub3A_475 : i32
    %sub3A_477 = vector.broadcast %sub3A_472 : i32 to vector<32x128xi32>
    %sub3A_478 = arith.subi %add3A_267, %sub3A_477 : vector<32x128xi32>
    %max3A_479 = arith.constant 0 : i32
    %max3A_480 = vector.broadcast %max3A_479 : i32 to vector<32x128xi32>
    %max3A_481 = arith.maxsi %sub3A_478, %max3A_480 : vector<32x128xi32>
    %convert_element_type3A_482 = arith.sitofp %sub3A_476 : i32 to f32
    %convert_element_type3A_483 = arith.sitofp %max3A_481 : vector<32x128xi32> to vector<32x128xf32>
    %div3A_484 = vector.broadcast %convert_element_type3A_482 : f32 to vector<32x128xf32>
    %div3A_485 = arith.divf %convert_element_type3A_483, %div3A_484 : vector<32x128xf32>
    %floor3A_486 = math.floor %div3A_485 : vector<32x128xf32>
    %convert_element_type3A_487 = arith.fptosi %floor3A_486 : vector<32x128xf32> to vector<32x128xi32>
    %mul3A_488 = vector.broadcast %sub3A_476 : i32 to vector<32x128xi32>
    %mul3A_489 = arith.muli %convert_element_type3A_487, %mul3A_488 : vector<32x128xi32>
    %sub3A_490 = arith.subi %max3A_481, %mul3A_489 : vector<32x128xi32>
    %ge3A_491 = vector.broadcast %sub3A_476 : i32 to vector<32x128xi32>
    %ge3A_492 = arith.cmpi sge, %sub3A_490, %ge3A_491 : vector<32x128xi32>
    %jit3A_493 = arith.constant 1 : i32
    %jit3A_494 = arith.constant 0 : i32
    %broadcast_in_dim3A_495 = vector.broadcast %jit3A_493 : i32 to vector<32x128xi32>
    %broadcast_in_dim3A_496 = vector.broadcast %jit3A_494 : i32 to vector<32x128xi32>
    %select_n3A_497 = arith.select %ge3A_492, %broadcast_in_dim3A_495, %broadcast_in_dim3A_496 : vector<32x128xi1>, vector<32x128xi32>
    %add3A_498 = arith.addi %convert_element_type3A_487, %select_n3A_497 : vector<32x128xi32>
    %lt3A_499 = arith.constant 0 : i32
    %lt3A_500 = vector.broadcast %lt3A_499 : i32 to vector<32x128xi32>
    %lt3A_501 = arith.cmpi slt, %sub3A_490, %lt3A_500 : vector<32x128xi32>
    %jit3A_502 = arith.constant 1 : i32
    %jit3A_503 = arith.constant 0 : i32
    %broadcast_in_dim3A_504 = vector.broadcast %jit3A_502 : i32 to vector<32x128xi32>
    %broadcast_in_dim3A_505 = vector.broadcast %jit3A_503 : i32 to vector<32x128xi32>
    %select_n3A_506 = arith.select %lt3A_501, %broadcast_in_dim3A_504, %broadcast_in_dim3A_505 : vector<32x128xi1>, vector<32x128xi32>
    %sub3A_507 = arith.subi %add3A_498, %select_n3A_506 : vector<32x128xi32>
    %mul3A_508 = vector.broadcast %sub3A_476 : i32 to vector<32x128xi32>
    %mul3A_509 = arith.muli %sub3A_507, %mul3A_508 : vector<32x128xi32>
    %sub3A_510 = arith.subi %max3A_481, %mul3A_509 : vector<32x128xi32>
    %sub3A_511 = arith.constant 1 : i32
    %sub3A_512 = arith.subi %sub3A_472, %sub3A_511 : i32
    %lt3A_513 = vector.broadcast %sub3A_512 : i32 to vector<32x128xi32>
    %lt3A_514 = arith.cmpi slt, %sub3A_510, %lt3A_513 : vector<32x128xi32>
    %sub3A_515 = arith.constant 2 : i32
    %sub3A_516 = arith.subi %sub3A_472, %sub3A_515 : i32
    %sub3A_517 = vector.broadcast %sub3A_516 : i32 to vector<32x128xi32>
    %sub3A_518 = arith.subi %sub3A_517, %sub3A_510 : vector<32x128xi32>
    %sub3A_519 = vector.broadcast %sub3A_472 : i32 to vector<32x128xi32>
    %sub3A_520 = arith.subi %sub3A_510, %sub3A_519 : vector<32x128xi32>
    %add3A_521 = arith.constant 2 : i32
    %add3A_522 = vector.broadcast %add3A_521 : i32 to vector<32x128xi32>
    %add3A_523 = arith.addi %sub3A_520, %add3A_522 : vector<32x128xi32>
    %select_n3A_524 = arith.select %lt3A_514, %sub3A_518, %add3A_523 : vector<32x128xi1>, vector<32x128xi32>
    %lt3A_525 = vector.broadcast %sub3A_472 : i32 to vector<32x128xi32>
    %lt3A_526 = arith.cmpi slt, %add3A_267, %lt3A_525 : vector<32x128xi32>
    %select_n3A_527 = arith.select %lt3A_526, %add3A_267, %select_n3A_524 : vector<32x128xi1>, vector<32x128xi32>
    %add3A_528 = vector.broadcast %reduce_sum3A_27 : i32 to vector<32x128xi32>
    %add3A_529 = arith.addi %add3A_528, %select_n3A_527 : vector<32x128xi32>
    %swap3A_530 = arith.constant 96 : index
    %swap3A_531 = arith.constant 0 : index
    %swap3A_532 = vector.load %arg1[%swap3A_530, %swap3A_531] : memref<512x128xi32, #tpu.memory_space<vmem>>, vector<32x128xi32>
    tpu.vector_store %arg1[%swap3A_530, %swap3A_531], %add3A_529 {strides = array<i32>} : memref<512x128xi32, #tpu.memory_space<vmem>>, vector<32x128xi32>,
    %ge3A_533 = vector.broadcast %sub3A_472 : i32 to vector<32x128xi32>
    %ge3A_534 = arith.cmpi sge, %add3A_267, %ge3A_533 : vector<32x128xi32>
    %swap3A_535 = arith.constant 96 : index
    %swap3A_536 = arith.constant 0 : index
    %swap3A_537 = vector.load %arg3[%swap3A_535, %swap3A_536] : memref<512x128xi32, #tpu.memory_space<vmem>>, vector<32x128xi32>
    %swap3A_538 = arith.extui %ge3A_534 : vector<32x128xi1> to vector<32x128xi32>
    %swap3A_539 = arith.constant dense<0> : vector<32x128xi32>
    %swap3A_540 = arith.cmpi ne, %swap3A_537, %swap3A_539 : vector<32x128xi32>
    tpu.vector_store %arg3[%swap3A_535, %swap3A_536], %swap3A_538 {strides = array<i32>} : memref<512x128xi32, #tpu.memory_space<vmem>>, vector<32x128xi32>,
    %sub3A_541 = arith.subi %reduce_sum3A_45, %reduce_sum3A_36 : i32
    %mul3A_542 = arith.constant 2 : i32
    %mul3A_543 = arith.muli %mul3A_542, %sub3A_541 : i32
    %sub3A_544 = arith.constant 2 : i32
    %sub3A_545 = arith.subi %mul3A_543, %sub3A_544 : i32
    %sub3A_546 = vector.broadcast %sub3A_541 : i32 to vector<32x128xi32>
    %sub3A_547 = arith.subi %add3A_267, %sub3A_546 : vector<32x128xi32>
    %max3A_548 = arith.constant 0 : i32
    %max3A_549 = vector.broadcast %max3A_548 : i32 to vector<32x128xi32>
    %max3A_550 = arith.maxsi %sub3A_547, %max3A_549 : vector<32x128xi32>
    %convert_element_type3A_551 = arith.sitofp %sub3A_545 : i32 to f32
    %convert_element_type3A_552 = arith.sitofp %max3A_550 : vector<32x128xi32> to vector<32x128xf32>
    %div3A_553 = vector.broadcast %convert_element_type3A_551 : f32 to vector<32x128xf32>
    %div3A_554 = arith.divf %convert_element_type3A_552, %div3A_553 : vector<32x128xf32>
    %floor3A_555 = math.floor %div3A_554 : vector<32x128xf32>
    %convert_element_type3A_556 = arith.fptosi %floor3A_555 : vector<32x128xf32> to vector<32x128xi32>
    %mul3A_557 = vector.broadcast %sub3A_545 : i32 to vector<32x128xi32>
    %mul3A_558 = arith.muli %convert_element_type3A_556, %mul3A_557 : vector<32x128xi32>
    %sub3A_559 = arith.subi %max3A_550, %mul3A_558 : vector<32x128xi32>
    %ge3A_560 = vector.broadcast %sub3A_545 : i32 to vector<32x128xi32>
    %ge3A_561 = arith.cmpi sge, %sub3A_559, %ge3A_560 : vector<32x128xi32>
    %jit3A_562 = arith.constant 1 : i32
    %jit3A_563 = arith.constant 0 : i32
    %broadcast_in_dim3A_564 = vector.broadcast %jit3A_562 : i32 to vector<32x128xi32>
    %broadcast_in_dim3A_565 = vector.broadcast %jit3A_563 : i32 to vector<32x128xi32>
    %select_n3A_566 = arith.select %ge3A_561, %broadcast_in_dim3A_564, %broadcast_in_dim3A_565 : vector<32x128xi1>, vector<32x128xi32>
    %add3A_567 = arith.addi %convert_element_type3A_556, %select_n3A_566 : vector<32x128xi32>
    %lt3A_568 = arith.constant 0 : i32
    %lt3A_569 = vector.broadcast %lt3A_568 : i32 to vector<32x128xi32>
    %lt3A_570 = arith.cmpi slt, %sub3A_559, %lt3A_569 : vector<32x128xi32>
    %jit3A_571 = arith.constant 1 : i32
    %jit3A_572 = arith.constant 0 : i32
    %broadcast_in_dim3A_573 = vector.broadcast %jit3A_571 : i32 to vector<32x128xi32>
    %broadcast_in_dim3A_574 = vector.broadcast %jit3A_572 : i32 to vector<32x128xi32>
    %select_n3A_575 = arith.select %lt3A_570, %broadcast_in_dim3A_573, %broadcast_in_dim3A_574 : vector<32x128xi1>, vector<32x128xi32>
    %sub3A_576 = arith.subi %add3A_567, %select_n3A_575 : vector<32x128xi32>
    %mul3A_577 = vector.broadcast %sub3A_545 : i32 to vector<32x128xi32>
    %mul3A_578 = arith.muli %sub3A_576, %mul3A_577 : vector<32x128xi32>
    %sub3A_579 = arith.subi %max3A_550, %mul3A_578 : vector<32x128xi32>
    %sub3A_580 = arith.constant 1 : i32
    %sub3A_581 = arith.subi %sub3A_541, %sub3A_580 : i32
    %lt3A_582 = vector.broadcast %sub3A_581 : i32 to vector<32x128xi32>
    %lt3A_583 = arith.cmpi slt, %sub3A_579, %lt3A_582 : vector<32x128xi32>
    %sub3A_584 = arith.constant 2 : i32
    %sub3A_585 = arith.subi %sub3A_541, %sub3A_584 : i32
    %sub3A_586 = vector.broadcast %sub3A_585 : i32 to vector<32x128xi32>
    %sub3A_587 = arith.subi %sub3A_586, %sub3A_579 : vector<32x128xi32>
    %sub3A_588 = vector.broadcast %sub3A_541 : i32 to vector<32x128xi32>
    %sub3A_589 = arith.subi %sub3A_579, %sub3A_588 : vector<32x128xi32>
    %add3A_590 = arith.constant 2 : i32
    %add3A_591 = vector.broadcast %add3A_590 : i32 to vector<32x128xi32>
    %add3A_592 = arith.addi %sub3A_589, %add3A_591 : vector<32x128xi32>
    %select_n3A_593 = arith.select %lt3A_583, %sub3A_587, %add3A_592 : vector<32x128xi1>, vector<32x128xi32>
    %lt3A_594 = vector.broadcast %sub3A_541 : i32 to vector<32x128xi32>
    %lt3A_595 = arith.cmpi slt, %add3A_267, %lt3A_594 : vector<32x128xi32>
    %select_n3A_596 = arith.select %lt3A_595, %add3A_267, %select_n3A_593 : vector<32x128xi1>, vector<32x128xi32>
    %add3A_597 = vector.broadcast %reduce_sum3A_36 : i32 to vector<32x128xi32>
    %add3A_598 = arith.addi %add3A_597, %select_n3A_596 : vector<32x128xi32>
    %swap3A_599 = arith.constant 128 : index
    %swap3A_600 = arith.constant 0 : index
    %swap3A_601 = vector.load %arg1[%swap3A_599, %swap3A_600] : memref<512x128xi32, #tpu.memory_space<vmem>>, vector<32x128xi32>
    tpu.vector_store %arg1[%swap3A_599, %swap3A_600], %add3A_598 {strides = array<i32>} : memref<512x128xi32, #tpu.memory_space<vmem>>, vector<32x128xi32>,
    %ge3A_602 = vector.broadcast %sub3A_541 : i32 to vector<32x128xi32>
    %ge3A_603 = arith.cmpi sge, %add3A_267, %ge3A_602 : vector<32x128xi32>
    %swap3A_604 = arith.constant 128 : index
    %swap3A_605 = arith.constant 0 : index
    %swap3A_606 = vector.load %arg3[%swap3A_604, %swap3A_605] : memref<512x128xi32, #tpu.memory_space<vmem>>, vector<32x128xi32>
    %swap3A_607 = arith.extui %ge3A_603 : vector<32x128xi1> to vector<32x128xi32>
    %swap3A_608 = arith.constant dense<0> : vector<32x128xi32>
    %swap3A_609 = arith.cmpi ne, %swap3A_606, %swap3A_608 : vector<32x128xi32>
    tpu.vector_store %arg3[%swap3A_604, %swap3A_605], %swap3A_607 {strides = array<i32>} : memref<512x128xi32, #tpu.memory_space<vmem>>, vector<32x128xi32>,
    %sub3A_610 = arith.subi %reduce_sum3A_54, %reduce_sum3A_45 : i32
    %mul3A_611 = arith.constant 2 : i32
    %mul3A_612 = arith.muli %mul3A_611, %sub3A_610 : i32
    %sub3A_613 = arith.constant 2 : i32
    %sub3A_614 = arith.subi %mul3A_612, %sub3A_613 : i32
    %sub3A_615 = vector.broadcast %sub3A_610 : i32 to vector<32x128xi32>
    %sub3A_616 = arith.subi %add3A_267, %sub3A_615 : vector<32x128xi32>
    %max3A_617 = arith.constant 0 : i32
    %max3A_618 = vector.broadcast %max3A_617 : i32 to vector<32x128xi32>
    %max3A_619 = arith.maxsi %sub3A_616, %max3A_618 : vector<32x128xi32>
    %convert_element_type3A_620 = arith.sitofp %sub3A_614 : i32 to f32
    %convert_element_type3A_621 = arith.sitofp %max3A_619 : vector<32x128xi32> to vector<32x128xf32>
    %div3A_622 = vector.broadcast %convert_element_type3A_620 : f32 to vector<32x128xf32>
    %div3A_623 = arith.divf %convert_element_type3A_621, %div3A_622 : vector<32x128xf32>
    %floor3A_624 = math.floor %div3A_623 : vector<32x128xf32>
    %convert_element_type3A_625 = arith.fptosi %floor3A_624 : vector<32x128xf32> to vector<32x128xi32>
    %mul3A_626 = vector.broadcast %sub3A_614 : i32 to vector<32x128xi32>
    %mul3A_627 = arith.muli %convert_element_type3A_625, %mul3A_626 : vector<32x128xi32>
    %sub3A_628 = arith.subi %max3A_619, %mul3A_627 : vector<32x128xi32>
    %ge3A_629 = vector.broadcast %sub3A_614 : i32 to vector<32x128xi32>
    %ge3A_630 = arith.cmpi sge, %sub3A_628, %ge3A_629 : vector<32x128xi32>
    %jit3A_631 = arith.constant 1 : i32
    %jit3A_632 = arith.constant 0 : i32
    %broadcast_in_dim3A_633 = vector.broadcast %jit3A_631 : i32 to vector<32x128xi32>
    %broadcast_in_dim3A_634 = vector.broadcast %jit3A_632 : i32 to vector<32x128xi32>
    %select_n3A_635 = arith.select %ge3A_630, %broadcast_in_dim3A_633, %broadcast_in_dim3A_634 : vector<32x128xi1>, vector<32x128xi32>
    %add3A_636 = arith.addi %convert_element_type3A_625, %select_n3A_635 : vector<32x128xi32>
    %lt3A_637 = arith.constant 0 : i32
    %lt3A_638 = vector.broadcast %lt3A_637 : i32 to vector<32x128xi32>
    %lt3A_639 = arith.cmpi slt, %sub3A_628, %lt3A_638 : vector<32x128xi32>
    %jit3A_640 = arith.constant 1 : i32
    %jit3A_641 = arith.constant 0 : i32
    %broadcast_in_dim3A_642 = vector.broadcast %jit3A_640 : i32 to vector<32x128xi32>
    %broadcast_in_dim3A_643 = vector.broadcast %jit3A_641 : i32 to vector<32x128xi32>
    %select_n3A_644 = arith.select %lt3A_639, %broadcast_in_dim3A_642, %broadcast_in_dim3A_643 : vector<32x128xi1>, vector<32x128xi32>
    %sub3A_645 = arith.subi %add3A_636, %select_n3A_644 : vector<32x128xi32>
    %mul3A_646 = vector.broadcast %sub3A_614 : i32 to vector<32x128xi32>
    %mul3A_647 = arith.muli %sub3A_645, %mul3A_646 : vector<32x128xi32>
    %sub3A_648 = arith.subi %max3A_619, %mul3A_647 : vector<32x128xi32>
    %sub3A_649 = arith.constant 1 : i32
    %sub3A_650 = arith.subi %sub3A_610, %sub3A_649 : i32
    %lt3A_651 = vector.broadcast %sub3A_650 : i32 to vector<32x128xi32>
    %lt3A_652 = arith.cmpi slt, %sub3A_648, %lt3A_651 : vector<32x128xi32>
    %sub3A_653 = arith.constant 2 : i32
    %sub3A_654 = arith.subi %sub3A_610, %sub3A_653 : i32
    %sub3A_655 = vector.broadcast %sub3A_654 : i32 to vector<32x128xi32>
    %sub3A_656 = arith.subi %sub3A_655, %sub3A_648 : vector<32x128xi32>
    %sub3A_657 = vector.broadcast %sub3A_610 : i32 to vector<32x128xi32>
    %sub3A_658 = arith.subi %sub3A_648, %sub3A_657 : vector<32x128xi32>
    %add3A_659 = arith.constant 2 : i32
    %add3A_660 = vector.broadcast %add3A_659 : i32 to vector<32x128xi32>
    %add3A_661 = arith.addi %sub3A_658, %add3A_660 : vector<32x128xi32>
    %select_n3A_662 = arith.select %lt3A_652, %sub3A_656, %add3A_661 : vector<32x128xi1>, vector<32x128xi32>
    %lt3A_663 = vector.broadcast %sub3A_610 : i32 to vector<32x128xi32>
    %lt3A_664 = arith.cmpi slt, %add3A_267, %lt3A_663 : vector<32x128xi32>
    %select_n3A_665 = arith.select %lt3A_664, %add3A_267, %select_n3A_662 : vector<32x128xi1>, vector<32x128xi32>
    %add3A_666 = vector.broadcast %reduce_sum3A_45 : i32 to vector<32x128xi32>
    %add3A_667 = arith.addi %add3A_666, %select_n3A_665 : vector<32x128xi32>
    %swap3A_668 = arith.constant 160 : index
    %swap3A_669 = arith.constant 0 : index
    %swap3A_670 = vector.load %arg1[%swap3A_668, %swap3A_669] : memref<512x128xi32, #tpu.memory_space<vmem>>, vector<32x128xi32>
    tpu.vector_store %arg1[%swap3A_668, %swap3A_669], %add3A_667 {strides = array<i32>} : memref<512x128xi32, #tpu.memory_space<vmem>>, vector<32x128xi32>,
    %ge3A_671 = vector.broadcast %sub3A_610 : i32 to vector<32x128xi32>
    %ge3A_672 = arith.cmpi sge, %add3A_267, %ge3A_671 : vector<32x128xi32>
    %swap3A_673 = arith.constant 160 : index
    %swap3A_674 = arith.constant 0 : index
    %swap3A_675 = vector.load %arg3[%swap3A_673, %swap3A_674] : memref<512x128xi32, #tpu.memory_space<vmem>>, vector<32x128xi32>
    %swap3A_676 = arith.extui %ge3A_672 : vector<32x128xi1> to vector<32x128xi32>
    %swap3A_677 = arith.constant dense<0> : vector<32x128xi32>
    %swap3A_678 = arith.cmpi ne, %swap3A_675, %swap3A_677 : vector<32x128xi32>
    tpu.vector_store %arg3[%swap3A_673, %swap3A_674], %swap3A_676 {strides = array<i32>} : memref<512x128xi32, #tpu.memory_space<vmem>>, vector<32x128xi32>,
    %sub3A_679 = arith.subi %reduce_sum3A_63, %reduce_sum3A_54 : i32
    %mul3A_680 = arith.constant 2 : i32
    %mul3A_681 = arith.muli %mul3A_680, %sub3A_679 : i32
    %sub3A_682 = arith.constant 2 : i32
    %sub3A_683 = arith.subi %mul3A_681, %sub3A_682 : i32
    %sub3A_684 = vector.broadcast %sub3A_679 : i32 to vector<32x128xi32>
    %sub3A_685 = arith.subi %add3A_267, %sub3A_684 : vector<32x128xi32>
    %max3A_686 = arith.constant 0 : i32
    %max3A_687 = vector.broadcast %max3A_686 : i32 to vector<32x128xi32>
    %max3A_688 = arith.maxsi %sub3A_685, %max3A_687 : vector<32x128xi32>
    %convert_element_type3A_689 = arith.sitofp %sub3A_683 : i32 to f32
    %convert_element_type3A_690 = arith.sitofp %max3A_688 : vector<32x128xi32> to vector<32x128xf32>
    %div3A_691 = vector.broadcast %convert_element_type3A_689 : f32 to vector<32x128xf32>
    %div3A_692 = arith.divf %convert_element_type3A_690, %div3A_691 : vector<32x128xf32>
    %floor3A_693 = math.floor %div3A_692 : vector<32x128xf32>
    %convert_element_type3A_694 = arith.fptosi %floor3A_693 : vector<32x128xf32> to vector<32x128xi32>
    %mul3A_695 = vector.broadcast %sub3A_683 : i32 to vector<32x128xi32>
    %mul3A_696 = arith.muli %convert_element_type3A_694, %mul3A_695 : vector<32x128xi32>
    %sub3A_697 = arith.subi %max3A_688, %mul3A_696 : vector<32x128xi32>
    %ge3A_698 = vector.broadcast %sub3A_683 : i32 to vector<32x128xi32>
    %ge3A_699 = arith.cmpi sge, %sub3A_697, %ge3A_698 : vector<32x128xi32>
    %jit3A_700 = arith.constant 1 : i32
    %jit3A_701 = arith.constant 0 : i32
    %broadcast_in_dim3A_702 = vector.broadcast %jit3A_700 : i32 to vector<32x128xi32>
    %broadcast_in_dim3A_703 = vector.broadcast %jit3A_701 : i32 to vector<32x128xi32>
    %select_n3A_704 = arith.select %ge3A_699, %broadcast_in_dim3A_702, %broadcast_in_dim3A_703 : vector<32x128xi1>, vector<32x128xi32>
    %add3A_705 = arith.addi %convert_element_type3A_694, %select_n3A_704 : vector<32x128xi32>
    %lt3A_706 = arith.constant 0 : i32
    %lt3A_707 = vector.broadcast %lt3A_706 : i32 to vector<32x128xi32>
    %lt3A_708 = arith.cmpi slt, %sub3A_697, %lt3A_707 : vector<32x128xi32>
    %jit3A_709 = arith.constant 1 : i32
    %jit3A_710 = arith.constant 0 : i32
    %broadcast_in_dim3A_711 = vector.broadcast %jit3A_709 : i32 to vector<32x128xi32>
    %broadcast_in_dim3A_712 = vector.broadcast %jit3A_710 : i32 to vector<32x128xi32>
    %select_n3A_713 = arith.select %lt3A_708, %broadcast_in_dim3A_711, %broadcast_in_dim3A_712 : vector<32x128xi1>, vector<32x128xi32>
    %sub3A_714 = arith.subi %add3A_705, %select_n3A_713 : vector<32x128xi32>
    %mul3A_715 = vector.broadcast %sub3A_683 : i32 to vector<32x128xi32>
    %mul3A_716 = arith.muli %sub3A_714, %mul3A_715 : vector<32x128xi32>
    %sub3A_717 = arith.subi %max3A_688, %mul3A_716 : vector<32x128xi32>
    %sub3A_718 = arith.constant 1 : i32
    %sub3A_719 = arith.subi %sub3A_679, %sub3A_718 : i32
    %lt3A_720 = vector.broadcast %sub3A_719 : i32 to vector<32x128xi32>
    %lt3A_721 = arith.cmpi slt, %sub3A_717, %lt3A_720 : vector<32x128xi32>
    %sub3A_722 = arith.constant 2 : i32
    %sub3A_723 = arith.subi %sub3A_679, %sub3A_722 : i32
    %sub3A_724 = vector.broadcast %sub3A_723 : i32 to vector<32x128xi32>
    %sub3A_725 = arith.subi %sub3A_724, %sub3A_717 : vector<32x128xi32>
    %sub3A_726 = vector.broadcast %sub3A_679 : i32 to vector<32x128xi32>
    %sub3A_727 = arith.subi %sub3A_717, %sub3A_726 : vector<32x128xi32>
    %add3A_728 = arith.constant 2 : i32
    %add3A_729 = vector.broadcast %add3A_728 : i32 to vector<32x128xi32>
    %add3A_730 = arith.addi %sub3A_727, %add3A_729 : vector<32x128xi32>
    %select_n3A_731 = arith.select %lt3A_721, %sub3A_725, %add3A_730 : vector<32x128xi1>, vector<32x128xi32>
    %lt3A_732 = vector.broadcast %sub3A_679 : i32 to vector<32x128xi32>
    %lt3A_733 = arith.cmpi slt, %add3A_267, %lt3A_732 : vector<32x128xi32>
    %select_n3A_734 = arith.select %lt3A_733, %add3A_267, %select_n3A_731 : vector<32x128xi1>, vector<32x128xi32>
    %add3A_735 = vector.broadcast %reduce_sum3A_54 : i32 to vector<32x128xi32>
    %add3A_736 = arith.addi %add3A_735, %select_n3A_734 : vector<32x128xi32>
    %swap3A_737 = arith.constant 192 : index
    %swap3A_738 = arith.constant 0 : index
    %swap3A_739 = vector.load %arg1[%swap3A_737, %swap3A_738] : memref<512x128xi32, #tpu.memory_space<vmem>>, vector<32x128xi32>
    tpu.vector_store %arg1[%swap3A_737, %swap3A_738], %add3A_736 {strides = array<i32>} : memref<512x128xi32, #tpu.memory_space<vmem>>, vector<32x128xi32>,
    %ge3A_740 = vector.broadcast %sub3A_679 : i32 to vector<32x128xi32>
    %ge3A_741 = arith.cmpi sge, %add3A_267, %ge3A_740 : vector<32x128xi32>
    %swap3A_742 = arith.constant 192 : index
    %swap3A_743 = arith.constant 0 : index
    %swap3A_744 = vector.load %arg3[%swap3A_742, %swap3A_743] : memref<512x128xi32, #tpu.memory_space<vmem>>, vector<32x128xi32>
    %swap3A_745 = arith.extui %ge3A_741 : vector<32x128xi1> to vector<32x128xi32>
    %swap3A_746 = arith.constant dense<0> : vector<32x128xi32>
    %swap3A_747 = arith.cmpi ne, %swap3A_744, %swap3A_746 : vector<32x128xi32>
    tpu.vector_store %arg3[%swap3A_742, %swap3A_743], %swap3A_745 {strides = array<i32>} : memref<512x128xi32, #tpu.memory_space<vmem>>, vector<32x128xi32>,
    %sub3A_748 = arith.subi %reduce_sum3A_72, %reduce_sum3A_63 : i32
    %mul3A_749 = arith.constant 2 : i32
    %mul3A_750 = arith.muli %mul3A_749, %sub3A_748 : i32
    %sub3A_751 = arith.constant 2 : i32
    %sub3A_752 = arith.subi %mul3A_750, %sub3A_751 : i32
    %sub3A_753 = vector.broadcast %sub3A_748 : i32 to vector<32x128xi32>
    %sub3A_754 = arith.subi %add3A_267, %sub3A_753 : vector<32x128xi32>
    %max3A_755 = arith.constant 0 : i32
    %max3A_756 = vector.broadcast %max3A_755 : i32 to vector<32x128xi32>
    %max3A_757 = arith.maxsi %sub3A_754, %max3A_756 : vector<32x128xi32>
    %convert_element_type3A_758 = arith.sitofp %sub3A_752 : i32 to f32
    %convert_element_type3A_759 = arith.sitofp %max3A_757 : vector<32x128xi32> to vector<32x128xf32>
    %div3A_760 = vector.broadcast %convert_element_type3A_758 : f32 to vector<32x128xf32>
    %div3A_761 = arith.divf %convert_element_type3A_759, %div3A_760 : vector<32x128xf32>
    %floor3A_762 = math.floor %div3A_761 : vector<32x128xf32>
    %convert_element_type3A_763 = arith.fptosi %floor3A_762 : vector<32x128xf32> to vector<32x128xi32>
    %mul3A_764 = vector.broadcast %sub3A_752 : i32 to vector<32x128xi32>
    %mul3A_765 = arith.muli %convert_element_type3A_763, %mul3A_764 : vector<32x128xi32>
    %sub3A_766 = arith.subi %max3A_757, %mul3A_765 : vector<32x128xi32>
    %ge3A_767 = vector.broadcast %sub3A_752 : i32 to vector<32x128xi32>
    %ge3A_768 = arith.cmpi sge, %sub3A_766, %ge3A_767 : vector<32x128xi32>
    %jit3A_769 = arith.constant 1 : i32
    %jit3A_770 = arith.constant 0 : i32
    %broadcast_in_dim3A_771 = vector.broadcast %jit3A_769 : i32 to vector<32x128xi32>
    %broadcast_in_dim3A_772 = vector.broadcast %jit3A_770 : i32 to vector<32x128xi32>
    %select_n3A_773 = arith.select %ge3A_768, %broadcast_in_dim3A_771, %broadcast_in_dim3A_772 : vector<32x128xi1>, vector<32x128xi32>
    %add3A_774 = arith.addi %convert_element_type3A_763, %select_n3A_773 : vector<32x128xi32>
    %lt3A_775 = arith.constant 0 : i32
    %lt3A_776 = vector.broadcast %lt3A_775 : i32 to vector<32x128xi32>
    %lt3A_777 = arith.cmpi slt, %sub3A_766, %lt3A_776 : vector<32x128xi32>
    %jit3A_778 = arith.constant 1 : i32
    %jit3A_779 = arith.constant 0 : i32
    %broadcast_in_dim3A_780 = vector.broadcast %jit3A_778 : i32 to vector<32x128xi32>
    %broadcast_in_dim3A_781 = vector.broadcast %jit3A_779 : i32 to vector<32x128xi32>
    %select_n3A_782 = arith.select %lt3A_777, %broadcast_in_dim3A_780, %broadcast_in_dim3A_781 : vector<32x128xi1>, vector<32x128xi32>
    %sub3A_783 = arith.subi %add3A_774, %select_n3A_782 : vector<32x128xi32>
    %mul3A_784 = vector.broadcast %sub3A_752 : i32 to vector<32x128xi32>
    %mul3A_785 = arith.muli %sub3A_783, %mul3A_784 : vector<32x128xi32>
    %sub3A_786 = arith.subi %max3A_757, %mul3A_785 : vector<32x128xi32>
    %sub3A_787 = arith.constant 1 : i32
    %sub3A_788 = arith.subi %sub3A_748, %sub3A_787 : i32
    %lt3A_789 = vector.broadcast %sub3A_788 : i32 to vector<32x128xi32>
    %lt3A_790 = arith.cmpi slt, %sub3A_786, %lt3A_789 : vector<32x128xi32>
    %sub3A_791 = arith.constant 2 : i32
    %sub3A_792 = arith.subi %sub3A_748, %sub3A_791 : i32
    %sub3A_793 = vector.broadcast %sub3A_792 : i32 to vector<32x128xi32>
    %sub3A_794 = arith.subi %sub3A_793, %sub3A_786 : vector<32x128xi32>
    %sub3A_795 = vector.broadcast %sub3A_748 : i32 to vector<32x128xi32>
    %sub3A_796 = arith.subi %sub3A_786, %sub3A_795 : vector<32x128xi32>
    %add3A_797 = arith.constant 2 : i32
    %add3A_798 = vector.broadcast %add3A_797 : i32 to vector<32x128xi32>
    %add3A_799 = arith.addi %sub3A_796, %add3A_798 : vector<32x128xi32>
    %select_n3A_800 = arith.select %lt3A_790, %sub3A_794, %add3A_799 : vector<32x128xi1>, vector<32x128xi32>
    %lt3A_801 = vector.broadcast %sub3A_748 : i32 to vector<32x128xi32>
    %lt3A_802 = arith.cmpi slt, %add3A_267, %lt3A_801 : vector<32x128xi32>
    %select_n3A_803 = arith.select %lt3A_802, %add3A_267, %select_n3A_800 : vector<32x128xi1>, vector<32x128xi32>
    %add3A_804 = vector.broadcast %reduce_sum3A_63 : i32 to vector<32x128xi32>
    %add3A_805 = arith.addi %add3A_804, %select_n3A_803 : vector<32x128xi32>
    %swap3A_806 = arith.constant 224 : index
    %swap3A_807 = arith.constant 0 : index
    %swap3A_808 = vector.load %arg1[%swap3A_806, %swap3A_807] : memref<512x128xi32, #tpu.memory_space<vmem>>, vector<32x128xi32>
    tpu.vector_store %arg1[%swap3A_806, %swap3A_807], %add3A_805 {strides = array<i32>} : memref<512x128xi32, #tpu.memory_space<vmem>>, vector<32x128xi32>,
    %ge3A_809 = vector.broadcast %sub3A_748 : i32 to vector<32x128xi32>
    %ge3A_810 = arith.cmpi sge, %add3A_267, %ge3A_809 : vector<32x128xi32>
    %swap3A_811 = arith.constant 224 : index
    %swap3A_812 = arith.constant 0 : index
    %swap3A_813 = vector.load %arg3[%swap3A_811, %swap3A_812] : memref<512x128xi32, #tpu.memory_space<vmem>>, vector<32x128xi32>
    %swap3A_814 = arith.extui %ge3A_810 : vector<32x128xi1> to vector<32x128xi32>
    %swap3A_815 = arith.constant dense<0> : vector<32x128xi32>
    %swap3A_816 = arith.cmpi ne, %swap3A_813, %swap3A_815 : vector<32x128xi32>
    tpu.vector_store %arg3[%swap3A_811, %swap3A_812], %swap3A_814 {strides = array<i32>} : memref<512x128xi32, #tpu.memory_space<vmem>>, vector<32x128xi32>,
    %sub3A_817 = arith.subi %reduce_sum3A_81, %reduce_sum3A_72 : i32
    %mul3A_818 = arith.constant 2 : i32
    %mul3A_819 = arith.muli %mul3A_818, %sub3A_817 : i32
    %sub3A_820 = arith.constant 2 : i32
    %sub3A_821 = arith.subi %mul3A_819, %sub3A_820 : i32
    %sub3A_822 = vector.broadcast %sub3A_817 : i32 to vector<32x128xi32>
    %sub3A_823 = arith.subi %add3A_267, %sub3A_822 : vector<32x128xi32>
    %max3A_824 = arith.constant 0 : i32
    %max3A_825 = vector.broadcast %max3A_824 : i32 to vector<32x128xi32>
    %max3A_826 = arith.maxsi %sub3A_823, %max3A_825 : vector<32x128xi32>
    %convert_element_type3A_827 = arith.sitofp %sub3A_821 : i32 to f32
    %convert_element_type3A_828 = arith.sitofp %max3A_826 : vector<32x128xi32> to vector<32x128xf32>
    %div3A_829 = vector.broadcast %convert_element_type3A_827 : f32 to vector<32x128xf32>
    %div3A_830 = arith.divf %convert_element_type3A_828, %div3A_829 : vector<32x128xf32>
    %floor3A_831 = math.floor %div3A_830 : vector<32x128xf32>
    %convert_element_type3A_832 = arith.fptosi %floor3A_831 : vector<32x128xf32> to vector<32x128xi32>
    %mul3A_833 = vector.broadcast %sub3A_821 : i32 to vector<32x128xi32>
    %mul3A_834 = arith.muli %convert_element_type3A_832, %mul3A_833 : vector<32x128xi32>
    %sub3A_835 = arith.subi %max3A_826, %mul3A_834 : vector<32x128xi32>
    %ge3A_836 = vector.broadcast %sub3A_821 : i32 to vector<32x128xi32>
    %ge3A_837 = arith.cmpi sge, %sub3A_835, %ge3A_836 : vector<32x128xi32>
    %jit3A_838 = arith.constant 1 : i32
    %jit3A_839 = arith.constant 0 : i32
    %broadcast_in_dim3A_840 = vector.broadcast %jit3A_838 : i32 to vector<32x128xi32>
    %broadcast_in_dim3A_841 = vector.broadcast %jit3A_839 : i32 to vector<32x128xi32>
    %select_n3A_842 = arith.select %ge3A_837, %broadcast_in_dim3A_840, %broadcast_in_dim3A_841 : vector<32x128xi1>, vector<32x128xi32>
    %add3A_843 = arith.addi %convert_element_type3A_832, %select_n3A_842 : vector<32x128xi32>
    %lt3A_844 = arith.constant 0 : i32
    %lt3A_845 = vector.broadcast %lt3A_844 : i32 to vector<32x128xi32>
    %lt3A_846 = arith.cmpi slt, %sub3A_835, %lt3A_845 : vector<32x128xi32>
    %jit3A_847 = arith.constant 1 : i32
    %jit3A_848 = arith.constant 0 : i32
    %broadcast_in_dim3A_849 = vector.broadcast %jit3A_847 : i32 to vector<32x128xi32>
    %broadcast_in_dim3A_850 = vector.broadcast %jit3A_848 : i32 to vector<32x128xi32>
    %select_n3A_851 = arith.select %lt3A_846, %broadcast_in_dim3A_849, %broadcast_in_dim3A_850 : vector<32x128xi1>, vector<32x128xi32>
    %sub3A_852 = arith.subi %add3A_843, %select_n3A_851 : vector<32x128xi32>
    %mul3A_853 = vector.broadcast %sub3A_821 : i32 to vector<32x128xi32>
    %mul3A_854 = arith.muli %sub3A_852, %mul3A_853 : vector<32x128xi32>
    %sub3A_855 = arith.subi %max3A_826, %mul3A_854 : vector<32x128xi32>
    %sub3A_856 = arith.constant 1 : i32
    %sub3A_857 = arith.subi %sub3A_817, %sub3A_856 : i32
    %lt3A_858 = vector.broadcast %sub3A_857 : i32 to vector<32x128xi32>
    %lt3A_859 = arith.cmpi slt, %sub3A_855, %lt3A_858 : vector<32x128xi32>
    %sub3A_860 = arith.constant 2 : i32
    %sub3A_861 = arith.subi %sub3A_817, %sub3A_860 : i32
    %sub3A_862 = vector.broadcast %sub3A_861 : i32 to vector<32x128xi32>
    %sub3A_863 = arith.subi %sub3A_862, %sub3A_855 : vector<32x128xi32>
    %sub3A_864 = vector.broadcast %sub3A_817 : i32 to vector<32x128xi32>
    %sub3A_865 = arith.subi %sub3A_855, %sub3A_864 : vector<32x128xi32>
    %add3A_866 = arith.constant 2 : i32
    %add3A_867 = vector.broadcast %add3A_866 : i32 to vector<32x128xi32>
    %add3A_868 = arith.addi %sub3A_865, %add3A_867 : vector<32x128xi32>
    %select_n3A_869 = arith.select %lt3A_859, %sub3A_863, %add3A_868 : vector<32x128xi1>, vector<32x128xi32>
    %lt3A_870 = vector.broadcast %sub3A_817 : i32 to vector<32x128xi32>
    %lt3A_871 = arith.cmpi slt, %add3A_267, %lt3A_870 : vector<32x128xi32>
    %select_n3A_872 = arith.select %lt3A_871, %add3A_267, %select_n3A_869 : vector<32x128xi1>, vector<32x128xi32>
    %add3A_873 = vector.broadcast %reduce_sum3A_72 : i32 to vector<32x128xi32>
    %add3A_874 = arith.addi %add3A_873, %select_n3A_872 : vector<32x128xi32>
    %swap3A_875 = arith.constant 256 : index
    %swap3A_876 = arith.constant 0 : index
    %swap3A_877 = vector.load %arg1[%swap3A_875, %swap3A_876] : memref<512x128xi32, #tpu.memory_space<vmem>>, vector<32x128xi32>
    tpu.vector_store %arg1[%swap3A_875, %swap3A_876], %add3A_874 {strides = array<i32>} : memref<512x128xi32, #tpu.memory_space<vmem>>, vector<32x128xi32>,
    %ge3A_878 = vector.broadcast %sub3A_817 : i32 to vector<32x128xi32>
    %ge3A_879 = arith.cmpi sge, %add3A_267, %ge3A_878 : vector<32x128xi32>
    %swap3A_880 = arith.constant 256 : index
    %swap3A_881 = arith.constant 0 : index
    %swap3A_882 = vector.load %arg3[%swap3A_880, %swap3A_881] : memref<512x128xi32, #tpu.memory_space<vmem>>, vector<32x128xi32>
    %swap3A_883 = arith.extui %ge3A_879 : vector<32x128xi1> to vector<32x128xi32>
    %swap3A_884 = arith.constant dense<0> : vector<32x128xi32>
    %swap3A_885 = arith.cmpi ne, %swap3A_882, %swap3A_884 : vector<32x128xi32>
    tpu.vector_store %arg3[%swap3A_880, %swap3A_881], %swap3A_883 {strides = array<i32>} : memref<512x128xi32, #tpu.memory_space<vmem>>, vector<32x128xi32>,
    %sub3A_886 = arith.subi %reduce_sum3A_90, %reduce_sum3A_81 : i32
    %mul3A_887 = arith.constant 2 : i32
    %mul3A_888 = arith.muli %mul3A_887, %sub3A_886 : i32
    %sub3A_889 = arith.constant 2 : i32
    %sub3A_890 = arith.subi %mul3A_888, %sub3A_889 : i32
    %sub3A_891 = vector.broadcast %sub3A_886 : i32 to vector<32x128xi32>
    %sub3A_892 = arith.subi %add3A_267, %sub3A_891 : vector<32x128xi32>
    %max3A_893 = arith.constant 0 : i32
    %max3A_894 = vector.broadcast %max3A_893 : i32 to vector<32x128xi32>
    %max3A_895 = arith.maxsi %sub3A_892, %max3A_894 : vector<32x128xi32>
    %convert_element_type3A_896 = arith.sitofp %sub3A_890 : i32 to f32
    %convert_element_type3A_897 = arith.sitofp %max3A_895 : vector<32x128xi32> to vector<32x128xf32>
    %div3A_898 = vector.broadcast %convert_element_type3A_896 : f32 to vector<32x128xf32>
    %div3A_899 = arith.divf %convert_element_type3A_897, %div3A_898 : vector<32x128xf32>
    %floor3A_900 = math.floor %div3A_899 : vector<32x128xf32>
    %convert_element_type3A_901 = arith.fptosi %floor3A_900 : vector<32x128xf32> to vector<32x128xi32>
    %mul3A_902 = vector.broadcast %sub3A_890 : i32 to vector<32x128xi32>
    %mul3A_903 = arith.muli %convert_element_type3A_901, %mul3A_902 : vector<32x128xi32>
    %sub3A_904 = arith.subi %max3A_895, %mul3A_903 : vector<32x128xi32>
    %ge3A_905 = vector.broadcast %sub3A_890 : i32 to vector<32x128xi32>
    %ge3A_906 = arith.cmpi sge, %sub3A_904, %ge3A_905 : vector<32x128xi32>
    %jit3A_907 = arith.constant 1 : i32
    %jit3A_908 = arith.constant 0 : i32
    %broadcast_in_dim3A_909 = vector.broadcast %jit3A_907 : i32 to vector<32x128xi32>
    %broadcast_in_dim3A_910 = vector.broadcast %jit3A_908 : i32 to vector<32x128xi32>
    %select_n3A_911 = arith.select %ge3A_906, %broadcast_in_dim3A_909, %broadcast_in_dim3A_910 : vector<32x128xi1>, vector<32x128xi32>
    %add3A_912 = arith.addi %convert_element_type3A_901, %select_n3A_911 : vector<32x128xi32>
    %lt3A_913 = arith.constant 0 : i32
    %lt3A_914 = vector.broadcast %lt3A_913 : i32 to vector<32x128xi32>
    %lt3A_915 = arith.cmpi slt, %sub3A_904, %lt3A_914 : vector<32x128xi32>
    %jit3A_916 = arith.constant 1 : i32
    %jit3A_917 = arith.constant 0 : i32
    %broadcast_in_dim3A_918 = vector.broadcast %jit3A_916 : i32 to vector<32x128xi32>
    %broadcast_in_dim3A_919 = vector.broadcast %jit3A_917 : i32 to vector<32x128xi32>
    %select_n3A_920 = arith.select %lt3A_915, %broadcast_in_dim3A_918, %broadcast_in_dim3A_919 : vector<32x128xi1>, vector<32x128xi32>
    %sub3A_921 = arith.subi %add3A_912, %select_n3A_920 : vector<32x128xi32>
    %mul3A_922 = vector.broadcast %sub3A_890 : i32 to vector<32x128xi32>
    %mul3A_923 = arith.muli %sub3A_921, %mul3A_922 : vector<32x128xi32>
    %sub3A_924 = arith.subi %max3A_895, %mul3A_923 : vector<32x128xi32>
    %sub3A_925 = arith.constant 1 : i32
    %sub3A_926 = arith.subi %sub3A_886, %sub3A_925 : i32
    %lt3A_927 = vector.broadcast %sub3A_926 : i32 to vector<32x128xi32>
    %lt3A_928 = arith.cmpi slt, %sub3A_924, %lt3A_927 : vector<32x128xi32>
    %sub3A_929 = arith.constant 2 : i32
    %sub3A_930 = arith.subi %sub3A_886, %sub3A_929 : i32
    %sub3A_931 = vector.broadcast %sub3A_930 : i32 to vector<32x128xi32>
    %sub3A_932 = arith.subi %sub3A_931, %sub3A_924 : vector<32x128xi32>
    %sub3A_933 = vector.broadcast %sub3A_886 : i32 to vector<32x128xi32>
    %sub3A_934 = arith.subi %sub3A_924, %sub3A_933 : vector<32x128xi32>
    %add3A_935 = arith.constant 2 : i32
    %add3A_936 = vector.broadcast %add3A_935 : i32 to vector<32x128xi32>
    %add3A_937 = arith.addi %sub3A_934, %add3A_936 : vector<32x128xi32>
    %select_n3A_938 = arith.select %lt3A_928, %sub3A_932, %add3A_937 : vector<32x128xi1>, vector<32x128xi32>
    %lt3A_939 = vector.broadcast %sub3A_886 : i32 to vector<32x128xi32>
    %lt3A_940 = arith.cmpi slt, %add3A_267, %lt3A_939 : vector<32x128xi32>
    %select_n3A_941 = arith.select %lt3A_940, %add3A_267, %select_n3A_938 : vector<32x128xi1>, vector<32x128xi32>
    %add3A_942 = vector.broadcast %reduce_sum3A_81 : i32 to vector<32x128xi32>
    %add3A_943 = arith.addi %add3A_942, %select_n3A_941 : vector<32x128xi32>
    %swap3A_944 = arith.constant 288 : index
    %swap3A_945 = arith.constant 0 : index
    %swap3A_946 = vector.load %arg1[%swap3A_944, %swap3A_945] : memref<512x128xi32, #tpu.memory_space<vmem>>, vector<32x128xi32>
    tpu.vector_store %arg1[%swap3A_944, %swap3A_945], %add3A_943 {strides = array<i32>} : memref<512x128xi32, #tpu.memory_space<vmem>>, vector<32x128xi32>,
    %ge3A_947 = vector.broadcast %sub3A_886 : i32 to vector<32x128xi32>
    %ge3A_948 = arith.cmpi sge, %add3A_267, %ge3A_947 : vector<32x128xi32>
    %swap3A_949 = arith.constant 288 : index
    %swap3A_950 = arith.constant 0 : index
    %swap3A_951 = vector.load %arg3[%swap3A_949, %swap3A_950] : memref<512x128xi32, #tpu.memory_space<vmem>>, vector<32x128xi32>
    %swap3A_952 = arith.extui %ge3A_948 : vector<32x128xi1> to vector<32x128xi32>
    %swap3A_953 = arith.constant dense<0> : vector<32x128xi32>
    %swap3A_954 = arith.cmpi ne, %swap3A_951, %swap3A_953 : vector<32x128xi32>
    tpu.vector_store %arg3[%swap3A_949, %swap3A_950], %swap3A_952 {strides = array<i32>} : memref<512x128xi32, #tpu.memory_space<vmem>>, vector<32x128xi32>,
    %sub3A_955 = arith.subi %reduce_sum3A_99, %reduce_sum3A_90 : i32
    %mul3A_956 = arith.constant 2 : i32
    %mul3A_957 = arith.muli %mul3A_956, %sub3A_955 : i32
    %sub3A_958 = arith.constant 2 : i32
    %sub3A_959 = arith.subi %mul3A_957, %sub3A_958 : i32
    %sub3A_960 = vector.broadcast %sub3A_955 : i32 to vector<32x128xi32>
    %sub3A_961 = arith.subi %add3A_267, %sub3A_960 : vector<32x128xi32>
    %max3A_962 = arith.constant 0 : i32
    %max3A_963 = vector.broadcast %max3A_962 : i32 to vector<32x128xi32>
    %max3A_964 = arith.maxsi %sub3A_961, %max3A_963 : vector<32x128xi32>
    %convert_element_type3A_965 = arith.sitofp %sub3A_959 : i32 to f32
    %convert_element_type3A_966 = arith.sitofp %max3A_964 : vector<32x128xi32> to vector<32x128xf32>
    %div3A_967 = vector.broadcast %convert_element_type3A_965 : f32 to vector<32x128xf32>
    %div3A_968 = arith.divf %convert_element_type3A_966, %div3A_967 : vector<32x128xf32>
    %floor3A_969 = math.floor %div3A_968 : vector<32x128xf32>
    %convert_element_type3A_970 = arith.fptosi %floor3A_969 : vector<32x128xf32> to vector<32x128xi32>
    %mul3A_971 = vector.broadcast %sub3A_959 : i32 to vector<32x128xi32>
    %mul3A_972 = arith.muli %convert_element_type3A_970, %mul3A_971 : vector<32x128xi32>
    %sub3A_973 = arith.subi %max3A_964, %mul3A_972 : vector<32x128xi32>
    %ge3A_974 = vector.broadcast %sub3A_959 : i32 to vector<32x128xi32>
    %ge3A_975 = arith.cmpi sge, %sub3A_973, %ge3A_974 : vector<32x128xi32>
    %jit3A_976 = arith.constant 1 : i32
    %jit3A_977 = arith.constant 0 : i32
    %broadcast_in_dim3A_978 = vector.broadcast %jit3A_976 : i32 to vector<32x128xi32>
    %broadcast_in_dim3A_979 = vector.broadcast %jit3A_977 : i32 to vector<32x128xi32>
    %select_n3A_980 = arith.select %ge3A_975, %broadcast_in_dim3A_978, %broadcast_in_dim3A_979 : vector<32x128xi1>, vector<32x128xi32>
    %add3A_981 = arith.addi %convert_element_type3A_970, %select_n3A_980 : vector<32x128xi32>
    %lt3A_982 = arith.constant 0 : i32
    %lt3A_983 = vector.broadcast %lt3A_982 : i32 to vector<32x128xi32>
    %lt3A_984 = arith.cmpi slt, %sub3A_973, %lt3A_983 : vector<32x128xi32>
    %jit3A_985 = arith.constant 1 : i32
    %jit3A_986 = arith.constant 0 : i32
    %broadcast_in_dim3A_987 = vector.broadcast %jit3A_985 : i32 to vector<32x128xi32>
    %broadcast_in_dim3A_988 = vector.broadcast %jit3A_986 : i32 to vector<32x128xi32>
    %select_n3A_989 = arith.select %lt3A_984, %broadcast_in_dim3A_987, %broadcast_in_dim3A_988 : vector<32x128xi1>, vector<32x128xi32>
    %sub3A_990 = arith.subi %add3A_981, %select_n3A_989 : vector<32x128xi32>
    %mul3A_991 = vector.broadcast %sub3A_959 : i32 to vector<32x128xi32>
    %mul3A_992 = arith.muli %sub3A_990, %mul3A_991 : vector<32x128xi32>
    %sub3A_993 = arith.subi %max3A_964, %mul3A_992 : vector<32x128xi32>
    %sub3A_994 = arith.constant 1 : i32
    %sub3A_995 = arith.subi %sub3A_955, %sub3A_994 : i32
    %lt3A_996 = vector.broadcast %sub3A_995 : i32 to vector<32x128xi32>
    %lt3A_997 = arith.cmpi slt, %sub3A_993, %lt3A_996 : vector<32x128xi32>
    %sub3A_998 = arith.constant 2 : i32
    %sub3A_999 = arith.subi %sub3A_955, %sub3A_998 : i32
    %sub3A_1000 = vector.broadcast %sub3A_999 : i32 to vector<32x128xi32>
    %sub3A_1001 = arith.subi %sub3A_1000, %sub3A_993 : vector<32x128xi32>
    %sub3A_1002 = vector.broadcast %sub3A_955 : i32 to vector<32x128xi32>
    %sub3A_1003 = arith.subi %sub3A_993, %sub3A_1002 : vector<32x128xi32>
    %add3A_1004 = arith.constant 2 : i32
    %add3A_1005 = vector.broadcast %add3A_1004 : i32 to vector<32x128xi32>
    %add3A_1006 = arith.addi %sub3A_1003, %add3A_1005 : vector<32x128xi32>
    %select_n3A_1007 = arith.select %lt3A_997, %sub3A_1001, %add3A_1006 : vector<32x128xi1>, vector<32x128xi32>
    %lt3A_1008 = vector.broadcast %sub3A_955 : i32 to vector<32x128xi32>
    %lt3A_1009 = arith.cmpi slt, %add3A_267, %lt3A_1008 : vector<32x128xi32>
    %select_n3A_1010 = arith.select %lt3A_1009, %add3A_267, %select_n3A_1007 : vector<32x128xi1>, vector<32x128xi32>
    %add3A_1011 = vector.broadcast %reduce_sum3A_90 : i32 to vector<32x128xi32>
    %add3A_1012 = arith.addi %add3A_1011, %select_n3A_1010 : vector<32x128xi32>
    %swap3A_1013 = arith.constant 320 : index
    %swap3A_1014 = arith.constant 0 : index
    %swap3A_1015 = vector.load %arg1[%swap3A_1013, %swap3A_1014] : memref<512x128xi32, #tpu.memory_space<vmem>>, vector<32x128xi32>
    tpu.vector_store %arg1[%swap3A_1013, %swap3A_1014], %add3A_1012 {strides = array<i32>} : memref<512x128xi32, #tpu.memory_space<vmem>>, vector<32x128xi32>,
    %ge3A_1016 = vector.broadcast %sub3A_955 : i32 to vector<32x128xi32>
    %ge3A_1017 = arith.cmpi sge, %add3A_267, %ge3A_1016 : vector<32x128xi32>
    %swap3A_1018 = arith.constant 320 : index
    %swap3A_1019 = arith.constant 0 : index
    %swap3A_1020 = vector.load %arg3[%swap3A_1018, %swap3A_1019] : memref<512x128xi32, #tpu.memory_space<vmem>>, vector<32x128xi32>
    %swap3A_1021 = arith.extui %ge3A_1017 : vector<32x128xi1> to vector<32x128xi32>
    %swap3A_1022 = arith.constant dense<0> : vector<32x128xi32>
    %swap3A_1023 = arith.cmpi ne, %swap3A_1020, %swap3A_1022 : vector<32x128xi32>
    tpu.vector_store %arg3[%swap3A_1018, %swap3A_1019], %swap3A_1021 {strides = array<i32>} : memref<512x128xi32, #tpu.memory_space<vmem>>, vector<32x128xi32>,
    %sub3A_1024 = arith.subi %reduce_sum3A_108, %reduce_sum3A_99 : i32
    %mul3A_1025 = arith.constant 2 : i32
    %mul3A_1026 = arith.muli %mul3A_1025, %sub3A_1024 : i32
    %sub3A_1027 = arith.constant 2 : i32
    %sub3A_1028 = arith.subi %mul3A_1026, %sub3A_1027 : i32
    %sub3A_1029 = vector.broadcast %sub3A_1024 : i32 to vector<32x128xi32>
    %sub3A_1030 = arith.subi %add3A_267, %sub3A_1029 : vector<32x128xi32>
    %max3A_1031 = arith.constant 0 : i32
    %max3A_1032 = vector.broadcast %max3A_1031 : i32 to vector<32x128xi32>
    %max3A_1033 = arith.maxsi %sub3A_1030, %max3A_1032 : vector<32x128xi32>
    %convert_element_type3A_1034 = arith.sitofp %sub3A_1028 : i32 to f32
    %convert_element_type3A_1035 = arith.sitofp %max3A_1033 : vector<32x128xi32> to vector<32x128xf32>
    %div3A_1036 = vector.broadcast %convert_element_type3A_1034 : f32 to vector<32x128xf32>
    %div3A_1037 = arith.divf %convert_element_type3A_1035, %div3A_1036 : vector<32x128xf32>
    %floor3A_1038 = math.floor %div3A_1037 : vector<32x128xf32>
    %convert_element_type3A_1039 = arith.fptosi %floor3A_1038 : vector<32x128xf32> to vector<32x128xi32>
    %mul3A_1040 = vector.broadcast %sub3A_1028 : i32 to vector<32x128xi32>
    %mul3A_1041 = arith.muli %convert_element_type3A_1039, %mul3A_1040 : vector<32x128xi32>
    %sub3A_1042 = arith.subi %max3A_1033, %mul3A_1041 : vector<32x128xi32>
    %ge3A_1043 = vector.broadcast %sub3A_1028 : i32 to vector<32x128xi32>
    %ge3A_1044 = arith.cmpi sge, %sub3A_1042, %ge3A_1043 : vector<32x128xi32>
    %jit3A_1045 = arith.constant 1 : i32
    %jit3A_1046 = arith.constant 0 : i32
    %broadcast_in_dim3A_1047 = vector.broadcast %jit3A_1045 : i32 to vector<32x128xi32>
    %broadcast_in_dim3A_1048 = vector.broadcast %jit3A_1046 : i32 to vector<32x128xi32>
    %select_n3A_1049 = arith.select %ge3A_1044, %broadcast_in_dim3A_1047, %broadcast_in_dim3A_1048 : vector<32x128xi1>, vector<32x128xi32>
    %add3A_1050 = arith.addi %convert_element_type3A_1039, %select_n3A_1049 : vector<32x128xi32>
    %lt3A_1051 = arith.constant 0 : i32
    %lt3A_1052 = vector.broadcast %lt3A_1051 : i32 to vector<32x128xi32>
    %lt3A_1053 = arith.cmpi slt, %sub3A_1042, %lt3A_1052 : vector<32x128xi32>
    %jit3A_1054 = arith.constant 1 : i32
    %jit3A_1055 = arith.constant 0 : i32
    %broadcast_in_dim3A_1056 = vector.broadcast %jit3A_1054 : i32 to vector<32x128xi32>
    %broadcast_in_dim3A_1057 = vector.broadcast %jit3A_1055 : i32 to vector<32x128xi32>
    %select_n3A_1058 = arith.select %lt3A_1053, %broadcast_in_dim3A_1056, %broadcast_in_dim3A_1057 : vector<32x128xi1>, vector<32x128xi32>
    %sub3A_1059 = arith.subi %add3A_1050, %select_n3A_1058 : vector<32x128xi32>
    %mul3A_1060 = vector.broadcast %sub3A_1028 : i32 to vector<32x128xi32>
    %mul3A_1061 = arith.muli %sub3A_1059, %mul3A_1060 : vector<32x128xi32>
    %sub3A_1062 = arith.subi %max3A_1033, %mul3A_1061 : vector<32x128xi32>
    %sub3A_1063 = arith.constant 1 : i32
    %sub3A_1064 = arith.subi %sub3A_1024, %sub3A_1063 : i32
    %lt3A_1065 = vector.broadcast %sub3A_1064 : i32 to vector<32x128xi32>
    %lt3A_1066 = arith.cmpi slt, %sub3A_1062, %lt3A_1065 : vector<32x128xi32>
    %sub3A_1067 = arith.constant 2 : i32
    %sub3A_1068 = arith.subi %sub3A_1024, %sub3A_1067 : i32
    %sub3A_1069 = vector.broadcast %sub3A_1068 : i32 to vector<32x128xi32>
    %sub3A_1070 = arith.subi %sub3A_1069, %sub3A_1062 : vector<32x128xi32>
    %sub3A_1071 = vector.broadcast %sub3A_1024 : i32 to vector<32x128xi32>
    %sub3A_1072 = arith.subi %sub3A_1062, %sub3A_1071 : vector<32x128xi32>
    %add3A_1073 = arith.constant 2 : i32
    %add3A_1074 = vector.broadcast %add3A_1073 : i32 to vector<32x128xi32>
    %add3A_1075 = arith.addi %sub3A_1072, %add3A_1074 : vector<32x128xi32>
    %select_n3A_1076 = arith.select %lt3A_1066, %sub3A_1070, %add3A_1075 : vector<32x128xi1>, vector<32x128xi32>
    %lt3A_1077 = vector.broadcast %sub3A_1024 : i32 to vector<32x128xi32>
    %lt3A_1078 = arith.cmpi slt, %add3A_267, %lt3A_1077 : vector<32x128xi32>
    %select_n3A_1079 = arith.select %lt3A_1078, %add3A_267, %select_n3A_1076 : vector<32x128xi1>, vector<32x128xi32>
    %add3A_1080 = vector.broadcast %reduce_sum3A_99 : i32 to vector<32x128xi32>
    %add3A_1081 = arith.addi %add3A_1080, %select_n3A_1079 : vector<32x128xi32>
    %swap3A_1082 = arith.constant 352 : index
    %swap3A_1083 = arith.constant 0 : index
    %swap3A_1084 = vector.load %arg1[%swap3A_1082, %swap3A_1083] : memref<512x128xi32, #tpu.memory_space<vmem>>, vector<32x128xi32>
    tpu.vector_store %arg1[%swap3A_1082, %swap3A_1083], %add3A_1081 {strides = array<i32>} : memref<512x128xi32, #tpu.memory_space<vmem>>, vector<32x128xi32>,
    %ge3A_1085 = vector.broadcast %sub3A_1024 : i32 to vector<32x128xi32>
    %ge3A_1086 = arith.cmpi sge, %add3A_267, %ge3A_1085 : vector<32x128xi32>
    %swap3A_1087 = arith.constant 352 : index
    %swap3A_1088 = arith.constant 0 : index
    %swap3A_1089 = vector.load %arg3[%swap3A_1087, %swap3A_1088] : memref<512x128xi32, #tpu.memory_space<vmem>>, vector<32x128xi32>
    %swap3A_1090 = arith.extui %ge3A_1086 : vector<32x128xi1> to vector<32x128xi32>
    %swap3A_1091 = arith.constant dense<0> : vector<32x128xi32>
    %swap3A_1092 = arith.cmpi ne, %swap3A_1089, %swap3A_1091 : vector<32x128xi32>
    tpu.vector_store %arg3[%swap3A_1087, %swap3A_1088], %swap3A_1090 {strides = array<i32>} : memref<512x128xi32, #tpu.memory_space<vmem>>, vector<32x128xi32>,
    %sub3A_1093 = arith.subi %reduce_sum3A_117, %reduce_sum3A_108 : i32
    %mul3A_1094 = arith.constant 2 : i32
    %mul3A_1095 = arith.muli %mul3A_1094, %sub3A_1093 : i32
    %sub3A_1096 = arith.constant 2 : i32
    %sub3A_1097 = arith.subi %mul3A_1095, %sub3A_1096 : i32
    %sub3A_1098 = vector.broadcast %sub3A_1093 : i32 to vector<32x128xi32>
    %sub3A_1099 = arith.subi %add3A_267, %sub3A_1098 : vector<32x128xi32>
    %max3A_1100 = arith.constant 0 : i32
    %max3A_1101 = vector.broadcast %max3A_1100 : i32 to vector<32x128xi32>
    %max3A_1102 = arith.maxsi %sub3A_1099, %max3A_1101 : vector<32x128xi32>
    %convert_element_type3A_1103 = arith.sitofp %sub3A_1097 : i32 to f32
    %convert_element_type3A_1104 = arith.sitofp %max3A_1102 : vector<32x128xi32> to vector<32x128xf32>
    %div3A_1105 = vector.broadcast %convert_element_type3A_1103 : f32 to vector<32x128xf32>
    %div3A_1106 = arith.divf %convert_element_type3A_1104, %div3A_1105 : vector<32x128xf32>
    %floor3A_1107 = math.floor %div3A_1106 : vector<32x128xf32>
    %convert_element_type3A_1108 = arith.fptosi %floor3A_1107 : vector<32x128xf32> to vector<32x128xi32>
    %mul3A_1109 = vector.broadcast %sub3A_1097 : i32 to vector<32x128xi32>
    %mul3A_1110 = arith.muli %convert_element_type3A_1108, %mul3A_1109 : vector<32x128xi32>
    %sub3A_1111 = arith.subi %max3A_1102, %mul3A_1110 : vector<32x128xi32>
    %ge3A_1112 = vector.broadcast %sub3A_1097 : i32 to vector<32x128xi32>
    %ge3A_1113 = arith.cmpi sge, %sub3A_1111, %ge3A_1112 : vector<32x128xi32>
    %jit3A_1114 = arith.constant 1 : i32
    %jit3A_1115 = arith.constant 0 : i32
    %broadcast_in_dim3A_1116 = vector.broadcast %jit3A_1114 : i32 to vector<32x128xi32>
    %broadcast_in_dim3A_1117 = vector.broadcast %jit3A_1115 : i32 to vector<32x128xi32>
    %select_n3A_1118 = arith.select %ge3A_1113, %broadcast_in_dim3A_1116, %broadcast_in_dim3A_1117 : vector<32x128xi1>, vector<32x128xi32>
    %add3A_1119 = arith.addi %convert_element_type3A_1108, %select_n3A_1118 : vector<32x128xi32>
    %lt3A_1120 = arith.constant 0 : i32
    %lt3A_1121 = vector.broadcast %lt3A_1120 : i32 to vector<32x128xi32>
    %lt3A_1122 = arith.cmpi slt, %sub3A_1111, %lt3A_1121 : vector<32x128xi32>
    %jit3A_1123 = arith.constant 1 : i32
    %jit3A_1124 = arith.constant 0 : i32
    %broadcast_in_dim3A_1125 = vector.broadcast %jit3A_1123 : i32 to vector<32x128xi32>
    %broadcast_in_dim3A_1126 = vector.broadcast %jit3A_1124 : i32 to vector<32x128xi32>
    %select_n3A_1127 = arith.select %lt3A_1122, %broadcast_in_dim3A_1125, %broadcast_in_dim3A_1126 : vector<32x128xi1>, vector<32x128xi32>
    %sub3A_1128 = arith.subi %add3A_1119, %select_n3A_1127 : vector<32x128xi32>
    %mul3A_1129 = vector.broadcast %sub3A_1097 : i32 to vector<32x128xi32>
    %mul3A_1130 = arith.muli %sub3A_1128, %mul3A_1129 : vector<32x128xi32>
    %sub3A_1131 = arith.subi %max3A_1102, %mul3A_1130 : vector<32x128xi32>
    %sub3A_1132 = arith.constant 1 : i32
    %sub3A_1133 = arith.subi %sub3A_1093, %sub3A_1132 : i32
    %lt3A_1134 = vector.broadcast %sub3A_1133 : i32 to vector<32x128xi32>
    %lt3A_1135 = arith.cmpi slt, %sub3A_1131, %lt3A_1134 : vector<32x128xi32>
    %sub3A_1136 = arith.constant 2 : i32
    %sub3A_1137 = arith.subi %sub3A_1093, %sub3A_1136 : i32
    %sub3A_1138 = vector.broadcast %sub3A_1137 : i32 to vector<32x128xi32>
    %sub3A_1139 = arith.subi %sub3A_1138, %sub3A_1131 : vector<32x128xi32>
    %sub3A_1140 = vector.broadcast %sub3A_1093 : i32 to vector<32x128xi32>
    %sub3A_1141 = arith.subi %sub3A_1131, %sub3A_1140 : vector<32x128xi32>
    %add3A_1142 = arith.constant 2 : i32
    %add3A_1143 = vector.broadcast %add3A_1142 : i32 to vector<32x128xi32>
    %add3A_1144 = arith.addi %sub3A_1141, %add3A_1143 : vector<32x128xi32>
    %select_n3A_1145 = arith.select %lt3A_1135, %sub3A_1139, %add3A_1144 : vector<32x128xi1>, vector<32x128xi32>
    %lt3A_1146 = vector.broadcast %sub3A_1093 : i32 to vector<32x128xi32>
    %lt3A_1147 = arith.cmpi slt, %add3A_267, %lt3A_1146 : vector<32x128xi32>
    %select_n3A_1148 = arith.select %lt3A_1147, %add3A_267, %select_n3A_1145 : vector<32x128xi1>, vector<32x128xi32>
    %add3A_1149 = vector.broadcast %reduce_sum3A_108 : i32 to vector<32x128xi32>
    %add3A_1150 = arith.addi %add3A_1149, %select_n3A_1148 : vector<32x128xi32>
    %swap3A_1151 = arith.constant 384 : index
    %swap3A_1152 = arith.constant 0 : index
    %swap3A_1153 = vector.load %arg1[%swap3A_1151, %swap3A_1152] : memref<512x128xi32, #tpu.memory_space<vmem>>, vector<32x128xi32>
    tpu.vector_store %arg1[%swap3A_1151, %swap3A_1152], %add3A_1150 {strides = array<i32>} : memref<512x128xi32, #tpu.memory_space<vmem>>, vector<32x128xi32>,
    %ge3A_1154 = vector.broadcast %sub3A_1093 : i32 to vector<32x128xi32>
    %ge3A_1155 = arith.cmpi sge, %add3A_267, %ge3A_1154 : vector<32x128xi32>
    %swap3A_1156 = arith.constant 384 : index
    %swap3A_1157 = arith.constant 0 : index
    %swap3A_1158 = vector.load %arg3[%swap3A_1156, %swap3A_1157] : memref<512x128xi32, #tpu.memory_space<vmem>>, vector<32x128xi32>
    %swap3A_1159 = arith.extui %ge3A_1155 : vector<32x128xi1> to vector<32x128xi32>
    %swap3A_1160 = arith.constant dense<0> : vector<32x128xi32>
    %swap3A_1161 = arith.cmpi ne, %swap3A_1158, %swap3A_1160 : vector<32x128xi32>
    tpu.vector_store %arg3[%swap3A_1156, %swap3A_1157], %swap3A_1159 {strides = array<i32>} : memref<512x128xi32, #tpu.memory_space<vmem>>, vector<32x128xi32>,
    %sub3A_1162 = arith.subi %reduce_sum3A_126, %reduce_sum3A_117 : i32
    %mul3A_1163 = arith.constant 2 : i32
    %mul3A_1164 = arith.muli %mul3A_1163, %sub3A_1162 : i32
    %sub3A_1165 = arith.constant 2 : i32
    %sub3A_1166 = arith.subi %mul3A_1164, %sub3A_1165 : i32
    %sub3A_1167 = vector.broadcast %sub3A_1162 : i32 to vector<32x128xi32>
    %sub3A_1168 = arith.subi %add3A_267, %sub3A_1167 : vector<32x128xi32>
    %max3A_1169 = arith.constant 0 : i32
    %max3A_1170 = vector.broadcast %max3A_1169 : i32 to vector<32x128xi32>
    %max3A_1171 = arith.maxsi %sub3A_1168, %max3A_1170 : vector<32x128xi32>
    %convert_element_type3A_1172 = arith.sitofp %sub3A_1166 : i32 to f32
    %convert_element_type3A_1173 = arith.sitofp %max3A_1171 : vector<32x128xi32> to vector<32x128xf32>
    %div3A_1174 = vector.broadcast %convert_element_type3A_1172 : f32 to vector<32x128xf32>
    %div3A_1175 = arith.divf %convert_element_type3A_1173, %div3A_1174 : vector<32x128xf32>
    %floor3A_1176 = math.floor %div3A_1175 : vector<32x128xf32>
    %convert_element_type3A_1177 = arith.fptosi %floor3A_1176 : vector<32x128xf32> to vector<32x128xi32>
    %mul3A_1178 = vector.broadcast %sub3A_1166 : i32 to vector<32x128xi32>
    %mul3A_1179 = arith.muli %convert_element_type3A_1177, %mul3A_1178 : vector<32x128xi32>
    %sub3A_1180 = arith.subi %max3A_1171, %mul3A_1179 : vector<32x128xi32>
    %ge3A_1181 = vector.broadcast %sub3A_1166 : i32 to vector<32x128xi32>
    %ge3A_1182 = arith.cmpi sge, %sub3A_1180, %ge3A_1181 : vector<32x128xi32>
    %jit3A_1183 = arith.constant 1 : i32
    %jit3A_1184 = arith.constant 0 : i32
    %broadcast_in_dim3A_1185 = vector.broadcast %jit3A_1183 : i32 to vector<32x128xi32>
    %broadcast_in_dim3A_1186 = vector.broadcast %jit3A_1184 : i32 to vector<32x128xi32>
    %select_n3A_1187 = arith.select %ge3A_1182, %broadcast_in_dim3A_1185, %broadcast_in_dim3A_1186 : vector<32x128xi1>, vector<32x128xi32>
    %add3A_1188 = arith.addi %convert_element_type3A_1177, %select_n3A_1187 : vector<32x128xi32>
    %lt3A_1189 = arith.constant 0 : i32
    %lt3A_1190 = vector.broadcast %lt3A_1189 : i32 to vector<32x128xi32>
    %lt3A_1191 = arith.cmpi slt, %sub3A_1180, %lt3A_1190 : vector<32x128xi32>
    %jit3A_1192 = arith.constant 1 : i32
    %jit3A_1193 = arith.constant 0 : i32
    %broadcast_in_dim3A_1194 = vector.broadcast %jit3A_1192 : i32 to vector<32x128xi32>
    %broadcast_in_dim3A_1195 = vector.broadcast %jit3A_1193 : i32 to vector<32x128xi32>
    %select_n3A_1196 = arith.select %lt3A_1191, %broadcast_in_dim3A_1194, %broadcast_in_dim3A_1195 : vector<32x128xi1>, vector<32x128xi32>
    %sub3A_1197 = arith.subi %add3A_1188, %select_n3A_1196 : vector<32x128xi32>
    %mul3A_1198 = vector.broadcast %sub3A_1166 : i32 to vector<32x128xi32>
    %mul3A_1199 = arith.muli %sub3A_1197, %mul3A_1198 : vector<32x128xi32>
    %sub3A_1200 = arith.subi %max3A_1171, %mul3A_1199 : vector<32x128xi32>
    %sub3A_1201 = arith.constant 1 : i32
    %sub3A_1202 = arith.subi %sub3A_1162, %sub3A_1201 : i32
    %lt3A_1203 = vector.broadcast %sub3A_1202 : i32 to vector<32x128xi32>
    %lt3A_1204 = arith.cmpi slt, %sub3A_1200, %lt3A_1203 : vector<32x128xi32>
    %sub3A_1205 = arith.constant 2 : i32
    %sub3A_1206 = arith.subi %sub3A_1162, %sub3A_1205 : i32
    %sub3A_1207 = vector.broadcast %sub3A_1206 : i32 to vector<32x128xi32>
    %sub3A_1208 = arith.subi %sub3A_1207, %sub3A_1200 : vector<32x128xi32>
    %sub3A_1209 = vector.broadcast %sub3A_1162 : i32 to vector<32x128xi32>
    %sub3A_1210 = arith.subi %sub3A_1200, %sub3A_1209 : vector<32x128xi32>
    %add3A_1211 = arith.constant 2 : i32
    %add3A_1212 = vector.broadcast %add3A_1211 : i32 to vector<32x128xi32>
    %add3A_1213 = arith.addi %sub3A_1210, %add3A_1212 : vector<32x128xi32>
    %select_n3A_1214 = arith.select %lt3A_1204, %sub3A_1208, %add3A_1213 : vector<32x128xi1>, vector<32x128xi32>
    %lt3A_1215 = vector.broadcast %sub3A_1162 : i32 to vector<32x128xi32>
    %lt3A_1216 = arith.cmpi slt, %add3A_267, %lt3A_1215 : vector<32x128xi32>
    %select_n3A_1217 = arith.select %lt3A_1216, %add3A_267, %select_n3A_1214 : vector<32x128xi1>, vector<32x128xi32>
    %add3A_1218 = vector.broadcast %reduce_sum3A_117 : i32 to vector<32x128xi32>
    %add3A_1219 = arith.addi %add3A_1218, %select_n3A_1217 : vector<32x128xi32>
    %swap3A_1220 = arith.constant 416 : index
    %swap3A_1221 = arith.constant 0 : index
    %swap3A_1222 = vector.load %arg1[%swap3A_1220, %swap3A_1221] : memref<512x128xi32, #tpu.memory_space<vmem>>, vector<32x128xi32>
    tpu.vector_store %arg1[%swap3A_1220, %swap3A_1221], %add3A_1219 {strides = array<i32>} : memref<512x128xi32, #tpu.memory_space<vmem>>, vector<32x128xi32>,
    %ge3A_1223 = vector.broadcast %sub3A_1162 : i32 to vector<32x128xi32>
    %ge3A_1224 = arith.cmpi sge, %add3A_267, %ge3A_1223 : vector<32x128xi32>
    %swap3A_1225 = arith.constant 416 : index
    %swap3A_1226 = arith.constant 0 : index
    %swap3A_1227 = vector.load %arg3[%swap3A_1225, %swap3A_1226] : memref<512x128xi32, #tpu.memory_space<vmem>>, vector<32x128xi32>
    %swap3A_1228 = arith.extui %ge3A_1224 : vector<32x128xi1> to vector<32x128xi32>
    %swap3A_1229 = arith.constant dense<0> : vector<32x128xi32>
    %swap3A_1230 = arith.cmpi ne, %swap3A_1227, %swap3A_1229 : vector<32x128xi32>
    tpu.vector_store %arg3[%swap3A_1225, %swap3A_1226], %swap3A_1228 {strides = array<i32>} : memref<512x128xi32, #tpu.memory_space<vmem>>, vector<32x128xi32>,
    %sub3A_1231 = arith.subi %reduce_sum3A_135, %reduce_sum3A_126 : i32
    %mul3A_1232 = arith.constant 2 : i32
    %mul3A_1233 = arith.muli %mul3A_1232, %sub3A_1231 : i32
    %sub3A_1234 = arith.constant 2 : i32
    %sub3A_1235 = arith.subi %mul3A_1233, %sub3A_1234 : i32
    %sub3A_1236 = vector.broadcast %sub3A_1231 : i32 to vector<32x128xi32>
    %sub3A_1237 = arith.subi %add3A_267, %sub3A_1236 : vector<32x128xi32>
    %max3A_1238 = arith.constant 0 : i32
    %max3A_1239 = vector.broadcast %max3A_1238 : i32 to vector<32x128xi32>
    %max3A_1240 = arith.maxsi %sub3A_1237, %max3A_1239 : vector<32x128xi32>
    %convert_element_type3A_1241 = arith.sitofp %sub3A_1235 : i32 to f32
    %convert_element_type3A_1242 = arith.sitofp %max3A_1240 : vector<32x128xi32> to vector<32x128xf32>
    %div3A_1243 = vector.broadcast %convert_element_type3A_1241 : f32 to vector<32x128xf32>
    %div3A_1244 = arith.divf %convert_element_type3A_1242, %div3A_1243 : vector<32x128xf32>
    %floor3A_1245 = math.floor %div3A_1244 : vector<32x128xf32>
    %convert_element_type3A_1246 = arith.fptosi %floor3A_1245 : vector<32x128xf32> to vector<32x128xi32>
    %mul3A_1247 = vector.broadcast %sub3A_1235 : i32 to vector<32x128xi32>
    %mul3A_1248 = arith.muli %convert_element_type3A_1246, %mul3A_1247 : vector<32x128xi32>
    %sub3A_1249 = arith.subi %max3A_1240, %mul3A_1248 : vector<32x128xi32>
    %ge3A_1250 = vector.broadcast %sub3A_1235 : i32 to vector<32x128xi32>
    %ge3A_1251 = arith.cmpi sge, %sub3A_1249, %ge3A_1250 : vector<32x128xi32>
    %jit3A_1252 = arith.constant 1 : i32
    %jit3A_1253 = arith.constant 0 : i32
    %broadcast_in_dim3A_1254 = vector.broadcast %jit3A_1252 : i32 to vector<32x128xi32>
    %broadcast_in_dim3A_1255 = vector.broadcast %jit3A_1253 : i32 to vector<32x128xi32>
    %select_n3A_1256 = arith.select %ge3A_1251, %broadcast_in_dim3A_1254, %broadcast_in_dim3A_1255 : vector<32x128xi1>, vector<32x128xi32>
    %add3A_1257 = arith.addi %convert_element_type3A_1246, %select_n3A_1256 : vector<32x128xi32>
    %lt3A_1258 = arith.constant 0 : i32
    %lt3A_1259 = vector.broadcast %lt3A_1258 : i32 to vector<32x128xi32>
    %lt3A_1260 = arith.cmpi slt, %sub3A_1249, %lt3A_1259 : vector<32x128xi32>
    %jit3A_1261 = arith.constant 1 : i32
    %jit3A_1262 = arith.constant 0 : i32
    %broadcast_in_dim3A_1263 = vector.broadcast %jit3A_1261 : i32 to vector<32x128xi32>
    %broadcast_in_dim3A_1264 = vector.broadcast %jit3A_1262 : i32 to vector<32x128xi32>
    %select_n3A_1265 = arith.select %lt3A_1260, %broadcast_in_dim3A_1263, %broadcast_in_dim3A_1264 : vector<32x128xi1>, vector<32x128xi32>
    %sub3A_1266 = arith.subi %add3A_1257, %select_n3A_1265 : vector<32x128xi32>
    %mul3A_1267 = vector.broadcast %sub3A_1235 : i32 to vector<32x128xi32>
    %mul3A_1268 = arith.muli %sub3A_1266, %mul3A_1267 : vector<32x128xi32>
    %sub3A_1269 = arith.subi %max3A_1240, %mul3A_1268 : vector<32x128xi32>
    %sub3A_1270 = arith.constant 1 : i32
    %sub3A_1271 = arith.subi %sub3A_1231, %sub3A_1270 : i32
    %lt3A_1272 = vector.broadcast %sub3A_1271 : i32 to vector<32x128xi32>
    %lt3A_1273 = arith.cmpi slt, %sub3A_1269, %lt3A_1272 : vector<32x128xi32>
    %sub3A_1274 = arith.constant 2 : i32
    %sub3A_1275 = arith.subi %sub3A_1231, %sub3A_1274 : i32
    %sub3A_1276 = vector.broadcast %sub3A_1275 : i32 to vector<32x128xi32>
    %sub3A_1277 = arith.subi %sub3A_1276, %sub3A_1269 : vector<32x128xi32>
    %sub3A_1278 = vector.broadcast %sub3A_1231 : i32 to vector<32x128xi32>
    %sub3A_1279 = arith.subi %sub3A_1269, %sub3A_1278 : vector<32x128xi32>
    %add3A_1280 = arith.constant 2 : i32
    %add3A_1281 = vector.broadcast %add3A_1280 : i32 to vector<32x128xi32>
    %add3A_1282 = arith.addi %sub3A_1279, %add3A_1281 : vector<32x128xi32>
    %select_n3A_1283 = arith.select %lt3A_1273, %sub3A_1277, %add3A_1282 : vector<32x128xi1>, vector<32x128xi32>
    %lt3A_1284 = vector.broadcast %sub3A_1231 : i32 to vector<32x128xi32>
    %lt3A_1285 = arith.cmpi slt, %add3A_267, %lt3A_1284 : vector<32x128xi32>
    %select_n3A_1286 = arith.select %lt3A_1285, %add3A_267, %select_n3A_1283 : vector<32x128xi1>, vector<32x128xi32>
    %add3A_1287 = vector.broadcast %reduce_sum3A_126 : i32 to vector<32x128xi32>
    %add3A_1288 = arith.addi %add3A_1287, %select_n3A_1286 : vector<32x128xi32>
    %swap3A_1289 = arith.constant 448 : index
    %swap3A_1290 = arith.constant 0 : index
    %swap3A_1291 = vector.load %arg1[%swap3A_1289, %swap3A_1290] : memref<512x128xi32, #tpu.memory_space<vmem>>, vector<32x128xi32>
    tpu.vector_store %arg1[%swap3A_1289, %swap3A_1290], %add3A_1288 {strides = array<i32>} : memref<512x128xi32, #tpu.memory_space<vmem>>, vector<32x128xi32>,
    %ge3A_1292 = vector.broadcast %sub3A_1231 : i32 to vector<32x128xi32>
    %ge3A_1293 = arith.cmpi sge, %add3A_267, %ge3A_1292 : vector<32x128xi32>
    %swap3A_1294 = arith.constant 448 : index
    %swap3A_1295 = arith.constant 0 : index
    %swap3A_1296 = vector.load %arg3[%swap3A_1294, %swap3A_1295] : memref<512x128xi32, #tpu.memory_space<vmem>>, vector<32x128xi32>
    %swap3A_1297 = arith.extui %ge3A_1293 : vector<32x128xi1> to vector<32x128xi32>
    %swap3A_1298 = arith.constant dense<0> : vector<32x128xi32>
    %swap3A_1299 = arith.cmpi ne, %swap3A_1296, %swap3A_1298 : vector<32x128xi32>
    tpu.vector_store %arg3[%swap3A_1294, %swap3A_1295], %swap3A_1297 {strides = array<i32>} : memref<512x128xi32, #tpu.memory_space<vmem>>, vector<32x128xi32>,
    %sub3A_1300 = arith.subi %reduce_sum3A_144, %reduce_sum3A_135 : i32
    %mul3A_1301 = arith.constant 2 : i32
    %mul3A_1302 = arith.muli %mul3A_1301, %sub3A_1300 : i32
    %sub3A_1303 = arith.constant 2 : i32
    %sub3A_1304 = arith.subi %mul3A_1302, %sub3A_1303 : i32
    %sub3A_1305 = vector.broadcast %sub3A_1300 : i32 to vector<32x128xi32>
    %sub3A_1306 = arith.subi %add3A_267, %sub3A_1305 : vector<32x128xi32>
    %max3A_1307 = arith.constant 0 : i32
    %max3A_1308 = vector.broadcast %max3A_1307 : i32 to vector<32x128xi32>
    %max3A_1309 = arith.maxsi %sub3A_1306, %max3A_1308 : vector<32x128xi32>
    %convert_element_type3A_1310 = arith.sitofp %sub3A_1304 : i32 to f32
    %convert_element_type3A_1311 = arith.sitofp %max3A_1309 : vector<32x128xi32> to vector<32x128xf32>
    %div3A_1312 = vector.broadcast %convert_element_type3A_1310 : f32 to vector<32x128xf32>
    %div3A_1313 = arith.divf %convert_element_type3A_1311, %div3A_1312 : vector<32x128xf32>
    %floor3A_1314 = math.floor %div3A_1313 : vector<32x128xf32>
    %convert_element_type3A_1315 = arith.fptosi %floor3A_1314 : vector<32x128xf32> to vector<32x128xi32>
    %mul3A_1316 = vector.broadcast %sub3A_1304 : i32 to vector<32x128xi32>
    %mul3A_1317 = arith.muli %convert_element_type3A_1315, %mul3A_1316 : vector<32x128xi32>
    %sub3A_1318 = arith.subi %max3A_1309, %mul3A_1317 : vector<32x128xi32>
    %ge3A_1319 = vector.broadcast %sub3A_1304 : i32 to vector<32x128xi32>
    %ge3A_1320 = arith.cmpi sge, %sub3A_1318, %ge3A_1319 : vector<32x128xi32>
    %jit3A_1321 = arith.constant 1 : i32
    %jit3A_1322 = arith.constant 0 : i32
    %broadcast_in_dim3A_1323 = vector.broadcast %jit3A_1321 : i32 to vector<32x128xi32>
    %broadcast_in_dim3A_1324 = vector.broadcast %jit3A_1322 : i32 to vector<32x128xi32>
    %select_n3A_1325 = arith.select %ge3A_1320, %broadcast_in_dim3A_1323, %broadcast_in_dim3A_1324 : vector<32x128xi1>, vector<32x128xi32>
    %add3A_1326 = arith.addi %convert_element_type3A_1315, %select_n3A_1325 : vector<32x128xi32>
    %lt3A_1327 = arith.constant 0 : i32
    %lt3A_1328 = vector.broadcast %lt3A_1327 : i32 to vector<32x128xi32>
    %lt3A_1329 = arith.cmpi slt, %sub3A_1318, %lt3A_1328 : vector<32x128xi32>
    %jit3A_1330 = arith.constant 1 : i32
    %jit3A_1331 = arith.constant 0 : i32
    %broadcast_in_dim3A_1332 = vector.broadcast %jit3A_1330 : i32 to vector<32x128xi32>
    %broadcast_in_dim3A_1333 = vector.broadcast %jit3A_1331 : i32 to vector<32x128xi32>
    %select_n3A_1334 = arith.select %lt3A_1329, %broadcast_in_dim3A_1332, %broadcast_in_dim3A_1333 : vector<32x128xi1>, vector<32x128xi32>
    %sub3A_1335 = arith.subi %add3A_1326, %select_n3A_1334 : vector<32x128xi32>
    %mul3A_1336 = vector.broadcast %sub3A_1304 : i32 to vector<32x128xi32>
    %mul3A_1337 = arith.muli %sub3A_1335, %mul3A_1336 : vector<32x128xi32>
    %sub3A_1338 = arith.subi %max3A_1309, %mul3A_1337 : vector<32x128xi32>
    %sub3A_1339 = arith.constant 1 : i32
    %sub3A_1340 = arith.subi %sub3A_1300, %sub3A_1339 : i32
    %lt3A_1341 = vector.broadcast %sub3A_1340 : i32 to vector<32x128xi32>
    %lt3A_1342 = arith.cmpi slt, %sub3A_1338, %lt3A_1341 : vector<32x128xi32>
    %sub3A_1343 = arith.constant 2 : i32
    %sub3A_1344 = arith.subi %sub3A_1300, %sub3A_1343 : i32
    %sub3A_1345 = vector.broadcast %sub3A_1344 : i32 to vector<32x128xi32>
    %sub3A_1346 = arith.subi %sub3A_1345, %sub3A_1338 : vector<32x128xi32>
    %sub3A_1347 = vector.broadcast %sub3A_1300 : i32 to vector<32x128xi32>
    %sub3A_1348 = arith.subi %sub3A_1338, %sub3A_1347 : vector<32x128xi32>
    %add3A_1349 = arith.constant 2 : i32
    %add3A_1350 = vector.broadcast %add3A_1349 : i32 to vector<32x128xi32>
    %add3A_1351 = arith.addi %sub3A_1348, %add3A_1350 : vector<32x128xi32>
    %select_n3A_1352 = arith.select %lt3A_1342, %sub3A_1346, %add3A_1351 : vector<32x128xi1>, vector<32x128xi32>
    %lt3A_1353 = vector.broadcast %sub3A_1300 : i32 to vector<32x128xi32>
    %lt3A_1354 = arith.cmpi slt, %add3A_267, %lt3A_1353 : vector<32x128xi32>
    %select_n3A_1355 = arith.select %lt3A_1354, %add3A_267, %select_n3A_1352 : vector<32x128xi1>, vector<32x128xi32>
    %add3A_1356 = vector.broadcast %reduce_sum3A_135 : i32 to vector<32x128xi32>
    %add3A_1357 = arith.addi %add3A_1356, %select_n3A_1355 : vector<32x128xi32>
    %swap3A_1358 = arith.constant 480 : index
    %swap3A_1359 = arith.constant 0 : index
    %swap3A_1360 = vector.load %arg1[%swap3A_1358, %swap3A_1359] : memref<512x128xi32, #tpu.memory_space<vmem>>, vector<32x128xi32>
    tpu.vector_store %arg1[%swap3A_1358, %swap3A_1359], %add3A_1357 {strides = array<i32>} : memref<512x128xi32, #tpu.memory_space<vmem>>, vector<32x128xi32>,
    %ge3A_1361 = vector.broadcast %sub3A_1300 : i32 to vector<32x128xi32>
    %ge3A_1362 = arith.cmpi sge, %add3A_267, %ge3A_1361 : vector<32x128xi32>
    %swap3A_1363 = arith.constant 480 : index
    %swap3A_1364 = arith.constant 0 : index
    %swap3A_1365 = vector.load %arg3[%swap3A_1363, %swap3A_1364] : memref<512x128xi32, #tpu.memory_space<vmem>>, vector<32x128xi32>
    %swap3A_1366 = arith.extui %ge3A_1362 : vector<32x128xi1> to vector<32x128xi32>
    %swap3A_1367 = arith.constant dense<0> : vector<32x128xi32>
    %swap3A_1368 = arith.cmpi ne, %swap3A_1365, %swap3A_1367 : vector<32x128xi32>
    tpu.vector_store %arg3[%swap3A_1363, %swap3A_1364], %swap3A_1366 {strides = array<i32>} : memref<512x128xi32, #tpu.memory_space<vmem>>, vector<32x128xi32>,
    return
  }
}

</mosaic_0001>

<sc_bundles>
// kernel: kernel.5.cloned.1.call-start
scs
__scs_entry_jumppad:
0x0: {  	(pc) =	sbr.rel $0x88, $3  }
0x1: {  	(tag) =	ssettag $0x0;
	lr =	simm.s32 $0x1  }
0x2: {  	[smem:$0x3FA0] =	sst lr;
	_ =	strace $0xD0000000  }
0x3: {  	_ = 	snop  }
0x4: {  	_ = 	snop  }
0x5: {  	_ = 	snop  }
0x6: {  	_ = 	snop  }
0x7: {  	_ = 	snop  }
__scs_overlays_trampoline_lowered:
0x8: {  	[smem:$0x3FAF] =	sst s0  }
0x9: {  	[smem:$0x3FB0] =	sst s1  }
0xa: {  	[smem:$0x3FB1] =	sst s2  }
0xb: {  	[smem:$0x3FB2] =	sst s3  }
0xc: {  	[smem:$0x3FB3] =	sst s4  }
0xd: {  	[smem:$0x3FB4] =	sst s5  }
0xe: {  	[smem:$0x3FB5] =	sst s6  }
0xf: {  	[smem:$0x3FB6] =	sst s7  }
0x10: {  	[smem:$0x3FB7] =	sst s8  }
0x11: {  	[smem:$0x3FB8] =	sst s9;
	s0 =	simm.s32 @!p0 $0x0  }
0x12: {  	s1 =	sld [smem:$0x3F9E];
	s0 =	simm.s32 @p0 $0x1  }
0x13: {  	[smem:$0x3FB9] =	sst s0;
	s0 =	simm.s32 @!p1 $0x0  }
0x14: {  	s2 =	sld [smem:$0x3F9D];
	s0 =	simm.s32 @p1 $0x1  }
0x15: {  	[smem:$0x3FBA] =	sst s0;
	s0 =	simm.s32 @!p2 $0x0  }
0x16: {  	s3 =	sld [smem:$0x3FDB];
	s0 =	simm.s32 @p2 $0x1  }
0x17: {  	s4 =	simm.s32 $0x1BF5;
	[smem:$0x3FBC] =	sst s0  }
0x18: {  	s0 =	sld [smem:$0x3F9F];
	_ =	swait.ge [sflag:s4], $0x0  }
0x19: {  	s7 =	sld [smem:$0x3FA0]  }
0x1a: {  	s8 =	sadd.s32 $0xFFFFE003, lr  }
0x1b: {  	s9 =	sadd.s32 $0xFFFFFEF7, lr;
	s5 =	simm.s32 $0xFFFFFFFF;
	p2 =	slt.u32 s8, $0xFFFFF086  }
0x1c: {  	p1 =	slt.u32 s9, $0xF7A;
	s5 =	simm.s32 @!p2 $0x0  }
0x1d: {  	s5 =	simm.s32 @p1 $0x1;
	p0 =	seq.s32 s7, s2  }
0x1e: {  	s7 =	smul.u32 @!p0 $0xF7A, s2;
	p2 =	seq.s32 @!p0 s5, $0x0  }
0x1f: {  	s9 =	smul.u32 $0xF7A, s1;
	s8 =	simm.s32 @!p0 $0x1BF5;
	p2 =	por !p2, p0  }
0x20: {  	[sflag:s8] =	ssyncset.s32 @!p0 $0xFFFFF086;
	s6 =	sadd.s32 @!p0 s3, s7;
	s7 =	simm.s32 @!p0 $0x108  }
0x21: {  	s3 =	sadd.s32 s3, s9;
	s6 =	sadd.s32 @!p0 $0x88, s6;
	s7 =	simm.s32 @p2 $0x1082  }
0x22: {  	[simem:s7], [sflag:s8] =	dma.local @!p0 [hbm:s6], $0xF7A  }
0x23: {  	s9 =	sor.u32 $0xD0000000, s2;
	s6 =	simm.s32 $0x108;
	_ =	swait.ge @!p0 [sflag:s8], $0x0  }
0x24: {  	s3 =	sadd.s32 $0x88, s3;
	s6 =	simm.s32 @!p1 $0x1082;
	[sflag:s4] =	ssyncset.s32 $0xFFFFF086  }
0x25: {  	[simem:s6], [sflag:s4] =	dma.local [hbm:s3], $0xF7A  }
0x26: {  	[smem:$0x3FA0] =	sst s1;
	(tag) =	ssettag s2;
	_ =	strace s9  }
0x27: {  	s1 =	sld [smem:$0x3FB0]  }
0x28: {  	s2 =	sld [smem:$0x3FB1]  }
0x29: {  	s4 =	sld [smem:$0x3FB3]  }
0x2a: {  	p0 =	seq.s32 s5, $0x0;
	s5 =	sld [smem:$0x3FB4]  }
0x2b: {  	s6 =	sld [smem:$0x3FB5]  }
0x2c: {  	s7 =	sld [smem:$0x3FB6]  }
0x2d: {  	s3 =	simm.s32 $0x108;
	s8 =	sld [smem:$0x3FB7]  }
0x2e: {  	s3 =	simm.s32 @!p0 $0x1082;
	s9 =	sld [smem:$0x3FB8]  }
0x2f: {  	lr =	sadd.s32 s0, s3;
	s0 =	sld [smem:$0x3FAF]  }
0x30: {  	s3 =	sld [smem:$0x3FB2]  }
0x31: {  	[smem:$0x3FBB] =	sst s10  }
0x32: {  	s10 =	sld [smem:$0x3FB9];
	_ =	sdelay $0x3  }
0x33: {  	p0 =	seq.s32 s10, $0x1;
	s10 =	sld [smem:$0x3FBB];
	_ =	sdelay $0x3  }
0x34: {  	[smem:$0x3FBB] =	sst s10  }
0x35: {  	s10 =	sld [smem:$0x3FBA];
	_ =	sdelay $0x3  }
0x36: {  	p1 =	seq.s32 s10, $0x1;
	s10 =	sld [smem:$0x3FBB];
	_ =	sdelay $0x3  }
0x37: {  	[smem:$0x3FBB] =	sst s10  }
0x38: {  	s10 =	sld [smem:$0x3FBC]  }
0x39: {  	_ = 	snop;
	(pc) =	sbr.ind lr, $3  }
0x3a: {  	_ = 	snop  }
0x3b: {  	_ = 	snop  }
0x3c: {  	p2 =	seq.s32 s10, $0x1;
	s10 =	sld [smem:$0x3FBB]  }
0x3d: {  	_ =	shalt  }
0x3e: {  	_ =	shalt  }
0x3f: {  	_ =	shalt  }
0x40: {  	_ =	shalt  }
0x41: {  	_ =	shalt  }
0x42: {  	_ =	shalt  }
0x43: {  	_ =	shalt  }
0x44: {  	_ =	shalt  }
0x45: {  	_ =	shalt  }
0x46: {  	_ =	shalt  }
0x47: {  	_ =	shalt  }
0x48: {  	_ =	shalt  }
0x49: {  	_ =	shalt  }
0x4a: {  	_ =	shalt  }
0x4b: {  	_ =	shalt  }
0x4c: {  	_ =	shalt  }
0x4d: {  	_ =	shalt  }
0x4e: {  	_ =	shalt  }
0x4f: {  	_ =	shalt  }
0x50: {  	_ =	shalt  }
0x51: {  	_ =	shalt  }
0x52: {  	_ =	shalt  }
0x53: {  	_ =	shalt  }
0x54: {  	_ =	shalt  }
0x55: {  	_ =	shalt  }
0x56: {  	_ =	shalt  }
0x57: {  	_ =	shalt  }
0x58: {  	_ =	shalt  }
0x59: {  	_ =	shalt  }
0x5a: {  	_ =	shalt  }
0x5b: {  	_ =	shalt  }
0x5c: {  	_ =	shalt  }
0x5d: {  	_ =	shalt  }
0x5e: {  	_ =	shalt  }
0x5f: {  	_ =	shalt  }
0x60: {  	_ =	shalt  }
0x61: {  	_ =	shalt  }
0x62: {  	_ =	shalt  }
0x63: {  	_ =	shalt  }
0x64: {  	_ =	shalt  }
0x65: {  	_ =	shalt  }
0x66: {  	_ =	shalt  }
0x67: {  	_ =	shalt  }
0x68: {  	_ =	shalt  }
0x69: {  	_ =	shalt  }
0x6a: {  	_ =	shalt  }
0x6b: {  	_ =	shalt  }
0x6c: {  	_ =	shalt  }
0x6d: {  	_ =	shalt  }
0x6e: {  	_ =	shalt  }
0x6f: {  	_ =	shalt  }
0x70: {  	_ =	shalt  }
0x71: {  	_ =	shalt  }
0x72: {  	_ =	shalt  }
0x73: {  	_ =	shalt  }
0x74: {  	_ =	shalt  }
0x75: {  	_ =	shalt  }
0x76: {  	_ =	shalt  }
0x77: {  	_ =	shalt  }
0x78: {  	_ =	shalt  }
0x79: {  	_ =	shalt  }
0x7a: {  	_ =	shalt  }
0x7b: {  	_ =	shalt  }
0x7c: {  	_ =	shalt  }
0x7d: {  	_ =	shalt  }
0x7e: {  	_ =	shalt  }
0x7f: {  	_ =	shalt  }
0x80: {  	_ =	shalt  }
0x81: {  	_ =	shalt  }
0x82: {  	_ =	shalt  }
0x83: {  	_ =	shalt  }
0x84: {  	_ =	shalt  }
0x85: {  	_ =	shalt  }
0x86: {  	_ =	shalt  }
0x87: {  	_ =	shalt  }
.Lfunc_end0:
.L_simem_size_0:
called_computation_lowered:
.L_overlay_start_0:
0x88: {  	s2 =	sld [smem:$0x3FD9]  }
0x89: {  	s3 =	sld [smem:$0x3FFE];
	_ =	sdelay $0x1  }
0x8a: {  	s1 =	srdreg.scid  }
0x8b: {  	s0 =	sand.u32 $0x1, s1  }
0x8c: {  	s14 =	sshll.u32 s0, $0xA;
	s2 =	sadd.s32 s3, s2  }
0x8d: {  	s2 =	sadd.s32 s2, s14  }
0x8e: {  	[smem:$0x3FC7] =	sst s2  }
0x8f: {  	_ = 	snop  }
0x90: {  	s2 =	sld [smem:$0x3FD0];
	_ =	sdelay $0x2  }
0x91: {  	s15 =	simm.s32 $0xA;
	s4 =	simm.s32 $0x10  }
0x92: {  	[smem:s4], [sflag:s15] =	dma.local [hbm:s2], $0x1  }
0x93: {  	_ =	swait.eq [sflag:s15], $0x1  }
0x94: {  	[sflag:s15] =	ssyncset.done $0x0  }
0x95: {  	[sflag:s15] =	ssyncadd.s32 $0xFFFFFFFF  }
0x96: {  	s16 =	sld [smem:$0x13];
	(tm) =	ssettm $0x1  }
0x97: {  	s17 =	sld [smem:$0x3FFB];
	_ =	sdelay $0x3  }
0x98: {  	_ =	strace s17  }
0x99: {  	s3 =	sld [smem:$0x3FFC];
	_ =	sdelay $0x3  }
0x9a: {  	_ =	strace s3  }
0x9b: {  	s3 =	sld [smem:$0x3FFD];
	_ =	sdelay $0x3  }
0x9c: {  	_ =	strace s3  }
0x9d: {  	_ =	strace $0x8FFFFFFF  }
0x9e: {  	s18 =	sld [smem:$0x3FDB];
	_ =	sdelay $0x1  }
0x9f: {  	s19 =	simm.s32 $_scs_section_size  }
0xa0: {  	s5 =	simm.s32 $_size__tile_overlayer_lowered;
	s6 =	simm.s32 $_tile_overlayer_lowered  }
0xa1: {  	s22 =	simm.s32 $0x1BFF;
	s21 =	sshll.u32 s6, $0x1;
	s3 =	sadd.s32 s19, s18  }
0xa2: {  	s7 =	simm.s32 $0x0;
	s20 =	sshll.u32 s5, $0x1;
	s5 =	sadd.s32 s21, s3  }
0xa3: {  	[timem:s7], [sflag:s22] =	dma.local [hbm:s5], s20  }
0xa4: {  	_ =	swait.ge [sflag:s22], s20  }
0xa5: {  	s4 =	ssub.s32 $0x0, s20;
	[sflag:s22] =	ssyncset.done $0x0  }
0xa6: {  	[sflag:s22] =	ssyncadd.s32 s4;
	_ =	sdelay $0x1  }
0xa7: {  	s23 =	simm.s32 $0x1B8B  }
0xa8: {  	_ =	swait.ge [sflag:s23], $0x1  }
0xa9: {  	[sflag:s23] =	ssyncset.done $0x0  }
0xaa: {  	s25 =	simm.s32 $0x1B8E;
	s24 =	sld [smem:$0x3FFE];
	[sflag:s23] =	ssyncadd.s32 $0xFFFFFFFF  }
0xab: {  	s26 =	simm.s32 $execute0_lowered;
	[smem:$0x3FD2] =	sst s25  }
0xac: {  	s5 =	sshll.u32 s26, $0x1;
	_ =	strace $0x80000046;
	[dreg:$0x1] =	wrdreg $0xFFFFFFFF  }
0xad: {  	s28 =	simm.s32 $_size_execute0_lowered;
	s3 =	sadd.s32 s3, s5;
	[dreg:$0x0] =	wrdreg $0x0  }
0xae: {  	s5 =	sshll.u32 s28, $0x1;
	[dreg:$0x2] =	wrdreg s3  }
0xaf: {  	[dreg:$0x3] =	wrdreg s5  }
0xb0: {  	[dreg:$0x4] =	wrdreg $0xC0  }
0xb1: {  	_ =	task [dreg:s7], $0x5FFFF  }
0xb2: {  	[dreg:$0x1] =	wrdreg $0xFFFFFFFF  }
0xb3: {  	[dreg:$0x0] =	wrdreg $0x60  }
0xb4: {  	[dreg:$0x2] =	wrdreg s24  }
0xb5: {  	[dreg:$0x3] =	wrdreg s16  }
0xb6: {  	[dreg:$0x4] =	wrdreg $0x9  }
0xb7: {  	_ =	task.clear_ibuf [dreg:s7], $0x5FFFF;
	_ =	strace $0x90000046  }
0xb8: {  	s29 =	simm.s32 $0x9;
	_ =	strace $0x80000048  }
0xb9: {  	_ =	swait.ge [sflag:s29], $0x1  }
0xba: {  	[sflag:s29] =	ssyncadd.s32 $0xFFFFFFFF  }
0xbb: {  	_ =	strace $0x90000048  }
0xbc: {  	_ =	sfence  }
0xbd: {  	s30 =	sld [smem:$0x0];
	_ =	sdelay $0x2  }
0xbe: {  	s31 =	sshll.u32 s1, $0xD;
	s1 =	sshrl.u32 s1, $0x2  }
0xbf: {  	s3 =	sand.u32 $0x4000, s31;
	s1 =	sadd.s32 s1, s30  }
0xc0: {  	s0 =	sor.u32 s3, s0;
	s1 =	sshll.u32 s1, $0x11  }
0xc1: {  	s0 =	sor.u32 s1, s0  }
0xc2: {  	s0 =	sadd.s32 $0x8F2B, s0  }
0xc3: {  	[sflag:s0] =	ssyncadd.remote.s32 $0x1  }
0xc4: {  	_ =	sfence.sel $0xFFFF  }
0xc5: {  	[dreg:$0x0] =	wrdreg $0xFFFFFFFF;
	(pc) =	sbr.abs _section_cstart, $3  }
0xc6: {  	[dreg:$0x1] =	wrdreg $0xFFFFFFFF  }
0xc7: {  	_ =	task.clear_ibuf [dreg:s7], $0x2FFFF;
	_ =	strace $0x9FFFFFFF  }
0xc8: {  	(tm) =	ssettm $0x7FFFFFFF  }
0xc9: {  	_ =	shalt  }
tec
execute0_lowered:
.L_overlay_start_1:
0x0: {  	(tag) =	ssettag $0x1  }
0x1: {  	s0 =	rddreg [dreg:$0x0]  }
0x2: {  	s2 =	simm.s32 $0x0;
	s3 =	srdreg.scid;
	s1 =	stileid.u32  }
0x3: {  	s9 =	simm.s32 $0x2;
	s10 =	simm.s32 $0x1;
	s12 =	simm.s32 $0x4800  }
0x4: {  	s13 =	simm.s32 $0x1000;
	s14 =	simm.s32 $0x2000;
	s15 =	simm.s32 $0x3000  }
.Ltmp0:
0x5: {  	s16 =	simm.s32 $0x0;
	s3 =	sand.u32 $0x1, s3;
	(pc) =	sbr.rel .LBB2_1-.Ltmp0, $4  }
0x6: {  	[smem:$0x7FF] =	sst s2;
	s8 =	sadd.s32 $0x1, s1;
	s6 =	ssub.s32 $0x2, s3  }
0x7: {  	v0 =	vlaneseq.u32;
	s4 =	sadd.s32 $0xE00, s0;
	s11 =	sadd.s32 $0xFFFFFFF1, s1;
	v1 =	vmov s1;
	v2 =	vmov s8;
	s7 =	sshrl.u32 s6, $0x1  }
0x8: {  	s5 =	sadd.s32 $0x2E00, s0;
	_ =	strace $0x80000047;
	v3 =	vmov s11;
	vm0 =	veq.s32 v1, v0;
	v1 =	vimm.s32 $0x0;
	s31 =	ssub.s32 s6, s7  }
0x9: {  	s11 =	simm.s32 $0x4000;
	vm1 =	veq.s32 v3, v0;
	vm2 =	veq.s32 v2, v0;
	v2 =	vimm.s32 $0x1;
	s6 =	sshll.u32 s3, $0xF;
	s7 =	smax.u32 s31, $0x1  }
.LBB2_19:
0xa: {  	[sflag:s10] =	ssyncadd.s32 $0xFFFFFF80  }
.LBB2_20:
0xb: {  	s16 =	sadd.s32 $0x1, s16  }
0xc: {  	p0 =	sne.s32 s16, s7  }
.Ltmp1:
0xd: {  	_ = 	snop;
	(pc) =	sbr.rel @!p0 .LBB2_21-.Ltmp1, $1  }
0xe: {  	_ =	sdelay $0x3  }
.LBB2_1:
0xf: {  	s0 =	rddreg [dreg:$0x1];
	s1 =	simm.s32 $0x4C00  }
0x10: {  	[tilespmem:s1], [sflag:$0x2] =	stream.linear.gather [hbm4b:s0+s2], $0x20, $0x38;
	[tilespmem:$0x4C80] =	vst v63  }
0x11: {  	_ =	swait.ge [sflag:s9], $0x20  }
0x12: {  	[sflag:s9] =	ssyncset.done $0x0  }
0x13: {  	[sflag:s9] =	ssyncadd.s32 $0xFFFFFFE0  }
0x14: {  	v4 =	vld [tilespmem:$0x4C00];
	_ =	sdelay $0x4  }
0x15: {  	v3 =	vnsel vm0, $0x0, v4  }
0x16: {  	(xrf0) =	vadd.scan.msk.s32 $0xffff, v3;
	_ =	sdelay $0x5  }
0x17: {  	v3, _, _ =	vpop (xrf0)  }
0x18: {  	(v2sf) =	vpush v3, $0xF;
	_ =	sdelay $0xe  }
0x19: {  	s17 =	spop (v2sf)  }
0x1a: {  	p0 =	slt.s32 s17, $0x7000;
	s18 =	smov.u32 s17  }
0x1b: {  	s18 =	simm.s32 @!p0 $0x7000  }
0x1c: {  	s31 =	sadd.s32 s6, s18  }
0x1d: {  	s0 =	sshrl.u32 s31, $0x3  }
0x1e: {  	s3 =	simm.s32 $0x4020;
	s0 =	sadd.s32 s4, s0  }
0x1f: {  	v5 =	vld [tilespmem:$0x4C10];
	[tilespmem:s2], [sflag:$0x1] =	stream.linear.gather [hbm4b:s0+s2], $0x1000, $0x38  }
0x20: {  	[tilespmem:s3+$0xFFFFFFE0] =	vst v1  }
0x21: {  	[tilespmem:s3+$0x10] =	vst v1  }
0x22: {  	s19 =	simm.s32 $0x0;
	[tilespmem:s3+$0x0] =	vst v1  }
.LBB2_2:
0x23: {  	s19 =	sadd.s32 $0x40, s19  }
0x24: {  	[tilespmem:s3+$0xFFFFFFF0] =	vst v1;
	s3 =	sadd.s32 $0x40, s3;
	s0 =	simm.s32 $0x4820;
	p0 =	slt.u32 s19, $0x7C0  }
.Ltmp2:
0x25: {  	[tilespmem:s3+$0xFFFFFFE0] =	vst v1;
	(pc) =	sbr.rel @p0 .LBB2_2-.Ltmp2, $3  }
0x26: {  	_ =	sdelay $0x1  }
0x27: {  	[tilespmem:s3+$0x10] =	vst v1  }
0x28: {  	[tilespmem:s3+$0x0] =	vst v1  }
0x29: {  	[tilespmem:s3+$0xFFFFFFF0] =	vst v1  }
0x2a: {  	[tilespmem:s0+$0xFFFFFFE0] =	vst v1  }
0x2b: {  	[tilespmem:s0+$0x10] =	vst v1  }
0x2c: {  	s3 =	simm.s32 $0x0;
	[tilespmem:s0+$0x0] =	vst v1  }
.LBB2_4:
0x2d: {  	s3 =	sadd.s32 $0x40, s3  }
0x2e: {  	[tilespmem:s0+$0xFFFFFFF0] =	vst v1;
	s0 =	sadd.s32 $0x40, s0;
	p0 =	slt.u32 s3, $0x3C0  }
.Ltmp3:
0x2f: {  	[tilespmem:s0+$0xFFFFFFE0] =	vst v1;
	(pc) =	sbr.rel @p0 .LBB2_4-.Ltmp3, $3  }
0x30: {  	_ =	sdelay $0x1  }
0x31: {  	[tilespmem:s0+$0x10] =	vst v1  }
0x32: {  	[tilespmem:s0+$0x0] =	vst v1  }
0x33: {  	v4 =	vnsel vm2, $0x0, v4  }
0x34: {  	(xrf0) =	vadd.scan.msk.s32 $0xffff, v4;
	v4 =	vnsel vm1, $0x0, v5  }
0x35: {  	(xrf0) =	vadd.scan.msk.s32 $0xffff, v4;
	_ =	sdelay $0x4  }
0x36: {  	v4, _, _ =	vpop (xrf0)  }
0x37: {  	(v2sf) =	vpush v4, $0xF;
	v4, _, _ =	vpop (xrf0)  }
0x38: {  	(v2sf) =	vpush v4, $0xF;
	_ =	sdelay $0xd  }
0x39: {  	s3 =	spop (v2sf)  }
0x3a: {  	[tilespmem:s0+$0xFFFFFFF0] =	vst v1;
	s25 =	spop (v2sf)  }
0x3b: {  	_ =	swait.ge [sflag:s10], $0x1000  }
0x3c: {  	s28 =	sadd.s32 $0xFFFFFF80, s18;
	[sflag:s10] =	ssyncset.done $0x0  }
0x3d: {  	s26 =	simm.s32 $0x40;
	s20 =	sadd.s32 $0xC0, s28;
	[sflag:s10] =	ssyncadd.s32 $0xFFFFF000  }
0x3e: {  	v3 =	vbroadcast v3, $0xF;
	s21 =	sadd.s32 $0xD0, s28;
	s22 =	sadd.s32 $0xF0, s28;
	s23 =	sadd.s32 $0x80, s28;
	v6 =	vadd.s32 s20, v0;
	v5 =	vld [tilespmem:s26+$0xFFFFFFE0]  }
0x3f: {  	s29 =	sadd.s32 $0xE0, s28;
	s30 =	sadd.s32 $0xA0, s28;
	v8 =	vadd.s32 s21, v0;
	v9 =	vadd.s32 s22, v0;
	v11 =	vadd.s32 s23, v0;
	s19 =	sadd.s32 s3, s25;
	v10 =	vld [tilespmem:s26+$0xFFFFFFC0]  }
0x40: {  	s31 =	sadd.s32 $0xB0, s28;
	v12 =	vadd.s32 s29, v0;
	v13 =	vadd.s32 s30, v0;
	v4 =	vmov s19;
	v14 =	vld [tilespmem:s26+$0x30]  }
0x41: {  	v7 =	vadd.s32 s31, v0;
	vm3 =	vlt.s32 v8, v3;
	vm4 =	vlt.s32 v8, v4;
	v8 =	vld [tilespmem:s26+$0x20]  }
0x42: {  	vm6 =	vlt.s32 v11, v3;
	vm8 =	vlt.s32 v6, v3;
	vm9 =	vlt.s32 v12, v3;
	s3 =	sadd.s32 $0x90, s28;
	v15 =	vld [tilespmem:s26+$0x0]  }
0x43: {  	vm12 =	vlt.s32 v9, v3;
	vm7 =	vlt.s32 v6, v4;
	v6 =	vadd.s32 s3, v0  }
0x44: {  	vm10 =	vlt.s32 v9, v4;
	vm11 =	vlt.s32 v12, v4;
	vm13 =	vlt.s32 v11, v4  }
0x45: {  	v16 =	vld [tilespmem:s26+$0xFFFFFFF0];
	vm5 =	vlt.s32 v6, v3;
	v9 =	vsel vm6, $0x0, v10;
	vm6 =	vlt.s32 v13, v3  }
0x46: {  	v12 =	vsel vm12, $0x0, v14;
	v8 =	vsel vm9, $0x0, v8;
	v5 =	vsel vm6, $0x0, v5  }
0x47: {  	vm6 =	vlt.s32 v13, v4;
	v10 =	vnsel vm13, $0x1FFFFF, v9;
	v9 =	vsel vm8, $0x0, v15  }
0x48: {  	v14 =	vnsel vm11, $0x1FFFFF, v8;
	v18 =	vnsel vm10, $0x1FFFFF, v12;
	v5 =	vnsel vm6, $0x1FFFFF, v5  }
0x49: {  	vm6 =	vlt.s32 v7, v3;
	v13 =	vnsel vm7, $0x1FFFFF, v9;
	v15 =	vand.u32 $0x7FF, v14  }
0x4a: {  	v12 =	vld [tilespmem:s26+$0xFFFFFFD0];
	v11 =	vsel vm6, $0x0, v16;
	v9 =	vand.u32 $0x7FF, v13;
	v16 =	vand.u32 $0x7FF, v18  }
0x4b: {  	s20 =	simm.s32 $0x0;
	s21 =	simm.s32 $0xC0;
	v17 =	vld [tilespmem:s26+$0x10];
	v8 =	vshra.s32 v13, $0xB;
	v13 =	vand.u32 $0x7FF, v10;
	v18 =	vshra.s32 v18, $0xB  }
.LBB2_6:
0x4c: {  	v19 =	vld [tilespmem:s21+$0xFFFFFFE0];
	s0 =	smov.u32 s20;
	s20 =	sadd.s32 $0x80, s20  }
0x4d: {  	vm6 =	vlt.s32 v7, v4;
	v7 =	vshra.s32 v14, $0xB;
	v20 =	vld [tilespmem:s21+$0xFFFFFFC0];
	p0 =	slt.u32 s20, $0xF80  }
0x4e: {  	v21 =	vand.u32 $0x7FF, v5;
	v11 =	vnsel vm6, $0x1FFFFF, v11;
	v14 =	vld [tilespmem:s21+$0x20]  }
0x4f: {  	v22 =	vand.u32 $0x7FF, v11;
	v12 =	vsel vm5, $0x0, v12;
	vm5 =	vlt.s32 v6, v4;
	[tilespmem:v16+s11+$0x0] =	vst.idx.add.s32.msk $0xffff, v2  }
0x50: {  	v6 =	vshra.s32 v10, $0xB;
	v10 =	vnsel vm5, $0x1FFFFF, v12;
	v12 =	vsel vm3, $0x0, v17;
	[tilespmem:v18+s12+$0x0] =	vst.idx.add.s32.msk $0xffff, v2  }
0x51: {  	v12 =	vnsel vm4, $0x1FFFFF, v12;
	[tilespmem:v15+s11+$0x0] =	vst.idx.add.s32.msk $0xffff, v2  }
0x52: {  	[tilespmem:v13+s11+$0x0] =	vst.idx.add.s32.msk $0xffff, v2  }
0x53: {  	v11 =	vshra.s32 v11, $0xB;
	v13 =	vld [tilespmem:s21+$0xFFFFFFF0]  }
0x54: {  	s0 =	sadd.s32 s0, s18;
	v15 =	vshra.s32 v12, $0xB;
	[tilespmem:v7+s12+$0x0] =	vst.idx.add.s32.msk $0xffff, v2  }
0x55: {  	s3 =	sadd.s32 $0xC0, s0;
	s22 =	sadd.s32 $0xD0, s0;
	s23 =	sadd.s32 $0xF0, s0;
	v17 =	vand.u32 $0x7FF, v10;
	v18 =	vshra.s32 v10, $0xB;
	v10 =	vand.u32 $0x7FF, v12;
	v16 =	vld [tilespmem:s21+$0x0]  }
0x56: {  	s24 =	sadd.s32 $0x80, s0;
	s25 =	sadd.s32 $0xB0, s0;
	v23 =	vadd.s32 s22, v0;
	v24 =	vadd.s32 s23, v0;
	v12 =	vadd.s32 s3, v0;
	s3 =	sadd.s32 $0xE0, s0;
	[tilespmem:v6+s12+$0x0] =	vst.idx.add.s32.msk $0xffff, v2  }
0x57: {  	v25 =	vadd.s32 s24, v0;
	s22 =	sadd.s32 $0xA0, s0;
	vm3 =	vlt.s32 v23, v3;
	v26 =	vadd.s32 s3, v0;
	[tilespmem:v9+s11+$0x0] =	vst.idx.add.s32.msk $0xffff, v2  }
0x58: {  	vm8 =	vlt.s32 v25, v3;
	vm6 =	vlt.s32 v12, v4;
	v9 =	vadd.s32 s22, v0;
	v27 =	vld [tilespmem:s21+$0x30]  }
0x59: {  	vm4 =	vlt.s32 v23, v4;
	s0 =	sadd.s32 $0x90, s0;
	vm9 =	vlt.s32 v12, v3;
	v7 =	vadd.s32 s25, v0;
	[tilespmem:v8+s12+$0x0] =	vst.idx.add.s32.msk $0xffff, v2  }
0x5a: {  	vm7 =	vlt.s32 v24, v4;
	vm10 =	vlt.s32 v26, v3;
	v6 =	vadd.s32 s0, v0;
	[tilespmem:v10+s11+$0x0] =	vst.idx.add.s32.msk $0xffff, v2  }
0x5b: {  	vm12 =	vlt.s32 v24, v3;
	vm11 =	vlt.s32 v26, v4;
	v8 =	vshra.s32 v5, $0xB;
	[tilespmem:v15+s12+$0x0] =	vst.idx.add.s32.msk $0xffff, v2  }
0x5c: {  	vm13 =	vlt.s32 v25, v4;
	vm5 =	vlt.s32 v6, v3;
	[tilespmem:v21+s11+$0x0] =	vst.idx.add.s32.msk $0xffff, v2  }
0x5d: {  	v5 =	vsel vm8, $0x0, v20;
	vm8 =	vlt.s32 v9, v3;
	v12 =	vsel vm12, $0x0, v27;
	[tilespmem:v22+s11+$0x0] =	vst.idx.add.s32.msk $0xffff, v2  }
0x5e: {  	v10 =	vnsel vm13, $0x1FFFFF, v5;
	v5 =	vsel vm8, $0x0, v19;
	vm8 =	vlt.s32 v9, v4;
	[tilespmem:v17+s11+$0x0] =	vst.idx.add.s32.msk $0xffff, v2  }
.Ltmp4:
0x5f: {  	v14 =	vsel vm10, $0x0, v14;
	v9 =	vsel vm9, $0x0, v16;
	v5 =	vnsel vm8, $0x1FFFFF, v5;
	[tilespmem:v11+s12+$0x0] =	vst.idx.add.s32.msk $0xffff, v2;
	(pc) =	sbr.rel @p0 .LBB2_6-.Ltmp4, $4  }
0x60: {  	v14 =	vnsel vm11, $0x1FFFFF, v14;
	vm8 =	vlt.s32 v7, v3;
	v15 =	vnsel vm6, $0x1FFFFF, v9;
	[tilespmem:v18+s12+$0x0] =	vst.idx.add.s32.msk $0xffff, v2  }
0x61: {  	v9 =	vand.u32 $0x7FF, v15;
	v11 =	vsel vm8, $0x0, v13;
	v18 =	vnsel vm7, $0x1FFFFF, v12;
	[tilespmem:v8+s12+$0x0] =	vst.idx.add.s32.msk $0xffff, v2  }
0x62: {  	v8 =	vshra.s32 v15, $0xB;
	v16 =	vand.u32 $0x7FF, v18;
	v12 =	vld [tilespmem:s21+$0xFFFFFFD0]  }
0x63: {  	v13 =	vand.u32 $0x7FF, v10;
	v15 =	vand.u32 $0x7FF, v14;
	v18 =	vshra.s32 v18, $0xB;
	v17 =	vld [tilespmem:s21+$0x10];
	s21 =	sadd.s32 $0x80, s21  }
0x64: {  	_ =	sdelay $0x3  }
0x65: {  	[tilespmem:v16+s11+$0x0] =	vst.idx.add.s32.msk $0xffff, v2  }
0x66: {  	v14 =	vshra.s32 v14, $0xB;
	[tilespmem:v15+s11+$0x0] =	vst.idx.add.s32.msk $0xffff, v2  }
0x67: {  	v10 =	vshra.s32 v10, $0xB;
	[tilespmem:v13+s11+$0x0] =	vst.idx.add.s32.msk $0xffff, v2  }
0x68: {  	[tilespmem:v9+s11+$0x0] =	vst.idx.add.s32.msk $0xffff, v2;
	v16 =	vsel vm3, $0x0, v17;
	vm3 =	vlt.s32 v7, v4;
	v7 =	vand.u32 $0x7FF, v5  }
0x69: {  	[tilespmem:v18+s12+$0x0] =	vst.idx.add.s32.msk $0xffff, v2;
	v5 =	vshra.s32 v5, $0xB;
	v16 =	vnsel vm4, $0x1FFFFF, v16  }
0x6a: {  	[tilespmem:v8+s12+$0x0] =	vst.idx.add.s32.msk $0xffff, v2;
	v11 =	vnsel vm3, $0x1FFFFF, v11;
	v13 =	vand.u32 $0x7FF, v16  }
0x6b: {  	v12 =	vsel vm5, $0x0, v12;
	[tilespmem:v14+s12+$0x0] =	vst.idx.add.s32.msk $0xffff, v2;
	vm3 =	vlt.s32 v6, v4;
	v6 =	vand.u32 $0x7FF, v11  }
0x6c: {  	[tilespmem:v10+s12+$0x0] =	vst.idx.add.s32.msk $0xffff, v2;
	v15 =	vshra.s32 v16, $0xB;
	v10 =	vnsel vm3, $0x1FFFFF, v12  }
0x6d: {  	v9 =	vand.u32 $0x7FF, v10;
	[tilespmem:v7+s11+$0x0] =	vst.idx.add.s32.msk $0xffff, v2  }
0x6e: {  	v8 =	vshra.s32 v11, $0xB;
	[tilespmem:v5+s12+$0x0] =	vst.idx.add.s32.msk $0xffff, v2  }
0x6f: {  	v10 =	vshra.s32 v10, $0xB;
	[tilespmem:v13+s11+$0x0] =	vst.idx.add.s32.msk $0xffff, v2  }
0x70: {  	[tilespmem:v6+s11+$0x0] =	vst.idx.add.s32.msk $0xffff, v2  }
0x71: {  	[tilespmem:v15+s12+$0x0] =	vst.idx.add.s32.msk $0xffff, v2  }
0x72: {  	[tilespmem:v9+s11+$0x0] =	vst.idx.add.s32.msk $0xffff, v2  }
0x73: {  	[tilespmem:v8+s12+$0x0] =	vst.idx.add.s32.msk $0xffff, v2  }
0x74: {  	s23 =	simm.s32 $0x0;
	[tilespmem:v10+s12+$0x0] =	vst.idx.add.s32.msk $0xffff, v2  }
0x75: {  	v10 =	vld [tilespmem:s23+$0x4000]  }
0x76: {  	v12 =	vld [tilespmem:s23+$0x4010]  }
0x77: {  	v13 =	vld [tilespmem:s23+$0x4020]  }
0x78: {  	s22 =	simm.s32 $0x40;
	v15 =	vld [tilespmem:s23+$0x4030]  }
0x79: {  	v9 =	vld [tilespmem:s22+$0x4000]  }
0x7a: {  	v16 =	vld [tilespmem:s22+$0x4010];
	(xrf0) =	vadd.scan.msk.s32 $0xffff, v10  }
0x7b: {  	v17 =	vld [tilespmem:s22+$0x4020];
	(xrf0) =	vadd.scan.msk.s32 $0xffff, v12  }
0x7c: {  	s20 =	simm.s32 $0x80;
	v22 =	vld [tilespmem:s22+$0x4030];
	(xrf0) =	vadd.scan.msk.s32 $0xffff, v13  }
0x7d: {  	v5 =	vld [tilespmem:s20+$0x4000];
	(xrf0) =	vadd.scan.msk.s32 $0xffff, v15  }
0x7e: {  	(xrf0) =	vadd.scan.msk.s32 $0xffff, v9  }
0x7f: {  	(xrf0) =	vadd.scan.msk.s32 $0xffff, v16  }
0x80: {  	v23, _, _ =	vpop (xrf0);
	(xrf0) =	vadd.scan.msk.s32 $0xffff, v17  }
0x81: {  	v18, _, _ =	vpop (xrf0);
	(v2sf) =	vpush v23, $0xF;
	(xrf0) =	vadd.scan.msk.s32 $0xffff, v22  }
0x82: {  	v19, _, _ =	vpop (xrf0);
	(v2sf) =	vpush v18, $0xF;
	(xrf0) =	vadd.scan.msk.s32 $0xffff, v5  }
0x83: {  	v21, _, _ =	vpop (xrf0);
	(v2sf) =	vpush v19, $0xF  }
0x84: {  	v14, _, _ =	vpop (xrf0);
	(v2sf) =	vpush v21, $0xF  }
0x85: {  	v6 =	vld [tilespmem:s20+$0x4010];
	v24, _, _ =	vpop (xrf0);
	(v2sf) =	vpush v14, $0xF  }
0x86: {  	v7 =	vld [tilespmem:s20+$0x4020];
	v20 =	vsub.s32 v18, v12;
	v12, _, _ =	vpop (xrf0);
	(v2sf) =	vpush v24, $0xF  }
0x87: {  	v63, _, _ =	vpop (xrf0);
	(v2sf) =	vpush v12, $0xF  }
0x88: {  	v11 =	vld [tilespmem:s20+$0x4030];
	v18 =	vsub.s32 v21, v15;
	(v2sf) =	vpush v63, $0xF;
	v21, _, _ =	vpop (xrf0)  }
0x89: {  	(v2sf) =	vpush v21, $0xF  }
0x8a: {  	s21 =	simm.s32 $0xC0;
	(xrf0) =	vadd.scan.msk.s32 $0xffff, v6  }
0x8b: {  	v8 =	vld [tilespmem:s21+$0x4000];
	(xrf0) =	vadd.scan.msk.s32 $0xffff, v7  }
0x8c: {  	v19 =	vsub.s32 v19, v13;
	v13 =	vld [tilespmem:s21+$0x4010]  }
0x8d: {  	(xrf0) =	vadd.scan.msk.s32 $0xffff, v11  }
0x8e: {  	s24 =	simm.s32 $0x0;
	s25 =	simm.s32 $0x400;
	s31 =	simm.s32 $0x500;
	v15 =	vsub.s32 v12, v17;
	v12 =	vld [tilespmem:s21+$0x4020]  }
0x8f: {  	s3 =	simm.s32 $0x400;
	s30 =	simm.s32 $0x0;
	s0 =	simm.s32 $0x0;
	v25 =	vsub.s32 s24, v10;
	v10 =	vld [tilespmem:s21+$0x4030]  }
0x90: {  	s29 =	simm.s32 $0x40;
	s28 =	simm.s32 $0x80;
	s26 =	simm.s32 $0xC0;
	v23 =	vadd.s32 v23, v25;
	v16 =	vsub.s32 v24, v16;
	v17 =	vsub.s32 v63, v22;
	(xrf0) =	vadd.scan.msk.s32 $0xffff, v8;
	v22, _, _ =	vpop (xrf0)  }
.LBB2_8:
0x91: {  	p0 =	sne.s32 s31, $0x1F00;
	(xrf0) =	vadd.scan.msk.s32 $0xffff, v13;
	v25, _, _ =	vpop (xrf0)  }
0x92: {  	s1 =	sshra.s32 s3, $0x2;
	v24 =	vsub.s32 v22, v6;
	(v2sf) =	vpush v22, $0xF;
	[tilespmem:s30+$0x4000] =	vst v23;
	s8 =	spop (v2sf);
	v6 =	vmovc v13;
	v23 =	vmovc v14;
	v14 =	vmov v21;
	s3 =	smov.u32 s31  }
0x93: {  	v26 =	vld [tilespmem:s1+$0x4000];
	(xrf0) =	vadd.scan.msk.s32 $0xffff, v12;
	v21 =	vsub.s32 v25, v7;
	v22, _, _ =	vpop (xrf0);
	(v2sf) =	vpush v25, $0xF;
	s0 =	sadd.s32 s0, s8;
	s8 =	spop (v2sf);
	v7 =	vmov v12  }
.Ltmp5:
0x94: {  	v13 =	vld [tilespmem:s1+$0x4010];
	(xrf0) =	vadd.scan.msk.s32 $0xffff, v10;
	v25 =	vsub.s32 v22, v11;
	(v2sf) =	vpush v22, $0xF;
	v27 =	vadd.s32 s0, v20;
	s0 =	sadd.s32 s8, s0;
	s8 =	spop (v2sf);
	v20 =	vmovc v16;
	(pc) =	sbr.rel @p0 .LBB2_8-.Ltmp5, $4  }
0x95: {  	v16 =	vmovc v24;
	v11 =	vmovc v10;
	v12 =	vld [tilespmem:s1+$0x4020];
	[tilespmem:s30+$0x4010] =	vst v27;
	v22 =	vadd.s32 s0, v19;
	s0 =	sadd.s32 s8, s0;
	s8 =	spop (v2sf);
	v19 =	vmov v15;
	v15 =	vmov v21  }
0x96: {  	v10 =	vld [tilespmem:s1+$0x4030];
	[tilespmem:s30+$0x4020] =	vst v22;
	v27 =	vadd.s32 s0, v18;
	s0 =	sadd.s32 s8, s0;
	v18 =	vmov v17;
	v17 =	vmov v25  }
0x97: {  	v21, _, _ =	vpop (xrf0);
	v24 =	vsub.s32 s0, v9;
	[tilespmem:s30+$0x4030] =	vst v27;
	v9 =	vmov v5;
	v5 =	vmov v8;
	s30 =	smov.u32 s29;
	s29 =	smov.u32 s28;
	s28 =	smov.u32 s26  }
0x98: {  	s31 =	sadd.s32 $0x100, s31;
	s26 =	smov.u32 s1;
	(xrf0) =	vadd.scan.msk.s32 $0xffff, v26;
	v22, _, _ =	vpop (xrf0);
	(v2sf) =	vpush v21, $0xF;
	v23 =	vadd.s32 v23, v24;
	v8 =	vmov v26  }
0x99: {  	s31 =	sshra.s32 s3, $0x2  }
0x9a: {  	v24 =	vld [tilespmem:s31+$0x4000]  }
0x9b: {  	(xrf0) =	vadd.scan.msk.s32 $0xffff, v13;
	v25 =	vld [tilespmem:s31+$0x4010]  }
0x9c: {  	(xrf0) =	vadd.scan.msk.s32 $0xffff, v12;
	v26 =	vld [tilespmem:s31+$0x4020]  }
0x9d: {  	(xrf0) =	vadd.scan.msk.s32 $0xffff, v10  }
0x9e: {  	v27, _, _ =	vpop (xrf0);
	(v2sf) =	vpush v22, $0xF  }
0x9f: {  	v28, _, _ =	vpop (xrf0);
	(v2sf) =	vpush v27, $0xF;
	(xrf0) =	vadd.scan.msk.s32 $0xffff, v24  }
0xa0: {  	(v2sf) =	vpush v28, $0xF;
	v29, _, _ =	vpop (xrf0);
	(xrf0) =	vadd.scan.msk.s32 $0xffff, v25  }
0xa1: {  	v30, _, _ =	vpop (xrf0);
	(v2sf) =	vpush v29, $0xF;
	(xrf0) =	vadd.scan.msk.s32 $0xffff, v26  }
0xa2: {  	v31, _, _ =	vpop (xrf0);
	(v2sf) =	vpush v30, $0xF  }
0xa3: {  	v32, _, _ =	vpop (xrf0);
	(v2sf) =	vpush v31, $0xF  }
0xa4: {  	s1 =	spop (v2sf);
	(v2sf) =	vpush v32, $0xF  }
0xa5: {  	s8 =	spop (v2sf);
	s0 =	sadd.s32 s0, s1;
	v33, _, _ =	vpop (xrf0)  }
0xa6: {  	s1 =	sadd.s32 s8, s0;
	s8 =	spop (v2sf);
	v34, _, _ =	vpop (xrf0);
	(v2sf) =	vpush v33, $0xF  }
0xa7: {  	[tilespmem:s30+$0x4000] =	vst v23;
	v20 =	vadd.s32 s0, v20;
	s0 =	sadd.s32 s8, s1;
	s8 =	spop (v2sf);
	v23, _, _ =	vpop (xrf0);
	(v2sf) =	vpush v34, $0xF  }
0xa8: {  	[tilespmem:s30+$0x4010] =	vst v20;
	v19 =	vadd.s32 s1, v19;
	s3 =	sadd.s32 s8, s0;
	s8 =	spop (v2sf);
	(v2sf) =	vpush v23, $0xF  }
0xa9: {  	v18 =	vadd.s32 s0, v18;
	[tilespmem:s30+$0x4020] =	vst v19;
	v9 =	vsub.s32 s3, v9;
	s3 =	sadd.s32 s3, s8;
	s8 =	spop (v2sf)  }
0xaa: {  	[tilespmem:s30+$0x4030] =	vst v18;
	v9 =	vadd.s32 v14, v9;
	s30 =	spop (v2sf);
	s1 =	sadd.s32 s8, s3  }
0xab: {  	[tilespmem:s29+$0x4000] =	vst v9;
	v9 =	vadd.s32 s3, v16;
	s8 =	spop (v2sf);
	s3 =	sadd.s32 s30, s1  }
0xac: {  	[tilespmem:s29+$0x4010] =	vst v9;
	v9 =	vld [tilespmem:s31+$0x4030];
	v14 =	vadd.s32 s1, v15;
	s0 =	sadd.s32 s8, s3;
	s30 =	spop (v2sf)  }
0xad: {  	[tilespmem:s29+$0x4020] =	vst v14;
	v14 =	vadd.s32 s3, v17;
	v5 =	vsub.s32 s0, v5;
	s0 =	sadd.s32 s0, s30;
	s8 =	spop (v2sf)  }
0xae: {  	v6 =	vsub.s32 v22, v6;
	[tilespmem:s29+$0x4030] =	vst v14;
	v5 =	vadd.s32 v21, v5;
	s1 =	sadd.s32 s8, s0;
	s30 =	spop (v2sf)  }
0xaf: {  	v7 =	vsub.s32 v27, v7;
	[tilespmem:s28+$0x4000] =	vst v5;
	v5 =	vadd.s32 s0, v6;
	s0 =	sadd.s32 s30, s1;
	s8 =	spop (v2sf)  }
0xb0: {  	v6 =	vsub.s32 v28, v11;
	[tilespmem:s28+$0x4010] =	vst v5;
	v5 =	vadd.s32 s1, v7;
	s29 =	sadd.s32 s8, s0;
	s30 =	spop (v2sf)  }
0xb1: {  	(xrf0) =	vadd.scan.msk.s32 $0xffff, v9;
	[tilespmem:s28+$0x4020] =	vst v5;
	v5 =	vadd.s32 s0, v6;
	v6 =	vsub.s32 s29, v8;
	s3 =	sadd.s32 s29, s30;
	s8 =	spop (v2sf)  }
0xb2: {  	v7 =	vsub.s32 v30, v13;
	[tilespmem:s28+$0x4030] =	vst v5;
	v5 =	vadd.s32 v29, v6;
	s1 =	sadd.s32 s8, s3;
	s28 =	spop (v2sf)  }
0xb3: {  	v6 =	vsub.s32 v31, v12;
	[tilespmem:s26+$0x4000] =	vst v5;
	v5 =	vadd.s32 s3, v7;
	s29 =	sadd.s32 s28, s1;
	s30 =	spop (v2sf)  }
0xb4: {  	v7 =	vsub.s32 v32, v10;
	[tilespmem:s26+$0x4010] =	vst v5;
	v5 =	vadd.s32 s1, v6;
	s8 =	sadd.s32 s30, s29  }
0xb5: {  	[tilespmem:s26+$0x4020] =	vst v5;
	v5 =	vadd.s32 s29, v7;
	v6 =	vsub.s32 s8, v24;
	s28 =	spop (v2sf)  }
0xb6: {  	v7 =	vsub.s32 v34, v25;
	[tilespmem:s26+$0x4030] =	vst v5;
	v5 =	vadd.s32 v33, v6;
	s0 =	sadd.s32 s8, s28;
	s29 =	spop (v2sf)  }
0xb7: {  	v8, _, _ =	vpop (xrf0);
	v6 =	vsub.s32 v23, v26;
	[tilespmem:s31+$0x4000] =	vst v5;
	v5 =	vadd.s32 s0, v7;
	s0 =	sadd.s32 s29, s0;
	s30 =	spop (v2sf)  }
0xb8: {  	v7 =	vsub.s32 v8, v9;
	[tilespmem:s31+$0x4010] =	vst v5;
	v5 =	vadd.s32 s0, v6;
	s0 =	sadd.s32 s30, s0  }
0xb9: {  	[tilespmem:s31+$0x4020] =	vst v5;
	v5 =	vadd.s32 s0, v7  }
0xba: {  	[tilespmem:s31+$0x4030] =	vst v5  }
0xbb: {  	v9 =	vld [tilespmem:s23+$0x4800]  }
0xbc: {  	v12 =	vld [tilespmem:s23+$0x4810]  }
0xbd: {  	v13 =	vld [tilespmem:s23+$0x4820]  }
0xbe: {  	v15 =	vld [tilespmem:s23+$0x4830]  }
0xbf: {  	v10 =	vld [tilespmem:s22+$0x4800]  }
0xc0: {  	(v2sf) =	vpush v8, $0xF;
	v16 =	vld [tilespmem:s22+$0x4810];
	(xrf0) =	vadd.scan.msk.s32 $0xffff, v9  }
0xc1: {  	v21 =	vld [tilespmem:s22+$0x4820];
	(xrf0) =	vadd.scan.msk.s32 $0xffff, v12  }
0xc2: {  	v22 =	vld [tilespmem:s22+$0x4830];
	(xrf0) =	vadd.scan.msk.s32 $0xffff, v13  }
0xc3: {  	v5 =	vld [tilespmem:s20+$0x4800];
	(xrf0) =	vadd.scan.msk.s32 $0xffff, v15  }
0xc4: {  	(xrf0) =	vadd.scan.msk.s32 $0xffff, v10  }
0xc5: {  	(xrf0) =	vadd.scan.msk.s32 $0xffff, v16  }
0xc6: {  	v23, _, _ =	vpop (xrf0);
	(xrf0) =	vadd.scan.msk.s32 $0xffff, v21  }
0xc7: {  	v17, _, _ =	vpop (xrf0);
	(v2sf) =	vpush v23, $0xF;
	(xrf0) =	vadd.scan.msk.s32 $0xffff, v22  }
0xc8: {  	v18, _, _ =	vpop (xrf0);
	(v2sf) =	vpush v17, $0xF;
	(xrf0) =	vadd.scan.msk.s32 $0xffff, v5  }
0xc9: {  	v61, _, _ =	vpop (xrf0);
	(v2sf) =	vpush v18, $0xF  }
0xca: {  	v14, _, _ =	vpop (xrf0);
	(v2sf) =	vpush v61, $0xF  }
0xcb: {  	v6 =	vld [tilespmem:s20+$0x4810];
	v62, _, _ =	vpop (xrf0);
	(v2sf) =	vpush v14, $0xF  }
0xcc: {  	v7 =	vld [tilespmem:s20+$0x4820];
	v20 =	vsub.s32 v17, v12;
	v12, _, _ =	vpop (xrf0);
	(v2sf) =	vpush v62, $0xF  }
0xcd: {  	v19 =	vsub.s32 v18, v13;
	v17 =	vsub.s32 v62, v16;
	v16, _, _ =	vpop (xrf0);
	(v2sf) =	vpush v12, $0xF  }
0xce: {  	v11 =	vld [tilespmem:s20+$0x4830];
	v18 =	vsub.s32 v61, v15;
	v15 =	vsub.s32 v12, v21;
	(v2sf) =	vpush v16, $0xF;
	v21, _, _ =	vpop (xrf0)  }
0xcf: {  	s31 =	spop (v2sf);
	(v2sf) =	vpush v21, $0xF  }
0xd0: {  	(xrf0) =	vadd.scan.msk.s32 $0xffff, v6  }
0xd1: {  	v8 =	vld [tilespmem:s21+$0x4800];
	(xrf0) =	vadd.scan.msk.s32 $0xffff, v7  }
0xd2: {  	v13 =	vld [tilespmem:s21+$0x4810]  }
0xd3: {  	(xrf0) =	vadd.scan.msk.s32 $0xffff, v11  }
0xd4: {  	v12 =	vld [tilespmem:s21+$0x4820]  }
0xd5: {  	v63 =	vsub.s32 s24, v9;
	v9 =	vld [tilespmem:s21+$0x4830]  }
0xd6: {  	s0 =	simm.s32 $0x500;
	v23 =	vadd.s32 v23, v63;
	v16 =	vsub.s32 v16, v22;
	(xrf0) =	vadd.scan.msk.s32 $0xffff, v8;
	v22, _, _ =	vpop (xrf0)  }
.LBB2_10:
0xd7: {  	p0 =	sne.s32 s0, $0xF00;
	(xrf0) =	vadd.scan.msk.s32 $0xffff, v13;
	v25, _, _ =	vpop (xrf0)  }
0xd8: {  	s1 =	sshra.s32 s25, $0x2;
	v24 =	vsub.s32 v22, v6;
	(v2sf) =	vpush v22, $0xF;
	[tilespmem:s23+$0x4800] =	vst v23;
	s3 =	spop (v2sf);
	v6 =	vmovc v13;
	v23 =	vmovc v14;
	v14 =	vmov v21;
	s25 =	smov.u32 s0  }
0xd9: {  	v26 =	vld [tilespmem:s1+$0x4800];
	(xrf0) =	vadd.scan.msk.s32 $0xffff, v12;
	v21 =	vsub.s32 v25, v7;
	v22, _, _ =	vpop (xrf0);
	(v2sf) =	vpush v25, $0xF;
	s3 =	sadd.s32 s24, s3;
	s8 =	spop (v2sf);
	v7 =	vmov v12  }
.Ltmp6:
0xda: {  	v13 =	vld [tilespmem:s1+$0x4810];
	(xrf0) =	vadd.scan.msk.s32 $0xffff, v9;
	v25 =	vsub.s32 v22, v11;
	(v2sf) =	vpush v22, $0xF;
	v27 =	vadd.s32 s3, v20;
	s3 =	sadd.s32 s8, s3;
	s8 =	spop (v2sf);
	v20 =	vmovc v17;
	(pc) =	sbr.rel @p0 .LBB2_10-.Ltmp6, $4  }
0xdb: {  	v17 =	vmovc v24;
	v11 =	vmovc v9;
	v12 =	vld [tilespmem:s1+$0x4820];
	[tilespmem:s23+$0x4810] =	vst v27;
	v22 =	vadd.s32 s3, v19;
	s3 =	sadd.s32 s8, s3;
	s8 =	spop (v2sf);
	v19 =	vmov v15;
	v15 =	vmov v21  }
0xdc: {  	v9 =	vld [tilespmem:s1+$0x4830];
	[tilespmem:s23+$0x4820] =	vst v22;
	v27 =	vadd.s32 s3, v18;
	s24 =	sadd.s32 s8, s3;
	v18 =	vmov v16;
	v16 =	vmov v25  }
0xdd: {  	v21, _, _ =	vpop (xrf0);
	v24 =	vsub.s32 s24, v10;
	[tilespmem:s23+$0x4830] =	vst v27;
	v10 =	vmov v5;
	v5 =	vmov v8;
	s23 =	smov.u32 s22;
	s22 =	smov.u32 s20;
	s20 =	smov.u32 s21  }
0xde: {  	s0 =	sadd.s32 $0x100, s0;
	s21 =	smov.u32 s1;
	(xrf0) =	vadd.scan.msk.s32 $0xffff, v26;
	v22, _, _ =	vpop (xrf0);
	(v2sf) =	vpush v21, $0xF;
	v23 =	vadd.s32 v23, v24;
	v8 =	vmov v26  }
0xdf: {  	s25 =	sshra.s32 s25, $0x2  }
0xe0: {  	v24 =	vld [tilespmem:s25+$0x4800]  }
0xe1: {  	(xrf0) =	vadd.scan.msk.s32 $0xffff, v13;
	v25 =	vld [tilespmem:s25+$0x4810]  }
0xe2: {  	(xrf0) =	vadd.scan.msk.s32 $0xffff, v12;
	v26 =	vld [tilespmem:s25+$0x4820]  }
0xe3: {  	(xrf0) =	vadd.scan.msk.s32 $0xffff, v9  }
0xe4: {  	v27, _, _ =	vpop (xrf0);
	(v2sf) =	vpush v22, $0xF  }
0xe5: {  	v28 =	vld [tilespmem:s25+$0x4830];
	v29, _, _ =	vpop (xrf0);
	(v2sf) =	vpush v27, $0xF;
	(xrf0) =	vadd.scan.msk.s32 $0xffff, v24  }
0xe6: {  	(v2sf) =	vpush v29, $0xF;
	v30, _, _ =	vpop (xrf0);
	(xrf0) =	vadd.scan.msk.s32 $0xffff, v25  }
0xe7: {  	v31, _, _ =	vpop (xrf0);
	(v2sf) =	vpush v30, $0xF;
	(xrf0) =	vadd.scan.msk.s32 $0xffff, v26  }
0xe8: {  	v32, _, _ =	vpop (xrf0);
	(v2sf) =	vpush v31, $0xF  }
0xe9: {  	v33, _, _ =	vpop (xrf0);
	(v2sf) =	vpush v32, $0xF  }
0xea: {  	s0 =	spop (v2sf);
	(xrf0) =	vadd.scan.msk.s32 $0xffff, v28;
	(v2sf) =	vpush v33, $0xF  }
0xeb: {  	s1 =	spop (v2sf);
	s0 =	sadd.s32 s24, s0;
	v34, _, _ =	vpop (xrf0)  }
0xec: {  	s1 =	sadd.s32 s1, s0;
	s3 =	spop (v2sf);
	v35, _, _ =	vpop (xrf0);
	(v2sf) =	vpush v34, $0xF  }
0xed: {  	[tilespmem:s23+$0x4800] =	vst v23;
	v20 =	vadd.s32 s0, v20;
	s8 =	sadd.s32 s3, s1;
	s24 =	spop (v2sf);
	v59, _, _ =	vpop (xrf0);
	(v2sf) =	vpush v35, $0xF  }
0xee: {  	[tilespmem:s23+$0x4810] =	vst v20;
	v19 =	vadd.s32 s1, v19;
	s26 =	sadd.s32 s24, s8;
	s28 =	spop (v2sf);
	(v2sf) =	vpush v59, $0xF  }
0xef: {  	v18 =	vadd.s32 s8, v18;
	[tilespmem:s23+$0x4820] =	vst v19;
	v10 =	vsub.s32 s26, v10;
	s29 =	sadd.s32 s26, s28;
	s30 =	spop (v2sf)  }
0xf0: {  	[tilespmem:s23+$0x4830] =	vst v18;
	v10 =	vadd.s32 v14, v10;
	s1 =	sadd.s32 s30, s29;
	s31 =	spop (v2sf);
	v60, _, _ =	vpop (xrf0)  }
0xf1: {  	v61 =	vadd.s32 s29, v17;
	[tilespmem:s22+$0x4800] =	vst v10;
	s8 =	spop (v2sf);
	s3 =	sadd.s32 s31, s1;
	(v2sf) =	vpush v60, $0xF  }
0xf2: {  	[tilespmem:s22+$0x4810] =	vst v61;
	v62 =	vadd.s32 s1, v15;
	s0 =	sadd.s32 s8, s3;
	s23 =	spop (v2sf)  }
0xf3: {  	[tilespmem:s22+$0x4820] =	vst v62;
	v63 =	vadd.s32 s3, v16;
	v5 =	vsub.s32 s0, v5;
	s24 =	spop (v2sf);
	s0 =	sadd.s32 s0, s23  }
0xf4: {  	v6 =	vsub.s32 v22, v6;
	[tilespmem:s22+$0x4830] =	vst v63;
	v5 =	vadd.s32 v21, v5;
	s1 =	sadd.s32 s24, s0;
	s26 =	spop (v2sf)  }
0xf5: {  	v7 =	vsub.s32 v27, v7;
	[tilespmem:s20+$0x4800] =	vst v5;
	v5 =	vadd.s32 s0, v6;
	s28 =	sadd.s32 s26, s1;
	s29 =	spop (v2sf)  }
0xf6: {  	v6 =	vsub.s32 v29, v11;
	[tilespmem:s20+$0x4810] =	vst v5;
	v5 =	vadd.s32 s1, v7;
	s30 =	sadd.s32 s29, s28;
	s31 =	spop (v2sf)  }
0xf7: {  	[tilespmem:s20+$0x4820] =	vst v5;
	v5 =	vadd.s32 s28, v6;
	v6 =	vsub.s32 s30, v8;
	s3 =	sadd.s32 s30, s31;
	s8 =	spop (v2sf)  }
0xf8: {  	v7 =	vsub.s32 v31, v13;
	[tilespmem:s20+$0x4830] =	vst v5;
	v5 =	vadd.s32 v30, v6;
	s1 =	sadd.s32 s8, s3;
	s22 =	spop (v2sf)  }
0xf9: {  	v6 =	vsub.s32 v32, v12;
	[tilespmem:s21+$0x4800] =	vst v5;
	v5 =	vadd.s32 s3, v7;
	s23 =	sadd.s32 s22, s1;
	s24 =	spop (v2sf)  }
0xfa: {  	v7 =	vsub.s32 v33, v9;
	[tilespmem:s21+$0x4810] =	vst v5;
	v5 =	vadd.s32 s1, v6;
	s26 =	sadd.s32 s24, s23  }
0xfb: {  	[tilespmem:s21+$0x4820] =	vst v5;
	v5 =	vadd.s32 s23, v7;
	v6 =	vsub.s32 s26, v24;
	s28 =	spop (v2sf)  }
0xfc: {  	v7 =	vsub.s32 v35, v25;
	[tilespmem:s21+$0x4830] =	vst v5;
	v5 =	vadd.s32 v34, v6;
	s0 =	sadd.s32 s26, s28;
	s29 =	spop (v2sf)  }
0xfd: {  	v6 =	vsub.s32 v59, v26;
	[tilespmem:s25+$0x4800] =	vst v5;
	v5 =	vadd.s32 s0, v7;
	s0 =	sadd.s32 s29, s0;
	s30 =	spop (v2sf)  }
0xfe: {  	v7 =	vsub.s32 v60, v28;
	[tilespmem:s25+$0x4810] =	vst v5;
	v5 =	vadd.s32 s0, v6;
	s0 =	sadd.s32 s30, s0  }
0xff: {  	s20 =	simm.s32 $0x0;
	[tilespmem:s25+$0x4820] =	vst v5;
	v5 =	vadd.s32 s0, v7  }
0x100: {  	s22 =	simm.s32 $0x0;
	s21 =	simm.s32 $0x40;
	s31 =	spop (v2sf);
	[tilespmem:s25+$0x4830] =	vst v5  }
.LBB2_12:
0x101: {  	v5 =	vld [tilespmem:s21+$0xFFFFFFC0];
	_ =	sdelay $0x1  }
0x102: {  	s23 =	sadd.s32 s22, s18  }
0x103: {  	v6 =	vadd.s32 s23, v0  }
0x104: {  	vm3 =	vlt.s32 v6, v3  }
0x105: {  	v5 =	vsel vm3, $0x0, v5;
	vm3 =	vlt.s32 v6, v4  }
0x106: {  	v5 =	vnsel vm3, $0x1FFFFF, v5  }
0x107: {  	v7 =	vand.u32 $0x7FF, v5  }
0x108: {  	(xrf1) =	vunique.msk.u32 $0xffff, v7;
	_ =	sdelay $0x5  }
0x109: {  	v8 =	vld [tilespmem:s21+$0xFFFFFFD0];
	_ =	sdelay $0x1  }
0x10a: {  	s0 =	sadd.s32 $0x10, s23  }
0x10b: {  	v9 =	vadd.s32 s0, v0  }
0x10c: {  	vm3 =	vlt.s32 v9, v3;
	v10 =	vld.idx.msk [tilespmem:v7+s11+$0x0], $0xffff  }
0x10d: {  	v8 =	vsel vm3, $0x0, v8;
	vm3 =	vlt.s32 v9, v4  }
0x10e: {  	v8 =	vnsel vm3, $0x1FFFFF, v8  }
0x10f: {  	v11 =	vand.u32 $0x7FF, v8  }
0x110: {  	_, v12, vm3 =	vpop (xrf1);
	(xrf1) =	vunique.msk.u32 $0xffff, v11  }
0x111: {  	v10 =	vadd.s32 v10, v12  }
0x112: {  	v13 =	vld [tilespmem:s21+$0xFFFFFFE0];
	v10 =	vadd.s32 $0xFFFFFFFF, v10  }
0x113: {  	v14 =	vld [tilespmem:s21+$0xFFFFFFF0]  }
0x114: {  	v15 =	vld [tilespmem:s21+$0x0]  }
0x115: {  	v16 =	vld [tilespmem:s21+$0x10]  }
0x116: {  	v17 =	vld [tilespmem:s21+$0x20]  }
0x117: {  	v18 =	vld [tilespmem:s21+$0x30];
	[tilespmem:v10+s13+$0x0] =	vst.idx.msk $0xffff, v5  }
0x118: {  	s25 =	sadd.s32 $0x20, s23;
	[tilespmem:v10+s14+$0x0] =	vst.idx.msk $0xffff, v6  }
0x119: {  	v5 =	vadd.s32 s25, v0;
	[tilespmem:v7+s11+$0x0] =	vst.idx.add.s32.msk vm3, v12  }
0x11a: {  	vm3 =	vlt.s32 v5, v3;
	v6 =	vld.idx.msk [tilespmem:v11+s11+$0x0], $0xffff  }
0x11b: {  	v7 =	vsel vm3, $0x0, v13;
	vm3 =	vlt.s32 v5, v4  }
0x11c: {  	v7 =	vnsel vm3, $0x1FFFFF, v7  }
0x11d: {  	v47 =	vand.u32 $0x7FF, v7  }
0x11e: {  	_, v48, vm3 =	vpop (xrf1);
	(xrf1) =	vunique.msk.u32 $0xffff, v47  }
0x11f: {  	v6 =	vadd.s32 v6, v48  }
0x120: {  	v6 =	vadd.s32 $0xFFFFFFFF, v6;
	_ =	sdelay $0x4  }
0x121: {  	[tilespmem:v6+s13+$0x0] =	vst.idx.msk $0xffff, v8  }
0x122: {  	s26 =	sadd.s32 $0x30, s23;
	[tilespmem:v6+s14+$0x0] =	vst.idx.msk $0xffff, v9  }
0x123: {  	v6 =	vadd.s32 s26, v0;
	[tilespmem:v11+s11+$0x0] =	vst.idx.add.s32.msk vm3, v48  }
0x124: {  	vm3 =	vlt.s32 v6, v3;
	v8 =	vld.idx.msk [tilespmem:v47+s11+$0x0], $0xffff  }
0x125: {  	v49 =	vsel vm3, $0x0, v14;
	vm3 =	vlt.s32 v6, v4  }
0x126: {  	v9 =	vnsel vm3, $0x1FFFFF, v49  }
0x127: {  	v50 =	vand.u32 $0x7FF, v9  }
0x128: {  	_, v51, vm3 =	vpop (xrf1);
	(xrf1) =	vunique.msk.u32 $0xffff, v50  }
0x129: {  	v8 =	vadd.s32 v8, v51  }
0x12a: {  	v8 =	vadd.s32 $0xFFFFFFFF, v8;
	_ =	sdelay $0x4  }
0x12b: {  	[tilespmem:v8+s13+$0x0] =	vst.idx.msk $0xffff, v7  }
0x12c: {  	s28 =	sadd.s32 $0x40, s23;
	[tilespmem:v8+s14+$0x0] =	vst.idx.msk $0xffff, v5  }
0x12d: {  	v5 =	vadd.s32 s28, v0;
	[tilespmem:v47+s11+$0x0] =	vst.idx.add.s32.msk vm3, v51  }
0x12e: {  	vm3 =	vlt.s32 v5, v3;
	v7 =	vld.idx.msk [tilespmem:v50+s11+$0x0], $0xffff  }
0x12f: {  	v52 =	vsel vm3, $0x0, v15;
	vm3 =	vlt.s32 v5, v4  }
0x130: {  	v8 =	vnsel vm3, $0x1FFFFF, v52  }
0x131: {  	v53 =	vand.u32 $0x7FF, v8  }
0x132: {  	_, v54, vm3 =	vpop (xrf1);
	(xrf1) =	vunique.msk.u32 $0xffff, v53  }
0x133: {  	v7 =	vadd.s32 v7, v54  }
0x134: {  	v7 =	vadd.s32 $0xFFFFFFFF, v7;
	_ =	sdelay $0x4  }
0x135: {  	[tilespmem:v7+s13+$0x0] =	vst.idx.msk $0xffff, v9  }
0x136: {  	s29 =	sadd.s32 $0x50, s23;
	[tilespmem:v7+s14+$0x0] =	vst.idx.msk $0xffff, v6  }
0x137: {  	v6 =	vadd.s32 s29, v0;
	[tilespmem:v50+s11+$0x0] =	vst.idx.add.s32.msk vm3, v54  }
0x138: {  	vm3 =	vlt.s32 v6, v3;
	v7 =	vld.idx.msk [tilespmem:v53+s11+$0x0], $0xffff  }
0x139: {  	v55 =	vsel vm3, $0x0, v16;
	vm3 =	vlt.s32 v6, v4  }
0x13a: {  	v9 =	vnsel vm3, $0x1FFFFF, v55  }
0x13b: {  	v56 =	vand.u32 $0x7FF, v9  }
0x13c: {  	_, v57, vm3 =	vpop (xrf1);
	(xrf1) =	vunique.msk.u32 $0xffff, v56  }
0x13d: {  	v7 =	vadd.s32 v7, v57  }
0x13e: {  	v7 =	vadd.s32 $0xFFFFFFFF, v7;
	_ =	sdelay $0x4  }
0x13f: {  	[tilespmem:v7+s13+$0x0] =	vst.idx.msk $0xffff, v8  }
0x140: {  	s30 =	sadd.s32 $0x60, s23;
	[tilespmem:v7+s14+$0x0] =	vst.idx.msk $0xffff, v5  }
0x141: {  	v5 =	vadd.s32 s30, v0;
	[tilespmem:v53+s11+$0x0] =	vst.idx.add.s32.msk vm3, v57  }
0x142: {  	vm3 =	vlt.s32 v5, v3;
	v7 =	vld.idx.msk [tilespmem:v56+s11+$0x0], $0xffff  }
0x143: {  	v58 =	vsel vm3, $0x0, v17;
	vm3 =	vlt.s32 v5, v4  }
0x144: {  	v8 =	vnsel vm3, $0x1FFFFF, v58  }
0x145: {  	v59 =	vand.u32 $0x7FF, v8  }
0x146: {  	_, v60, vm3 =	vpop (xrf1);
	(xrf1) =	vunique.msk.u32 $0xffff, v59  }
0x147: {  	v7 =	vadd.s32 v7, v60  }
0x148: {  	v7 =	vadd.s32 $0xFFFFFFFF, v7;
	_ =	sdelay $0x4  }
0x149: {  	[tilespmem:v7+s13+$0x0] =	vst.idx.msk $0xffff, v9  }
0x14a: {  	s31 =	sadd.s32 $0x70, s23;
	[tilespmem:v7+s14+$0x0] =	vst.idx.msk $0xffff, v6  }
0x14b: {  	v6 =	vadd.s32 s31, v0;
	[tilespmem:v56+s11+$0x0] =	vst.idx.add.s32.msk vm3, v60  }
0x14c: {  	vm3 =	vlt.s32 v6, v3;
	v7 =	vld.idx.msk [tilespmem:v59+s11+$0x0], $0xffff  }
0x14d: {  	v61 =	vsel vm3, $0x0, v18;
	vm3 =	vlt.s32 v6, v4  }
0x14e: {  	v9 =	vnsel vm3, $0x1FFFFF, v61  }
0x14f: {  	v62 =	vand.u32 $0x7FF, v9  }
0x150: {  	_, v63, vm3 =	vpop (xrf1);
	(xrf1) =	vunique.msk.u32 $0xffff, v62  }
0x151: {  	v7 =	vadd.s32 v7, v63  }
0x152: {  	v7 =	vadd.s32 $0xFFFFFFFF, v7;
	_ =	sdelay $0x4  }
0x153: {  	[tilespmem:v7+s13+$0x0] =	vst.idx.msk $0xffff, v8  }
0x154: {  	[tilespmem:v7+s14+$0x0] =	vst.idx.msk $0xffff, v5  }
0x155: {  	[tilespmem:v59+s11+$0x0] =	vst.idx.add.s32.msk vm3, v63  }
0x156: {  	v5 =	vld.idx.msk [tilespmem:v62+s11+$0x0], $0xffff;
	_ =	sdelay $0x3  }
0x157: {  	_, v7, vm3 =	vpop (xrf1)  }
0x158: {  	v5 =	vadd.s32 v5, v7  }
0x159: {  	v5 =	vadd.s32 $0xFFFFFFFF, v5;
	_ =	sdelay $0x1  }
0x15a: {  	p0 =	sne.s32 s22, $0xF80  }
.Ltmp7:
0x15b: {  	_ = 	snop;
	(pc) =	sbr.rel @p0 .LBB2_12-.Ltmp7, $4  }
0x15c: {  	_ = 	snop  }
0x15d: {  	[tilespmem:v5+s13+$0x0] =	vst.idx.msk $0xffff, v9  }
0x15e: {  	[tilespmem:v5+s14+$0x0] =	vst.idx.msk $0xffff, v6  }
0x15f: {  	s21 =	sadd.s32 $0x80, s21;
	s22 =	sadd.s32 $0x80, s22;
	[tilespmem:v62+s11+$0x0] =	vst.idx.add.s32.msk vm3, v7  }
.LBB2_13:
0x160: {  	s0 =	sshra.s32 s20, $0x2  }
0x161: {  	v3 =	vld [tilespmem:s0+$0x1000];
	_ =	sdelay $0x4  }
0x162: {  	v3 =	vshra.s32 v3, $0xB  }
0x163: {  	(xrf1) =	vunique.msk.u32 $0xffff, v3;
	_ =	sdelay $0x5  }
0x164: {  	v4 =	vld [tilespmem:s0+$0x2000]  }
0x165: {  	v5 =	vld [tilespmem:s0+$0x1010]  }
0x166: {  	v6 =	vld [tilespmem:s0+$0x2010]  }
0x167: {  	v7 =	vld [tilespmem:s0+$0x1020]  }
0x168: {  	v9 =	vld.idx.msk [tilespmem:v3+s12+$0x0], $0xffff  }
0x169: {  	v8 =	vld [tilespmem:s0+$0x2020]  }
0x16a: {  	v10 =	vld [tilespmem:s0+$0x1030];
	v5 =	vshra.s32 v5, $0xB  }
0x16b: {  	v11 =	vld [tilespmem:s0+$0x2030];
	(xrf1) =	vunique.msk.u32 $0xffff, v5  }
0x16c: {  	v12 =	vld [tilespmem:s0+$0x1040];
	_, v13, vm3 =	vpop (xrf1)  }
0x16d: {  	v14 =	vld [tilespmem:s0+$0x2040];
	v9 =	vadd.s32 v9, v13  }
0x16e: {  	v15 =	vld [tilespmem:s0+$0x1050];
	v9 =	vadd.s32 $0xFFFFFFFF, v9  }
0x16f: {  	v16 =	vld [tilespmem:s0+$0x2050]  }
0x170: {  	v17 =	vld [tilespmem:s0+$0x1060]  }
0x171: {  	v18 =	vld [tilespmem:s0+$0x2060]  }
0x172: {  	v19 =	vld [tilespmem:s0+$0x1070]  }
0x173: {  	v20 =	vld [tilespmem:s0+$0x2070];
	[tilespmem:v9+s15+$0x0] =	vst.idx.msk $0xffff, v4  }
0x174: {  	[tilespmem:v3+s12+$0x0] =	vst.idx.add.s32.msk vm3, v13  }
0x175: {  	v3 =	vld.idx.msk [tilespmem:v5+s12+$0x0], $0xffff;
	_ =	sdelay $0x1  }
0x176: {  	v56 =	vshra.s32 v7, $0xB  }
0x177: {  	(xrf1) =	vunique.msk.u32 $0xffff, v56  }
0x178: {  	_, v57, vm3 =	vpop (xrf1)  }
0x179: {  	v3 =	vadd.s32 v3, v57  }
0x17a: {  	v3 =	vadd.s32 $0xFFFFFFFF, v3;
	_ =	sdelay $0x4  }
0x17b: {  	[tilespmem:v3+s15+$0x0] =	vst.idx.msk $0xffff, v6  }
0x17c: {  	[tilespmem:v5+s12+$0x0] =	vst.idx.add.s32.msk vm3, v57  }
0x17d: {  	v3 =	vld.idx.msk [tilespmem:v56+s12+$0x0], $0xffff;
	_ =	sdelay $0x1  }
0x17e: {  	v58 =	vshra.s32 v10, $0xB  }
0x17f: {  	(xrf1) =	vunique.msk.u32 $0xffff, v58  }
0x180: {  	_, v59, vm3 =	vpop (xrf1)  }
0x181: {  	v3 =	vadd.s32 v3, v59  }
0x182: {  	v3 =	vadd.s32 $0xFFFFFFFF, v3;
	_ =	sdelay $0x4  }
0x183: {  	[tilespmem:v3+s15+$0x0] =	vst.idx.msk $0xffff, v8  }
0x184: {  	[tilespmem:v56+s12+$0x0] =	vst.idx.add.s32.msk vm3, v59  }
0x185: {  	v3 =	vld.idx.msk [tilespmem:v58+s12+$0x0], $0xffff;
	_ =	sdelay $0x1  }
0x186: {  	v60 =	vshra.s32 v12, $0xB  }
0x187: {  	(xrf1) =	vunique.msk.u32 $0xffff, v60  }
0x188: {  	_, v6, vm3 =	vpop (xrf1)  }
0x189: {  	v3 =	vadd.s32 v3, v6  }
0x18a: {  	v3 =	vadd.s32 $0xFFFFFFFF, v3;
	_ =	sdelay $0x4  }
0x18b: {  	[tilespmem:v3+s15+$0x0] =	vst.idx.msk $0xffff, v11  }
0x18c: {  	[tilespmem:v58+s12+$0x0] =	vst.idx.add.s32.msk vm3, v6  }
0x18d: {  	v3 =	vld.idx.msk [tilespmem:v60+s12+$0x0], $0xffff;
	_ =	sdelay $0x1  }
0x18e: {  	v61 =	vshra.s32 v15, $0xB  }
0x18f: {  	(xrf1) =	vunique.msk.u32 $0xffff, v61  }
0x190: {  	_, v6, vm3 =	vpop (xrf1)  }
0x191: {  	v3 =	vadd.s32 v3, v6  }
0x192: {  	v3 =	vadd.s32 $0xFFFFFFFF, v3;
	_ =	sdelay $0x4  }
0x193: {  	[tilespmem:v3+s15+$0x0] =	vst.idx.msk $0xffff, v14  }
0x194: {  	[tilespmem:v60+s12+$0x0] =	vst.idx.add.s32.msk vm3, v6  }
0x195: {  	v3 =	vld.idx.msk [tilespmem:v61+s12+$0x0], $0xffff;
	_ =	sdelay $0x1  }
0x196: {  	v62 =	vshra.s32 v17, $0xB  }
0x197: {  	(xrf1) =	vunique.msk.u32 $0xffff, v62  }
0x198: {  	_, v6, vm3 =	vpop (xrf1)  }
0x199: {  	v3 =	vadd.s32 v3, v6  }
0x19a: {  	v3 =	vadd.s32 $0xFFFFFFFF, v3;
	_ =	sdelay $0x4  }
0x19b: {  	[tilespmem:v3+s15+$0x0] =	vst.idx.msk $0xffff, v16  }
0x19c: {  	[tilespmem:v61+s12+$0x0] =	vst.idx.add.s32.msk vm3, v6  }
0x19d: {  	v3 =	vld.idx.msk [tilespmem:v62+s12+$0x0], $0xffff;
	_ =	sdelay $0x1  }
0x19e: {  	v63 =	vshra.s32 v19, $0xB  }
0x19f: {  	(xrf1) =	vunique.msk.u32 $0xffff, v63  }
0x1a0: {  	_, v6, vm3 =	vpop (xrf1)  }
0x1a1: {  	v3 =	vadd.s32 v3, v6  }
0x1a2: {  	v3 =	vadd.s32 $0xFFFFFFFF, v3;
	_ =	sdelay $0x4  }
0x1a3: {  	[tilespmem:v3+s15+$0x0] =	vst.idx.msk $0xffff, v18  }
0x1a4: {  	[tilespmem:v62+s12+$0x0] =	vst.idx.add.s32.msk vm3, v6  }
0x1a5: {  	v3 =	vld.idx.msk [tilespmem:v63+s12+$0x0], $0xffff;
	_ =	sdelay $0x3  }
0x1a6: {  	_, v4, vm3 =	vpop (xrf1)  }
0x1a7: {  	v3 =	vadd.s32 v3, v4  }
0x1a8: {  	v3 =	vadd.s32 $0xFFFFFFFF, v3  }
0x1a9: {  	p0 =	sne.s32 s20, $0x3E00  }
.Ltmp8:
0x1aa: {  	_ = 	snop;
	(pc) =	sbr.rel @p0 .LBB2_13-.Ltmp8, $3  }
0x1ab: {  	_ =	sdelay $0x1  }
0x1ac: {  	[tilespmem:v3+s15+$0x0] =	vst.idx.msk $0xffff, v20  }
0x1ad: {  	s20 =	sadd.s32 $0x200, s20;
	[tilespmem:v63+s12+$0x0] =	vst.idx.add.s32.msk vm3, v4  }
0x1ae: {  	s0 =	ssub.s32 s19, s17;
	p0 =	sne.s32 s19, s17;
	s1 =	simm.s32 $0x1  }
0x1af: {  	s3 =	sshra.s32 s0, $0x1F;
	s1 =	simm.s32 @!p0 $0x0  }
0x1b0: {  	s8 =	sand.u32 $0x7F, s0;
	s1 =	sor.u32 s1, s3  }
0x1b1: {  	p1 =	sne.s32 s8, $0x0;
	p6 =	sne.s32 s1, $0x1  }
0x1b2: {  	s31 =	sshrl.u32 s3, $0x19;
	p0 =	por !p1, !p6  }
0x1b3: {  	s0 =	sadd.s32 s31, s0;
	s1 =	simm.s32 $0x1;
	p0 =	por !p0, !p0  }
0x1b4: {  	s0 =	sshra.s32 s0, $0x7;
	s1 =	simm.s32 @!p0 $0x0  }
0x1b5: {  	s0 =	ssub.s32 s0, s1  }
0x1b6: {  	p0 =	slt.s32 s0, $0x1  }
.Ltmp9:
0x1b7: {  	_ = 	snop;
	(pc) =	sbr.rel @p0 .LBB2_20-.Ltmp9, $1  }
0x1b8: {  	_ =	sdelay $0x3  }
0x1b9: {  	p0 =	sne.s32 s0, $0x1  }
.Ltmp10:
0x1ba: {  	_ = 	snop;
	(pc) =	sbr.rel @!p0 .LBB2_17-.Ltmp10, $4  }
0x1bb: {  	s1 =	sadd.s32 s17, s6  }
0x1bc: {  	s3 =	ssub.s32 s17, s18;
	s17 =	sadd.s32 $0xFFFFFFFF, s0;
	s8 =	sshrl.u32 s1, $0x3  }
0x1bd: {  	s3 =	sadd.s32 $0x3000, s3;
	s18 =	sadd.s32 $0x80, s1;
	s8 =	sadd.s32 s5, s8  }
0x1be: {  	[hbm4b:s8+s2] =	stream.linear.scatter [tilespmem:s3], [sflag:$0x1], $0x80, $0x38;
	[tilespmem:$0x4C80] =	vst v63  }
.LBB2_16:
0x1bf: {  	s1 =	sshrl.u32 s18, $0x3;
	p1 =	sne.s32 s17, $0x1;
	s17 =	sadd.s32 $0xFFFFFFFF, s17  }
.Ltmp11:
0x1c0: {  	s3 =	sadd.s32 $0x80, s3;
	s1 =	sadd.s32 s5, s1;
	(pc) =	sbr.rel @p1 .LBB2_16-.Ltmp11, $3  }
0x1c1: {  	[hbm4b:s1+s2] =	stream.linear.scatter [tilespmem:s3], [sflag:$0x1], $0x80, $0x38;
	[tilespmem:$0x4C80] =	vst v63  }
0x1c2: {  	_ =	sdelay $0x1  }
0x1c3: {  	s18 =	sadd.s32 $0x80, s18  }
.LBB2_17:
.Ltmp12:
0x1c4: {  	(pc) =	sbr.rel @!p0 .LBB2_19-.Ltmp12, $3  }
0x1c5: {  	_ =	sdelay $0x1  }
0x1c6: {  	_ =	swait.ge [sflag:s10], $0x80  }
0x1c7: {  	s0 =	sadd.s32 $0xFFFFFFFF, s0;
	[sflag:s10] =	ssyncset.done $0x0  }
.LBB2_18:
0x1c8: {  	p0 =	sne.s32 s0, $0x1;
	s0 =	sadd.s32 $0xFFFFFFFF, s0;
	[sflag:s10] =	ssyncadd.s32 $0xFFFFFF80  }
.Ltmp13:
0x1c9: {  	(pc) =	sbr.rel @p0 .LBB2_18-.Ltmp13, $3  }
0x1ca: {  	_ =	sdelay $0x1  }
0x1cb: {  	_ =	swait.ge [sflag:s10], $0x80  }
0x1cc: {  	[sflag:s10] =	ssyncset.done $0x0  }
.Ltmp14:
0x1cd: {  	_ = 	snop;
	(pc) =	sbr.rel .LBB2_19-.Ltmp14, $1  }
0x1ce: {  	_ =	sdelay $0x3  }
.LBB2_21:
0x1cf: {  	_ =	sfence.sel $0x180000  }
0x1d0: {  	[bflag:$0x0] =	sbarrier.arrive $0xFFFF  }
0x1d1: {  	_ =	strace $0x90000047  }
0x1d2: {  	s0 =	stileid.u32;
	[bflag:$0x2] =	sbarrier.arrive $0xFFFF  }
0x1d3: {  	p0 =	sne.s32 s0, $0x0;
	s0 =	rddreg [dreg:$0x2]  }
0x1d4: {  	s0 =	sadd.s32 @!p0 $0x100000, s0  }
0x1d5: {  	[sflag:s0] =	ssyncadd.tile.s32 @!p0 $0x1;
	_ =	shalt  }
.Lfunc_end2:
_tile_overlayer_lowered:
.L_overlay_start_2:
0x1d6: {  	(tag) =	ssettag $0x2  }
0x1d7: {  	s0 =	rddreg [dreg:$0x0];
	s2 =	stileid.u32  }
0x1d8: {  	s1 =	rddreg [dreg:$0x1];
	p0 =	sne.s32 s2, $0x0  }
0x1d9: {  	s3 =	rddreg [dreg:$0x2];
	[bflag:$0x3] =	sbarrier.arrive $0xFFFF;
	s2 =	simm.s32 @!p0 $0x1C02  }
0x1da: {  	[timem:s3], [sflag:s2] =	dma.local @!p0 [hbm:s0], s1  }
0x1db: {  	s0 =	simm.s32 @!p0 $0x2  }
0x1dc: {  	_ =	swait.ge @!p0 [sflag:s0], s1  }
0x1dd: {  	s1 =	ssub.s32 @!p0 $0x0, s1;
	[sflag:s0] =	ssyncset.done @!p0 $0x0  }
0x1de: {  	[sflag:s0] =	ssyncadd.s32 @!p0 s1  }
0x1df: {  	[bflag:$0x3] =	sbarrier.arrive $0xFFFF  }
0x1e0: {  	_ =	shalt  }

</sc_bundles>
